<compile_context>
chip_gen: v7x
topology: tpu7x:2x2x1
jax: 0.10.2.dev20260603
libtpu: 0.0.44.dev20260713+nightly
codegen_flags: <defaults>
</compile_context>

<pallas_src>
import jax
import jax.numpy as jnp
from jax import lax
from jax.experimental import pallas as pl
from jax.experimental.pallas import tpu as pltpu
from jax.experimental.pallas import tpu_sc as plsc

_BATCH = 16384
_NC = 2
_NS = 16
_L = 16
_NW = _NC * _NS
_CHUNK = _BATCH // _NW

_VALUE_RANGE = 8.0
_A_RANGE = 3.0


def _sigmoid(x):
    return 1.0 / (1.0 + jnp.exp(-x))


def _body(stu_hbm, exer_hbm, theta_hbm, a_hbm, b_hbm, c_hbm, out_hbm,
          idx_s, idx_e, th_v, a_v, b_v, c_v, out_v, sem):
    wid = lax.axis_index("s") * _NC + lax.axis_index("c")
    base = wid * _CHUNK
    pltpu.sync_copy(stu_hbm.at[pl.ds(base, _CHUNK)], idx_s)
    pltpu.sync_copy(exer_hbm.at[pl.ds(base, _CHUNK)], idx_e)
    cp1 = pltpu.async_copy(theta_hbm.at[idx_s], th_v, sem)
    cp2 = pltpu.async_copy(a_hbm.at[idx_e], a_v, sem)
    cp3 = pltpu.async_copy(b_hbm.at[idx_e], b_v, sem)
    cp4 = pltpu.async_copy(c_hbm.at[idx_e], c_v, sem)
    cp1.wait()
    cp2.wait()
    cp3.wait()
    cp4.wait()
    for i in range(_CHUNK // _L):
        sl = pl.ds(i * _L, _L)
        th = _VALUE_RANGE * (_sigmoid(th_v[sl]) - 0.5)
        bb = _VALUE_RANGE * (_sigmoid(b_v[sl]) - 0.5)
        aa = _A_RANGE * _sigmoid(a_v[sl])
        cc = _sigmoid(c_v[sl])
        out_v[sl] = cc + (1.0 - cc) / (1.0 + jnp.exp(-1.702 * aa * (th - bb)))
    pltpu.sync_copy(out_v, out_hbm.at[pl.ds(base, _CHUNK)])


def kernel(stu_id, input_exercise, theta_w, a_w, b_w, c_w):
    mesh = plsc.VectorSubcoreMesh(
        core_axis_name="c", subcore_axis_name="s",
        num_cores=_NC, num_subcores=_NS)
    run = pl.kernel(
        _body,
        out_type=jax.ShapeDtypeStruct((_BATCH,), jnp.float32),
        mesh=mesh,
        scratch_types=[
            pltpu.VMEM((_CHUNK,), jnp.int32),
            pltpu.VMEM((_CHUNK,), jnp.int32),
            pltpu.VMEM((_CHUNK,), jnp.float32),
            pltpu.VMEM((_CHUNK,), jnp.float32),
            pltpu.VMEM((_CHUNK,), jnp.float32),
            pltpu.VMEM((_CHUNK,), jnp.float32),
            pltpu.VMEM((_CHUNK,), jnp.float32),
            pltpu.SemaphoreType.DMA,
        ],
    )
    return run(stu_id, input_exercise,
               theta_w.reshape(-1), a_w.reshape(-1),
               b_w.reshape(-1), c_w.reshape(-1))

# --- scband reference (transcript-rebuilt; emitter-appended) ---
"""Pipeline reference for scband-net-70643622085312 (READ-ONLY COPY).

The authoritative reference and input builder live on the scoring server;
editing this copy changes nothing except your own understanding.
"""

import jax, jax.numpy as jnp
import numpy as np

STUDENT_NUM = 1000000
EXER_N = 100000
VALUE_RANGE = 8
A_RANGE = 3
BATCH = 16384


def _xavier_normal(key, shape):
    fan_in, fan_out = shape[0], shape[1]
    std = float(np.sqrt(2.0 / (fan_in + fan_out)))
    return jax.random.normal(key, shape, dtype=jnp.float32) * std


def setup_inputs(seed: int = 0) -> dict:
    key = jax.random.key(seed)
    k1, k2, k3, k4, k5, k6 = jax.random.split(key, 6)
    stu_id = jax.random.randint(k1, (BATCH,), 0, STUDENT_NUM, dtype=jnp.int64 if jax.config.jax_enable_x64 else jnp.int32)
    input_exercise = jax.random.randint(k2, (BATCH,), 0, EXER_N, dtype=jnp.int64 if jax.config.jax_enable_x64 else jnp.int32)
    theta_w = _xavier_normal(k3, (STUDENT_NUM, 1))
    a_w = _xavier_normal(k4, (EXER_N, 1))
    b_w = _xavier_normal(k5, (EXER_N, 1))
    c_w = _xavier_normal(k6, (EXER_N, 1))
    return {"stu_id": stu_id, "input_exercise": input_exercise,
            "theta_w": theta_w, "a_w": a_w, "b_w": b_w, "c_w": c_w}


def reference(stu_id, input_exercise, theta_w, a_w, b_w, c_w):
    theta = jnp.squeeze(jnp.take(theta_w, stu_id, axis=0), axis=-1)
    a = jnp.squeeze(jnp.take(a_w, input_exercise, axis=0), axis=-1)
    b = jnp.squeeze(jnp.take(b_w, input_exercise, axis=0), axis=-1)
    c = jnp.squeeze(jnp.take(c_w, input_exercise, axis=0), axis=-1)
    c = jax.nn.sigmoid(c)
    theta = VALUE_RANGE * (jax.nn.sigmoid(theta) - 0.5)
    b = VALUE_RANGE * (jax.nn.sigmoid(b) - 0.5)
    if A_RANGE != 0:
        a = A_RANGE * jax.nn.sigmoid(a)
    else:
        a = jax.nn.softplus(a)
    return c + (1 - c) / (1 + jnp.exp(-1.702 * a * (theta - b)))

if __name__ == "__main__":
    import jax
    _d = setup_inputs()
    print(jax.jit(kernel)(*tuple(_d.values())))

</pallas_src>

<mosaic_0001>
#map = affine_map<(d0, d1) -> (0)>
module attributes {stable_mosaic.version = 14 : i64} {
  func.func @_body(%arg0: i32, %arg1: i32, %arg2: memref<16384xi32, #tpu.memory_space<hbm>>, %arg3: memref<16384xi32, #tpu.memory_space<hbm>>, %arg4: memref<1000000xf32, #tpu.memory_space<hbm>>, %arg5: memref<100000xf32, #tpu.memory_space<hbm>>, %arg6: memref<100000xf32, #tpu.memory_space<hbm>>, %arg7: memref<100000xf32, #tpu.memory_space<hbm>>, %arg8: memref<16384xf32, #tpu.memory_space<hbm>>, %arg9: memref<512xi32, #tpu.memory_space<vmem>>, %arg10: memref<512xi32, #tpu.memory_space<vmem>>, %arg11: memref<512xf32, #tpu.memory_space<vmem>>, %arg12: memref<512xf32, #tpu.memory_space<vmem>>, %arg13: memref<512xf32, #tpu.memory_space<vmem>>, %arg14: memref<512xf32, #tpu.memory_space<vmem>>, %arg15: memref<512xf32, #tpu.memory_space<vmem>>, %arg16: memref<!tpu.dma_semaphore, #tpu.memory_space<semaphore_mem>>) attributes {dimension_semantics = [#tpu.dimension_semantics<core_parallel>, #tpu.dimension_semantics<subcore_parallel>], iteration_bounds = array<i64: 2, 16>, scalar_prefetch = 0 : i64, scratch_operands = 8 : i64, tpu.core_type = #tpu.core_type<sc_vector_subcore>, window_params = [{transform_indices = #map}, {transform_indices = #map}, {transform_indices = #map}, {transform_indices = #map}, {transform_indices = #map}, {transform_indices = #map}, {transform_indices = #map}]} {
    %mul3A = arith.constant 2 : i32
    %mul3A_0 = arith.muli %arg1, %mul3A : i32
    %add3A = arith.addi %mul3A_0, %arg0 : i32
    %mul3A_1 = arith.constant 512 : i32
    %mul3A_2 = arith.muli %add3A, %mul3A_1 : i32
    "tpu.region"() ({
      %run_scoped3A = tpu.sem_alloc : memref<!tpu.dma_semaphore, #tpu.memory_space<semaphore_mem>>
      %dma_start3A_2731 = tpu.memref_slice %arg2[%mul3A_2] : memref<16384xi32, #tpu.memory_space<hbm>> -> memref<512xi32, #tpu.memory_space<hbm>>
      %dma_start3A_2732 = tpu.memref_slice %arg2[%mul3A_2] : memref<16384xi32, #tpu.memory_space<hbm>> -> memref<512xi32, #tpu.memory_space<hbm>>
      tpu.enqueue_dma source(%dma_start3A_2732 : memref<512xi32, #tpu.memory_space<hbm>>) target(%arg9 : memref<512xi32, #tpu.memory_space<vmem>>) target_semaphore(%run_scoped3A : memref<!tpu.dma_semaphore, #tpu.memory_space<semaphore_mem>>)
      %dma_wait3A_2733 = tpu.memref_slice %arg2[%mul3A_2] : memref<16384xi32, #tpu.memory_space<hbm>> -> memref<512xi32, #tpu.memory_space<hbm>>
      %dma_wait3A_2734 = tpu.memref_slice %arg2[%mul3A_2] : memref<16384xi32, #tpu.memory_space<hbm>> -> memref<512xi32, #tpu.memory_space<hbm>>
      tpu.wait_dma2 semaphore(%run_scoped3A : memref<!tpu.dma_semaphore, #tpu.memory_space<semaphore_mem>>) src(%dma_wait3A_2734 : memref<512xi32, #tpu.memory_space<hbm>>) dst(%arg9 : memref<512xi32, #tpu.memory_space<vmem>>)
      tpu.yield
    }) : () -> ()
    "tpu.region"() ({
      %run_scoped3A = tpu.sem_alloc : memref<!tpu.dma_semaphore, #tpu.memory_space<semaphore_mem>>
      %dma_start3A_2731 = tpu.memref_slice %arg3[%mul3A_2] : memref<16384xi32, #tpu.memory_space<hbm>> -> memref<512xi32, #tpu.memory_space<hbm>>
      %dma_start3A_2732 = tpu.memref_slice %arg3[%mul3A_2] : memref<16384xi32, #tpu.memory_space<hbm>> -> memref<512xi32, #tpu.memory_space<hbm>>
      tpu.enqueue_dma source(%dma_start3A_2732 : memref<512xi32, #tpu.memory_space<hbm>>) target(%arg10 : memref<512xi32, #tpu.memory_space<vmem>>) target_semaphore(%run_scoped3A : memref<!tpu.dma_semaphore, #tpu.memory_space<semaphore_mem>>)
      %dma_wait3A_2733 = tpu.memref_slice %arg3[%mul3A_2] : memref<16384xi32, #tpu.memory_space<hbm>> -> memref<512xi32, #tpu.memory_space<hbm>>
      %dma_wait3A_2734 = tpu.memref_slice %arg3[%mul3A_2] : memref<16384xi32, #tpu.memory_space<hbm>> -> memref<512xi32, #tpu.memory_space<hbm>>
      tpu.wait_dma2 semaphore(%run_scoped3A : memref<!tpu.dma_semaphore, #tpu.memory_space<semaphore_mem>>) src(%dma_wait3A_2734 : memref<512xi32, #tpu.memory_space<hbm>>) dst(%arg10 : memref<512xi32, #tpu.memory_space<vmem>>)
      tpu.yield
    }) : () -> ()
    %dma_start3A = arith.constant 0 : i32
    %dma_start3A_3 = tpu.memref_slice %arg4[%dma_start3A] : memref<1000000xf32, #tpu.memory_space<hbm>> -> memref<1000000xf32, #tpu.memory_space<hbm>>
    tpu.enqueue_indirect_dma source(%dma_start3A_3 : memref<1000000xf32, #tpu.memory_space<hbm>>) target(%arg11 : memref<512xf32, #tpu.memory_space<vmem>>) offsets(%arg9 : memref<512xi32, #tpu.memory_space<vmem>>) semaphore(%arg16 : memref<!tpu.dma_semaphore, #tpu.memory_space<semaphore_mem>>)
    %dma_start3A_4 = arith.constant 0 : i32
    %dma_start3A_5 = tpu.memref_slice %arg5[%dma_start3A_4] : memref<100000xf32, #tpu.memory_space<hbm>> -> memref<100000xf32, #tpu.memory_space<hbm>>
    tpu.enqueue_indirect_dma source(%dma_start3A_5 : memref<100000xf32, #tpu.memory_space<hbm>>) target(%arg12 : memref<512xf32, #tpu.memory_space<vmem>>) offsets(%arg10 : memref<512xi32, #tpu.memory_space<vmem>>) semaphore(%arg16 : memref<!tpu.dma_semaphore, #tpu.memory_space<semaphore_mem>>)
    %dma_start3A_6 = arith.constant 0 : i32
    %dma_start3A_7 = tpu.memref_slice %arg6[%dma_start3A_6] : memref<100000xf32, #tpu.memory_space<hbm>> -> memref<100000xf32, #tpu.memory_space<hbm>>
    tpu.enqueue_indirect_dma source(%dma_start3A_7 : memref<100000xf32, #tpu.memory_space<hbm>>) target(%arg13 : memref<512xf32, #tpu.memory_space<vmem>>) offsets(%arg10 : memref<512xi32, #tpu.memory_space<vmem>>) semaphore(%arg16 : memref<!tpu.dma_semaphore, #tpu.memory_space<semaphore_mem>>)
    %dma_start3A_8 = arith.constant 0 : i32
    %dma_start3A_9 = tpu.memref_slice %arg7[%dma_start3A_8] : memref<100000xf32, #tpu.memory_space<hbm>> -> memref<100000xf32, #tpu.memory_space<hbm>>
    tpu.enqueue_indirect_dma source(%dma_start3A_9 : memref<100000xf32, #tpu.memory_space<hbm>>) target(%arg14 : memref<512xf32, #tpu.memory_space<vmem>>) offsets(%arg10 : memref<512xi32, #tpu.memory_space<vmem>>) semaphore(%arg16 : memref<!tpu.dma_semaphore, #tpu.memory_space<semaphore_mem>>)
    %dma_wait3A = arith.constant 0 : i32
    %dma_wait3A_10 = tpu.memref_slice %arg4[%dma_wait3A] : memref<1000000xf32, #tpu.memory_space<hbm>> -> memref<1000000xf32, #tpu.memory_space<hbm>>
    tpu.wait_indirect_dma semaphore(%arg16 : memref<!tpu.dma_semaphore, #tpu.memory_space<semaphore_mem>>) src(%dma_wait3A_10 : memref<1000000xf32, #tpu.memory_space<hbm>>) dst(%arg11 : memref<512xf32, #tpu.memory_space<vmem>>)
    %dma_wait3A_11 = arith.constant 0 : i32
    %dma_wait3A_12 = tpu.memref_slice %arg5[%dma_wait3A_11] : memref<100000xf32, #tpu.memory_space<hbm>> -> memref<100000xf32, #tpu.memory_space<hbm>>
    tpu.wait_indirect_dma semaphore(%arg16 : memref<!tpu.dma_semaphore, #tpu.memory_space<semaphore_mem>>) src(%dma_wait3A_12 : memref<100000xf32, #tpu.memory_space<hbm>>) dst(%arg12 : memref<512xf32, #tpu.memory_space<vmem>>)
    %dma_wait3A_13 = arith.constant 0 : i32
    %dma_wait3A_14 = tpu.memref_slice %arg6[%dma_wait3A_13] : memref<100000xf32, #tpu.memory_space<hbm>> -> memref<100000xf32, #tpu.memory_space<hbm>>
    tpu.wait_indirect_dma semaphore(%arg16 : memref<!tpu.dma_semaphore, #tpu.memory_space<semaphore_mem>>) src(%dma_wait3A_14 : memref<100000xf32, #tpu.memory_space<hbm>>) dst(%arg13 : memref<512xf32, #tpu.memory_space<vmem>>)
    %dma_wait3A_15 = arith.constant 0 : i32
    %dma_wait3A_16 = tpu.memref_slice %arg7[%dma_wait3A_15] : memref<100000xf32, #tpu.memory_space<hbm>> -> memref<100000xf32, #tpu.memory_space<hbm>>
    tpu.wait_indirect_dma semaphore(%arg16 : memref<!tpu.dma_semaphore, #tpu.memory_space<semaphore_mem>>) src(%dma_wait3A_16 : memref<100000xf32, #tpu.memory_space<hbm>>) dst(%arg14 : memref<512xf32, #tpu.memory_space<vmem>>)
    %get3A = arith.constant 0 : index
    %get3A_17 = tpu.vector_load %arg11[%get3A] {strides = array<i32>} : memref<512xf32, #tpu.memory_space<vmem>>, vector<16xf32>,
    %get3A_18 = vector.shape_cast %get3A_17 : vector<16xf32> to vector<16xf32>
    %neg3A = arith.constant 0.000000e+00 : f32
    %neg3A_19 = vector.broadcast %neg3A : f32 to vector<16xf32>
    %neg3A_20 = arith.subf %neg3A_19, %get3A_18 : vector<16xf32>
    %exp3A = math.exp %neg3A_20 : vector<16xf32>
    %add3A_21 = arith.constant 1.000000e+00 : f32
    %add3A_22 = vector.broadcast %add3A_21 : f32 to vector<16xf32>
    %add3A_23 = arith.addf %add3A_22, %exp3A : vector<16xf32>
    %div3A = arith.constant 1.000000e+00 : f32
    %div3A_24 = vector.broadcast %div3A : f32 to vector<16xf32>
    %div3A_25 = arith.divf %div3A_24, %add3A_23 : vector<16xf32>
    %sub3A = arith.constant 5.000000e-01 : f32
    %sub3A_26 = vector.broadcast %sub3A : f32 to vector<16xf32>
    %sub3A_27 = arith.subf %div3A_25, %sub3A_26 : vector<16xf32>
    %mul3A_28 = arith.constant 8.000000e+00 : f32
    %mul3A_29 = vector.broadcast %mul3A_28 : f32 to vector<16xf32>
    %mul3A_30 = arith.mulf %mul3A_29, %sub3A_27 : vector<16xf32>
    %get3A_31 = arith.constant 0 : index
    %get3A_32 = tpu.vector_load %arg13[%get3A_31] {strides = array<i32>} : memref<512xf32, #tpu.memory_space<vmem>>, vector<16xf32>,
    %get3A_33 = vector.shape_cast %get3A_32 : vector<16xf32> to vector<16xf32>
    %neg3A_34 = arith.constant 0.000000e+00 : f32
    %neg3A_35 = vector.broadcast %neg3A_34 : f32 to vector<16xf32>
    %neg3A_36 = arith.subf %neg3A_35, %get3A_33 : vector<16xf32>
    %exp3A_37 = math.exp %neg3A_36 : vector<16xf32>
    %add3A_38 = arith.constant 1.000000e+00 : f32
    %add3A_39 = vector.broadcast %add3A_38 : f32 to vector<16xf32>
    %add3A_40 = arith.addf %add3A_39, %exp3A_37 : vector<16xf32>
    %div3A_41 = arith.constant 1.000000e+00 : f32
    %div3A_42 = vector.broadcast %div3A_41 : f32 to vector<16xf32>
    %div3A_43 = arith.divf %div3A_42, %add3A_40 : vector<16xf32>
    %sub3A_44 = arith.constant 5.000000e-01 : f32
    %sub3A_45 = vector.broadcast %sub3A_44 : f32 to vector<16xf32>
    %sub3A_46 = arith.subf %div3A_43, %sub3A_45 : vector<16xf32>
    %mul3A_47 = arith.constant 8.000000e+00 : f32
    %mul3A_48 = vector.broadcast %mul3A_47 : f32 to vector<16xf32>
    %mul3A_49 = arith.mulf %mul3A_48, %sub3A_46 : vector<16xf32>
    %get3A_50 = arith.constant 0 : index
    %get3A_51 = tpu.vector_load %arg12[%get3A_50] {strides = array<i32>} : memref<512xf32, #tpu.memory_space<vmem>>, vector<16xf32>,
    %get3A_52 = vector.shape_cast %get3A_51 : vector<16xf32> to vector<16xf32>
    %neg3A_53 = arith.constant 0.000000e+00 : f32
    %neg3A_54 = vector.broadcast %neg3A_53 : f32 to vector<16xf32>
    %neg3A_55 = arith.subf %neg3A_54, %get3A_52 : vector<16xf32>
    %exp3A_56 = math.exp %neg3A_55 : vector<16xf32>
    %add3A_57 = arith.constant 1.000000e+00 : f32
    %add3A_58 = vector.broadcast %add3A_57 : f32 to vector<16xf32>
    %add3A_59 = arith.addf %add3A_58, %exp3A_56 : vector<16xf32>
    %div3A_60 = arith.constant 1.000000e+00 : f32
    %div3A_61 = vector.broadcast %div3A_60 : f32 to vector<16xf32>
    %div3A_62 = arith.divf %div3A_61, %add3A_59 : vector<16xf32>
    %mul3A_63 = arith.constant 3.000000e+00 : f32
    %mul3A_64 = vector.broadcast %mul3A_63 : f32 to vector<16xf32>
    %mul3A_65 = arith.mulf %mul3A_64, %div3A_62 : vector<16xf32>
    %get3A_66 = arith.constant 0 : index
    %get3A_67 = tpu.vector_load %arg14[%get3A_66] {strides = array<i32>} : memref<512xf32, #tpu.memory_space<vmem>>, vector<16xf32>,
    %get3A_68 = vector.shape_cast %get3A_67 : vector<16xf32> to vector<16xf32>
    %neg3A_69 = arith.constant 0.000000e+00 : f32
    %neg3A_70 = vector.broadcast %neg3A_69 : f32 to vector<16xf32>
    %neg3A_71 = arith.subf %neg3A_70, %get3A_68 : vector<16xf32>
    %exp3A_72 = math.exp %neg3A_71 : vector<16xf32>
    %add3A_73 = arith.constant 1.000000e+00 : f32
    %add3A_74 = vector.broadcast %add3A_73 : f32 to vector<16xf32>
    %add3A_75 = arith.addf %add3A_74, %exp3A_72 : vector<16xf32>
    %div3A_76 = arith.constant 1.000000e+00 : f32
    %div3A_77 = vector.broadcast %div3A_76 : f32 to vector<16xf32>
    %div3A_78 = arith.divf %div3A_77, %add3A_75 : vector<16xf32>
    %sub3A_79 = arith.constant 1.000000e+00 : f32
    %sub3A_80 = vector.broadcast %sub3A_79 : f32 to vector<16xf32>
    %sub3A_81 = arith.subf %sub3A_80, %div3A_78 : vector<16xf32>
    %mul3A_82 = arith.constant -1.702000e+00 : f32
    %mul3A_83 = vector.broadcast %mul3A_82 : f32 to vector<16xf32>
    %mul3A_84 = arith.mulf %mul3A_83, %mul3A_65 : vector<16xf32>
    %sub3A_85 = arith.subf %mul3A_30, %mul3A_49 : vector<16xf32>
    %mul3A_86 = arith.mulf %mul3A_84, %sub3A_85 : vector<16xf32>
    %exp3A_87 = math.exp %mul3A_86 : vector<16xf32>
    %add3A_88 = arith.constant 1.000000e+00 : f32
    %add3A_89 = vector.broadcast %add3A_88 : f32 to vector<16xf32>
    %add3A_90 = arith.addf %add3A_89, %exp3A_87 : vector<16xf32>
    %div3A_91 = arith.divf %sub3A_81, %add3A_90 : vector<16xf32>
    %add3A_92 = arith.addf %div3A_78, %div3A_91 : vector<16xf32>
    %swap3A = arith.constant 0 : index
    %swap3A_93 = tpu.vector_load %arg15[%swap3A] {strides = array<i32>} : memref<512xf32, #tpu.memory_space<vmem>>, vector<16xf32>,
    %swap3A_94 = vector.shape_cast %swap3A_93 : vector<16xf32> to vector<16xf32>
    %swap3A_95 = vector.shape_cast %add3A_92 : vector<16xf32> to vector<16xf32>
    tpu.vector_store %arg15[%swap3A], %swap3A_95 {strides = array<i32>} : memref<512xf32, #tpu.memory_space<vmem>>, vector<16xf32>,
    %get3A_96 = arith.constant 16 : index
    %get3A_97 = tpu.vector_load %arg11[%get3A_96] {strides = array<i32>} : memref<512xf32, #tpu.memory_space<vmem>>, vector<16xf32>,
    %get3A_98 = vector.shape_cast %get3A_97 : vector<16xf32> to vector<16xf32>
    %neg3A_99 = arith.constant 0.000000e+00 : f32
    %neg3A_100 = vector.broadcast %neg3A_99 : f32 to vector<16xf32>
    %neg3A_101 = arith.subf %neg3A_100, %get3A_98 : vector<16xf32>
    %exp3A_102 = math.exp %neg3A_101 : vector<16xf32>
    %add3A_103 = arith.constant 1.000000e+00 : f32
    %add3A_104 = vector.broadcast %add3A_103 : f32 to vector<16xf32>
    %add3A_105 = arith.addf %add3A_104, %exp3A_102 : vector<16xf32>
    %div3A_106 = arith.constant 1.000000e+00 : f32
    %div3A_107 = vector.broadcast %div3A_106 : f32 to vector<16xf32>
    %div3A_108 = arith.divf %div3A_107, %add3A_105 : vector<16xf32>
    %sub3A_109 = arith.constant 5.000000e-01 : f32
    %sub3A_110 = vector.broadcast %sub3A_109 : f32 to vector<16xf32>
    %sub3A_111 = arith.subf %div3A_108, %sub3A_110 : vector<16xf32>
    %mul3A_112 = arith.constant 8.000000e+00 : f32
    %mul3A_113 = vector.broadcast %mul3A_112 : f32 to vector<16xf32>
    %mul3A_114 = arith.mulf %mul3A_113, %sub3A_111 : vector<16xf32>
    %get3A_115 = arith.constant 16 : index
    %get3A_116 = tpu.vector_load %arg13[%get3A_115] {strides = array<i32>} : memref<512xf32, #tpu.memory_space<vmem>>, vector<16xf32>,
    %get3A_117 = vector.shape_cast %get3A_116 : vector<16xf32> to vector<16xf32>
    %neg3A_118 = arith.constant 0.000000e+00 : f32
    %neg3A_119 = vector.broadcast %neg3A_118 : f32 to vector<16xf32>
    %neg3A_120 = arith.subf %neg3A_119, %get3A_117 : vector<16xf32>
    %exp3A_121 = math.exp %neg3A_120 : vector<16xf32>
    %add3A_122 = arith.constant 1.000000e+00 : f32
    %add3A_123 = vector.broadcast %add3A_122 : f32 to vector<16xf32>
    %add3A_124 = arith.addf %add3A_123, %exp3A_121 : vector<16xf32>
    %div3A_125 = arith.constant 1.000000e+00 : f32
    %div3A_126 = vector.broadcast %div3A_125 : f32 to vector<16xf32>
    %div3A_127 = arith.divf %div3A_126, %add3A_124 : vector<16xf32>
    %sub3A_128 = arith.constant 5.000000e-01 : f32
    %sub3A_129 = vector.broadcast %sub3A_128 : f32 to vector<16xf32>
    %sub3A_130 = arith.subf %div3A_127, %sub3A_129 : vector<16xf32>
    %mul3A_131 = arith.constant 8.000000e+00 : f32
    %mul3A_132 = vector.broadcast %mul3A_131 : f32 to vector<16xf32>
    %mul3A_133 = arith.mulf %mul3A_132, %sub3A_130 : vector<16xf32>
    %get3A_134 = arith.constant 16 : index
    %get3A_135 = tpu.vector_load %arg12[%get3A_134] {strides = array<i32>} : memref<512xf32, #tpu.memory_space<vmem>>, vector<16xf32>,
    %get3A_136 = vector.shape_cast %get3A_135 : vector<16xf32> to vector<16xf32>
    %neg3A_137 = arith.constant 0.000000e+00 : f32
    %neg3A_138 = vector.broadcast %neg3A_137 : f32 to vector<16xf32>
    %neg3A_139 = arith.subf %neg3A_138, %get3A_136 : vector<16xf32>
    %exp3A_140 = math.exp %neg3A_139 : vector<16xf32>
    %add3A_141 = arith.constant 1.000000e+00 : f32
    %add3A_142 = vector.broadcast %add3A_141 : f32 to vector<16xf32>
    %add3A_143 = arith.addf %add3A_142, %exp3A_140 : vector<16xf32>
    %div3A_144 = arith.constant 1.000000e+00 : f32
    %div3A_145 = vector.broadcast %div3A_144 : f32 to vector<16xf32>
    %div3A_146 = arith.divf %div3A_145, %add3A_143 : vector<16xf32>
    %mul3A_147 = arith.constant 3.000000e+00 : f32
    %mul3A_148 = vector.broadcast %mul3A_147 : f32 to vector<16xf32>
    %mul3A_149 = arith.mulf %mul3A_148, %div3A_146 : vector<16xf32>
    %get3A_150 = arith.constant 16 : index
    %get3A_151 = tpu.vector_load %arg14[%get3A_150] {strides = array<i32>} : memref<512xf32, #tpu.memory_space<vmem>>, vector<16xf32>,
    %get3A_152 = vector.shape_cast %get3A_151 : vector<16xf32> to vector<16xf32>
    %neg3A_153 = arith.constant 0.000000e+00 : f32
    %neg3A_154 = vector.broadcast %neg3A_153 : f32 to vector<16xf32>
    %neg3A_155 = arith.subf %neg3A_154, %get3A_152 : vector<16xf32>
    %exp3A_156 = math.exp %neg3A_155 : vector<16xf32>
    %add3A_157 = arith.constant 1.000000e+00 : f32
    %add3A_158 = vector.broadcast %add3A_157 : f32 to vector<16xf32>
    %add3A_159 = arith.addf %add3A_158, %exp3A_156 : vector<16xf32>
    %div3A_160 = arith.constant 1.000000e+00 : f32
    %div3A_161 = vector.broadcast %div3A_160 : f32 to vector<16xf32>
    %div3A_162 = arith.divf %div3A_161, %add3A_159 : vector<16xf32>
    %sub3A_163 = arith.constant 1.000000e+00 : f32
    %sub3A_164 = vector.broadcast %sub3A_163 : f32 to vector<16xf32>
    %sub3A_165 = arith.subf %sub3A_164, %div3A_162 : vector<16xf32>
    %mul3A_166 = arith.constant -1.702000e+00 : f32
    %mul3A_167 = vector.broadcast %mul3A_166 : f32 to vector<16xf32>
    %mul3A_168 = arith.mulf %mul3A_167, %mul3A_149 : vector<16xf32>
    %sub3A_169 = arith.subf %mul3A_114, %mul3A_133 : vector<16xf32>
    %mul3A_170 = arith.mulf %mul3A_168, %sub3A_169 : vector<16xf32>
    %exp3A_171 = math.exp %mul3A_170 : vector<16xf32>
    %add3A_172 = arith.constant 1.000000e+00 : f32
    %add3A_173 = vector.broadcast %add3A_172 : f32 to vector<16xf32>
    %add3A_174 = arith.addf %add3A_173, %exp3A_171 : vector<16xf32>
    %div3A_175 = arith.divf %sub3A_165, %add3A_174 : vector<16xf32>
    %add3A_176 = arith.addf %div3A_162, %div3A_175 : vector<16xf32>
    %swap3A_177 = arith.constant 16 : index
    %swap3A_178 = tpu.vector_load %arg15[%swap3A_177] {strides = array<i32>} : memref<512xf32, #tpu.memory_space<vmem>>, vector<16xf32>,
    %swap3A_179 = vector.shape_cast %swap3A_178 : vector<16xf32> to vector<16xf32>
    %swap3A_180 = vector.shape_cast %add3A_176 : vector<16xf32> to vector<16xf32>
    tpu.vector_store %arg15[%swap3A_177], %swap3A_180 {strides = array<i32>} : memref<512xf32, #tpu.memory_space<vmem>>, vector<16xf32>,
    %get3A_181 = arith.constant 32 : index
    %get3A_182 = tpu.vector_load %arg11[%get3A_181] {strides = array<i32>} : memref<512xf32, #tpu.memory_space<vmem>>, vector<16xf32>,
    %get3A_183 = vector.shape_cast %get3A_182 : vector<16xf32> to vector<16xf32>
    %neg3A_184 = arith.constant 0.000000e+00 : f32
    %neg3A_185 = vector.broadcast %neg3A_184 : f32 to vector<16xf32>
    %neg3A_186 = arith.subf %neg3A_185, %get3A_183 : vector<16xf32>
    %exp3A_187 = math.exp %neg3A_186 : vector<16xf32>
    %add3A_188 = arith.constant 1.000000e+00 : f32
    %add3A_189 = vector.broadcast %add3A_188 : f32 to vector<16xf32>
    %add3A_190 = arith.addf %add3A_189, %exp3A_187 : vector<16xf32>
    %div3A_191 = arith.constant 1.000000e+00 : f32
    %div3A_192 = vector.broadcast %div3A_191 : f32 to vector<16xf32>
    %div3A_193 = arith.divf %div3A_192, %add3A_190 : vector<16xf32>
    %sub3A_194 = arith.constant 5.000000e-01 : f32
    %sub3A_195 = vector.broadcast %sub3A_194 : f32 to vector<16xf32>
    %sub3A_196 = arith.subf %div3A_193, %sub3A_195 : vector<16xf32>
    %mul3A_197 = arith.constant 8.000000e+00 : f32
    %mul3A_198 = vector.broadcast %mul3A_197 : f32 to vector<16xf32>
    %mul3A_199 = arith.mulf %mul3A_198, %sub3A_196 : vector<16xf32>
    %get3A_200 = arith.constant 32 : index
    %get3A_201 = tpu.vector_load %arg13[%get3A_200] {strides = array<i32>} : memref<512xf32, #tpu.memory_space<vmem>>, vector<16xf32>,
    %get3A_202 = vector.shape_cast %get3A_201 : vector<16xf32> to vector<16xf32>
    %neg3A_203 = arith.constant 0.000000e+00 : f32
    %neg3A_204 = vector.broadcast %neg3A_203 : f32 to vector<16xf32>
    %neg3A_205 = arith.subf %neg3A_204, %get3A_202 : vector<16xf32>
    %exp3A_206 = math.exp %neg3A_205 : vector<16xf32>
    %add3A_207 = arith.constant 1.000000e+00 : f32
    %add3A_208 = vector.broadcast %add3A_207 : f32 to vector<16xf32>
    %add3A_209 = arith.addf %add3A_208, %exp3A_206 : vector<16xf32>
    %div3A_210 = arith.constant 1.000000e+00 : f32
    %div3A_211 = vector.broadcast %div3A_210 : f32 to vector<16xf32>
    %div3A_212 = arith.divf %div3A_211, %add3A_209 : vector<16xf32>
    %sub3A_213 = arith.constant 5.000000e-01 : f32
    %sub3A_214 = vector.broadcast %sub3A_213 : f32 to vector<16xf32>
    %sub3A_215 = arith.subf %div3A_212, %sub3A_214 : vector<16xf32>
    %mul3A_216 = arith.constant 8.000000e+00 : f32
    %mul3A_217 = vector.broadcast %mul3A_216 : f32 to vector<16xf32>
    %mul3A_218 = arith.mulf %mul3A_217, %sub3A_215 : vector<16xf32>
    %get3A_219 = arith.constant 32 : index
    %get3A_220 = tpu.vector_load %arg12[%get3A_219] {strides = array<i32>} : memref<512xf32, #tpu.memory_space<vmem>>, vector<16xf32>,
    %get3A_221 = vector.shape_cast %get3A_220 : vector<16xf32> to vector<16xf32>
    %neg3A_222 = arith.constant 0.000000e+00 : f32
    %neg3A_223 = vector.broadcast %neg3A_222 : f32 to vector<16xf32>
    %neg3A_224 = arith.subf %neg3A_223, %get3A_221 : vector<16xf32>
    %exp3A_225 = math.exp %neg3A_224 : vector<16xf32>
    %add3A_226 = arith.constant 1.000000e+00 : f32
    %add3A_227 = vector.broadcast %add3A_226 : f32 to vector<16xf32>
    %add3A_228 = arith.addf %add3A_227, %exp3A_225 : vector<16xf32>
    %div3A_229 = arith.constant 1.000000e+00 : f32
    %div3A_230 = vector.broadcast %div3A_229 : f32 to vector<16xf32>
    %div3A_231 = arith.divf %div3A_230, %add3A_228 : vector<16xf32>
    %mul3A_232 = arith.constant 3.000000e+00 : f32
    %mul3A_233 = vector.broadcast %mul3A_232 : f32 to vector<16xf32>
    %mul3A_234 = arith.mulf %mul3A_233, %div3A_231 : vector<16xf32>
    %get3A_235 = arith.constant 32 : index
    %get3A_236 = tpu.vector_load %arg14[%get3A_235] {strides = array<i32>} : memref<512xf32, #tpu.memory_space<vmem>>, vector<16xf32>,
    %get3A_237 = vector.shape_cast %get3A_236 : vector<16xf32> to vector<16xf32>
    %neg3A_238 = arith.constant 0.000000e+00 : f32
    %neg3A_239 = vector.broadcast %neg3A_238 : f32 to vector<16xf32>
    %neg3A_240 = arith.subf %neg3A_239, %get3A_237 : vector<16xf32>
    %exp3A_241 = math.exp %neg3A_240 : vector<16xf32>
    %add3A_242 = arith.constant 1.000000e+00 : f32
    %add3A_243 = vector.broadcast %add3A_242 : f32 to vector<16xf32>
    %add3A_244 = arith.addf %add3A_243, %exp3A_241 : vector<16xf32>
    %div3A_245 = arith.constant 1.000000e+00 : f32
    %div3A_246 = vector.broadcast %div3A_245 : f32 to vector<16xf32>
    %div3A_247 = arith.divf %div3A_246, %add3A_244 : vector<16xf32>
    %sub3A_248 = arith.constant 1.000000e+00 : f32
    %sub3A_249 = vector.broadcast %sub3A_248 : f32 to vector<16xf32>
    %sub3A_250 = arith.subf %sub3A_249, %div3A_247 : vector<16xf32>
    %mul3A_251 = arith.constant -1.702000e+00 : f32
    %mul3A_252 = vector.broadcast %mul3A_251 : f32 to vector<16xf32>
    %mul3A_253 = arith.mulf %mul3A_252, %mul3A_234 : vector<16xf32>
    %sub3A_254 = arith.subf %mul3A_199, %mul3A_218 : vector<16xf32>
    %mul3A_255 = arith.mulf %mul3A_253, %sub3A_254 : vector<16xf32>
    %exp3A_256 = math.exp %mul3A_255 : vector<16xf32>
    %add3A_257 = arith.constant 1.000000e+00 : f32
    %add3A_258 = vector.broadcast %add3A_257 : f32 to vector<16xf32>
    %add3A_259 = arith.addf %add3A_258, %exp3A_256 : vector<16xf32>
    %div3A_260 = arith.divf %sub3A_250, %add3A_259 : vector<16xf32>
    %add3A_261 = arith.addf %div3A_247, %div3A_260 : vector<16xf32>
    %swap3A_262 = arith.constant 32 : index
    %swap3A_263 = tpu.vector_load %arg15[%swap3A_262] {strides = array<i32>} : memref<512xf32, #tpu.memory_space<vmem>>, vector<16xf32>,
    %swap3A_264 = vector.shape_cast %swap3A_263 : vector<16xf32> to vector<16xf32>
    %swap3A_265 = vector.shape_cast %add3A_261 : vector<16xf32> to vector<16xf32>
    tpu.vector_store %arg15[%swap3A_262], %swap3A_265 {strides = array<i32>} : memref<512xf32, #tpu.memory_space<vmem>>, vector<16xf32>,
    %get3A_266 = arith.constant 48 : index
    %get3A_267 = tpu.vector_load %arg11[%get3A_266] {strides = array<i32>} : memref<512xf32, #tpu.memory_space<vmem>>, vector<16xf32>,
    %get3A_268 = vector.shape_cast %get3A_267 : vector<16xf32> to vector<16xf32>
    %neg3A_269 = arith.constant 0.000000e+00 : f32
    %neg3A_270 = vector.broadcast %neg3A_269 : f32 to vector<16xf32>
    %neg3A_271 = arith.subf %neg3A_270, %get3A_268 : vector<16xf32>
    %exp3A_272 = math.exp %neg3A_271 : vector<16xf32>
    %add3A_273 = arith.constant 1.000000e+00 : f32
    %add3A_274 = vector.broadcast %add3A_273 : f32 to vector<16xf32>
    %add3A_275 = arith.addf %add3A_274, %exp3A_272 : vector<16xf32>
    %div3A_276 = arith.constant 1.000000e+00 : f32
    %div3A_277 = vector.broadcast %div3A_276 : f32 to vector<16xf32>
    %div3A_278 = arith.divf %div3A_277, %add3A_275 : vector<16xf32>
    %sub3A_279 = arith.constant 5.000000e-01 : f32
    %sub3A_280 = vector.broadcast %sub3A_279 : f32 to vector<16xf32>
    %sub3A_281 = arith.subf %div3A_278, %sub3A_280 : vector<16xf32>
    %mul3A_282 = arith.constant 8.000000e+00 : f32
    %mul3A_283 = vector.broadcast %mul3A_282 : f32 to vector<16xf32>
    %mul3A_284 = arith.mulf %mul3A_283, %sub3A_281 : vector<16xf32>
    %get3A_285 = arith.constant 48 : index
    %get3A_286 = tpu.vector_load %arg13[%get3A_285] {strides = array<i32>} : memref<512xf32, #tpu.memory_space<vmem>>, vector<16xf32>,
    %get3A_287 = vector.shape_cast %get3A_286 : vector<16xf32> to vector<16xf32>
    %neg3A_288 = arith.constant 0.000000e+00 : f32
    %neg3A_289 = vector.broadcast %neg3A_288 : f32 to vector<16xf32>
    %neg3A_290 = arith.subf %neg3A_289, %get3A_287 : vector<16xf32>
    %exp3A_291 = math.exp %neg3A_290 : vector<16xf32>
    %add3A_292 = arith.constant 1.000000e+00 : f32
    %add3A_293 = vector.broadcast %add3A_292 : f32 to vector<16xf32>
    %add3A_294 = arith.addf %add3A_293, %exp3A_291 : vector<16xf32>
    %div3A_295 = arith.constant 1.000000e+00 : f32
    %div3A_296 = vector.broadcast %div3A_295 : f32 to vector<16xf32>
    %div3A_297 = arith.divf %div3A_296, %add3A_294 : vector<16xf32>
    %sub3A_298 = arith.constant 5.000000e-01 : f32
    %sub3A_299 = vector.broadcast %sub3A_298 : f32 to vector<16xf32>
    %sub3A_300 = arith.subf %div3A_297, %sub3A_299 : vector<16xf32>
    %mul3A_301 = arith.constant 8.000000e+00 : f32
    %mul3A_302 = vector.broadcast %mul3A_301 : f32 to vector<16xf32>
    %mul3A_303 = arith.mulf %mul3A_302, %sub3A_300 : vector<16xf32>
    %get3A_304 = arith.constant 48 : index
    %get3A_305 = tpu.vector_load %arg12[%get3A_304] {strides = array<i32>} : memref<512xf32, #tpu.memory_space<vmem>>, vector<16xf32>,
    %get3A_306 = vector.shape_cast %get3A_305 : vector<16xf32> to vector<16xf32>
    %neg3A_307 = arith.constant 0.000000e+00 : f32
    %neg3A_308 = vector.broadcast %neg3A_307 : f32 to vector<16xf32>
    %neg3A_309 = arith.subf %neg3A_308, %get3A_306 : vector<16xf32>
    %exp3A_310 = math.exp %neg3A_309 : vector<16xf32>
    %add3A_311 = arith.constant 1.000000e+00 : f32
    %add3A_312 = vector.broadcast %add3A_311 : f32 to vector<16xf32>
    %add3A_313 = arith.addf %add3A_312, %exp3A_310 : vector<16xf32>
    %div3A_314 = arith.constant 1.000000e+00 : f32
    %div3A_315 = vector.broadcast %div3A_314 : f32 to vector<16xf32>
    %div3A_316 = arith.divf %div3A_315, %add3A_313 : vector<16xf32>
    %mul3A_317 = arith.constant 3.000000e+00 : f32
    %mul3A_318 = vector.broadcast %mul3A_317 : f32 to vector<16xf32>
    %mul3A_319 = arith.mulf %mul3A_318, %div3A_316 : vector<16xf32>
    %get3A_320 = arith.constant 48 : index
    %get3A_321 = tpu.vector_load %arg14[%get3A_320] {strides = array<i32>} : memref<512xf32, #tpu.memory_space<vmem>>, vector<16xf32>,
    %get3A_322 = vector.shape_cast %get3A_321 : vector<16xf32> to vector<16xf32>
    %neg3A_323 = arith.constant 0.000000e+00 : f32
    %neg3A_324 = vector.broadcast %neg3A_323 : f32 to vector<16xf32>
    %neg3A_325 = arith.subf %neg3A_324, %get3A_322 : vector<16xf32>
    %exp3A_326 = math.exp %neg3A_325 : vector<16xf32>
    %add3A_327 = arith.constant 1.000000e+00 : f32
    %add3A_328 = vector.broadcast %add3A_327 : f32 to vector<16xf32>
    %add3A_329 = arith.addf %add3A_328, %exp3A_326 : vector<16xf32>
    %div3A_330 = arith.constant 1.000000e+00 : f32
    %div3A_331 = vector.broadcast %div3A_330 : f32 to vector<16xf32>
    %div3A_332 = arith.divf %div3A_331, %add3A_329 : vector<16xf32>
    %sub3A_333 = arith.constant 1.000000e+00 : f32
    %sub3A_334 = vector.broadcast %sub3A_333 : f32 to vector<16xf32>
    %sub3A_335 = arith.subf %sub3A_334, %div3A_332 : vector<16xf32>
    %mul3A_336 = arith.constant -1.702000e+00 : f32
    %mul3A_337 = vector.broadcast %mul3A_336 : f32 to vector<16xf32>
    %mul3A_338 = arith.mulf %mul3A_337, %mul3A_319 : vector<16xf32>
    %sub3A_339 = arith.subf %mul3A_284, %mul3A_303 : vector<16xf32>
    %mul3A_340 = arith.mulf %mul3A_338, %sub3A_339 : vector<16xf32>
    %exp3A_341 = math.exp %mul3A_340 : vector<16xf32>
    %add3A_342 = arith.constant 1.000000e+00 : f32
    %add3A_343 = vector.broadcast %add3A_342 : f32 to vector<16xf32>
    %add3A_344 = arith.addf %add3A_343, %exp3A_341 : vector<16xf32>
    %div3A_345 = arith.divf %sub3A_335, %add3A_344 : vector<16xf32>
    %add3A_346 = arith.addf %div3A_332, %div3A_345 : vector<16xf32>
    %swap3A_347 = arith.constant 48 : index
    %swap3A_348 = tpu.vector_load %arg15[%swap3A_347] {strides = array<i32>} : memref<512xf32, #tpu.memory_space<vmem>>, vector<16xf32>,
    %swap3A_349 = vector.shape_cast %swap3A_348 : vector<16xf32> to vector<16xf32>
    %swap3A_350 = vector.shape_cast %add3A_346 : vector<16xf32> to vector<16xf32>
    tpu.vector_store %arg15[%swap3A_347], %swap3A_350 {strides = array<i32>} : memref<512xf32, #tpu.memory_space<vmem>>, vector<16xf32>,
    %get3A_351 = arith.constant 64 : index
    %get3A_352 = tpu.vector_load %arg11[%get3A_351] {strides = array<i32>} : memref<512xf32, #tpu.memory_space<vmem>>, vector<16xf32>,
    %get3A_353 = vector.shape_cast %get3A_352 : vector<16xf32> to vector<16xf32>
    %neg3A_354 = arith.constant 0.000000e+00 : f32
    %neg3A_355 = vector.broadcast %neg3A_354 : f32 to vector<16xf32>
    %neg3A_356 = arith.subf %neg3A_355, %get3A_353 : vector<16xf32>
    %exp3A_357 = math.exp %neg3A_356 : vector<16xf32>
    %add3A_358 = arith.constant 1.000000e+00 : f32
    %add3A_359 = vector.broadcast %add3A_358 : f32 to vector<16xf32>
    %add3A_360 = arith.addf %add3A_359, %exp3A_357 : vector<16xf32>
    %div3A_361 = arith.constant 1.000000e+00 : f32
    %div3A_362 = vector.broadcast %div3A_361 : f32 to vector<16xf32>
    %div3A_363 = arith.divf %div3A_362, %add3A_360 : vector<16xf32>
    %sub3A_364 = arith.constant 5.000000e-01 : f32
    %sub3A_365 = vector.broadcast %sub3A_364 : f32 to vector<16xf32>
    %sub3A_366 = arith.subf %div3A_363, %sub3A_365 : vector<16xf32>
    %mul3A_367 = arith.constant 8.000000e+00 : f32
    %mul3A_368 = vector.broadcast %mul3A_367 : f32 to vector<16xf32>
    %mul3A_369 = arith.mulf %mul3A_368, %sub3A_366 : vector<16xf32>
    %get3A_370 = arith.constant 64 : index
    %get3A_371 = tpu.vector_load %arg13[%get3A_370] {strides = array<i32>} : memref<512xf32, #tpu.memory_space<vmem>>, vector<16xf32>,
    %get3A_372 = vector.shape_cast %get3A_371 : vector<16xf32> to vector<16xf32>
    %neg3A_373 = arith.constant 0.000000e+00 : f32
    %neg3A_374 = vector.broadcast %neg3A_373 : f32 to vector<16xf32>
    %neg3A_375 = arith.subf %neg3A_374, %get3A_372 : vector<16xf32>
    %exp3A_376 = math.exp %neg3A_375 : vector<16xf32>
    %add3A_377 = arith.constant 1.000000e+00 : f32
    %add3A_378 = vector.broadcast %add3A_377 : f32 to vector<16xf32>
    %add3A_379 = arith.addf %add3A_378, %exp3A_376 : vector<16xf32>
    %div3A_380 = arith.constant 1.000000e+00 : f32
    %div3A_381 = vector.broadcast %div3A_380 : f32 to vector<16xf32>
    %div3A_382 = arith.divf %div3A_381, %add3A_379 : vector<16xf32>
    %sub3A_383 = arith.constant 5.000000e-01 : f32
    %sub3A_384 = vector.broadcast %sub3A_383 : f32 to vector<16xf32>
    %sub3A_385 = arith.subf %div3A_382, %sub3A_384 : vector<16xf32>
    %mul3A_386 = arith.constant 8.000000e+00 : f32
    %mul3A_387 = vector.broadcast %mul3A_386 : f32 to vector<16xf32>
    %mul3A_388 = arith.mulf %mul3A_387, %sub3A_385 : vector<16xf32>
    %get3A_389 = arith.constant 64 : index
    %get3A_390 = tpu.vector_load %arg12[%get3A_389] {strides = array<i32>} : memref<512xf32, #tpu.memory_space<vmem>>, vector<16xf32>,
    %get3A_391 = vector.shape_cast %get3A_390 : vector<16xf32> to vector<16xf32>
    %neg3A_392 = arith.constant 0.000000e+00 : f32
    %neg3A_393 = vector.broadcast %neg3A_392 : f32 to vector<16xf32>
    %neg3A_394 = arith.subf %neg3A_393, %get3A_391 : vector<16xf32>
    %exp3A_395 = math.exp %neg3A_394 : vector<16xf32>
    %add3A_396 = arith.constant 1.000000e+00 : f32
    %add3A_397 = vector.broadcast %add3A_396 : f32 to vector<16xf32>
    %add3A_398 = arith.addf %add3A_397, %exp3A_395 : vector<16xf32>
    %div3A_399 = arith.constant 1.000000e+00 : f32
    %div3A_400 = vector.broadcast %div3A_399 : f32 to vector<16xf32>
    %div3A_401 = arith.divf %div3A_400, %add3A_398 : vector<16xf32>
    %mul3A_402 = arith.constant 3.000000e+00 : f32
    %mul3A_403 = vector.broadcast %mul3A_402 : f32 to vector<16xf32>
    %mul3A_404 = arith.mulf %mul3A_403, %div3A_401 : vector<16xf32>
    %get3A_405 = arith.constant 64 : index
    %get3A_406 = tpu.vector_load %arg14[%get3A_405] {strides = array<i32>} : memref<512xf32, #tpu.memory_space<vmem>>, vector<16xf32>,
    %get3A_407 = vector.shape_cast %get3A_406 : vector<16xf32> to vector<16xf32>
    %neg3A_408 = arith.constant 0.000000e+00 : f32
    %neg3A_409 = vector.broadcast %neg3A_408 : f32 to vector<16xf32>
    %neg3A_410 = arith.subf %neg3A_409, %get3A_407 : vector<16xf32>
    %exp3A_411 = math.exp %neg3A_410 : vector<16xf32>
    %add3A_412 = arith.constant 1.000000e+00 : f32
    %add3A_413 = vector.broadcast %add3A_412 : f32 to vector<16xf32>
    %add3A_414 = arith.addf %add3A_413, %exp3A_411 : vector<16xf32>
    %div3A_415 = arith.constant 1.000000e+00 : f32
    %div3A_416 = vector.broadcast %div3A_415 : f32 to vector<16xf32>
    %div3A_417 = arith.divf %div3A_416, %add3A_414 : vector<16xf32>
    %sub3A_418 = arith.constant 1.000000e+00 : f32
    %sub3A_419 = vector.broadcast %sub3A_418 : f32 to vector<16xf32>
    %sub3A_420 = arith.subf %sub3A_419, %div3A_417 : vector<16xf32>
    %mul3A_421 = arith.constant -1.702000e+00 : f32
    %mul3A_422 = vector.broadcast %mul3A_421 : f32 to vector<16xf32>
    %mul3A_423 = arith.mulf %mul3A_422, %mul3A_404 : vector<16xf32>
    %sub3A_424 = arith.subf %mul3A_369, %mul3A_388 : vector<16xf32>
    %mul3A_425 = arith.mulf %mul3A_423, %sub3A_424 : vector<16xf32>
    %exp3A_426 = math.exp %mul3A_425 : vector<16xf32>
    %add3A_427 = arith.constant 1.000000e+00 : f32
    %add3A_428 = vector.broadcast %add3A_427 : f32 to vector<16xf32>
    %add3A_429 = arith.addf %add3A_428, %exp3A_426 : vector<16xf32>
    %div3A_430 = arith.divf %sub3A_420, %add3A_429 : vector<16xf32>
    %add3A_431 = arith.addf %div3A_417, %div3A_430 : vector<16xf32>
    %swap3A_432 = arith.constant 64 : index
    %swap3A_433 = tpu.vector_load %arg15[%swap3A_432] {strides = array<i32>} : memref<512xf32, #tpu.memory_space<vmem>>, vector<16xf32>,
    %swap3A_434 = vector.shape_cast %swap3A_433 : vector<16xf32> to vector<16xf32>
    %swap3A_435 = vector.shape_cast %add3A_431 : vector<16xf32> to vector<16xf32>
    tpu.vector_store %arg15[%swap3A_432], %swap3A_435 {strides = array<i32>} : memref<512xf32, #tpu.memory_space<vmem>>, vector<16xf32>,
    %get3A_436 = arith.constant 80 : index
    %get3A_437 = tpu.vector_load %arg11[%get3A_436] {strides = array<i32>} : memref<512xf32, #tpu.memory_space<vmem>>, vector<16xf32>,
    %get3A_438 = vector.shape_cast %get3A_437 : vector<16xf32> to vector<16xf32>
    %neg3A_439 = arith.constant 0.000000e+00 : f32
    %neg3A_440 = vector.broadcast %neg3A_439 : f32 to vector<16xf32>
    %neg3A_441 = arith.subf %neg3A_440, %get3A_438 : vector<16xf32>
    %exp3A_442 = math.exp %neg3A_441 : vector<16xf32>
    %add3A_443 = arith.constant 1.000000e+00 : f32
    %add3A_444 = vector.broadcast %add3A_443 : f32 to vector<16xf32>
    %add3A_445 = arith.addf %add3A_444, %exp3A_442 : vector<16xf32>
    %div3A_446 = arith.constant 1.000000e+00 : f32
    %div3A_447 = vector.broadcast %div3A_446 : f32 to vector<16xf32>
    %div3A_448 = arith.divf %div3A_447, %add3A_445 : vector<16xf32>
    %sub3A_449 = arith.constant 5.000000e-01 : f32
    %sub3A_450 = vector.broadcast %sub3A_449 : f32 to vector<16xf32>
    %sub3A_451 = arith.subf %div3A_448, %sub3A_450 : vector<16xf32>
    %mul3A_452 = arith.constant 8.000000e+00 : f32
    %mul3A_453 = vector.broadcast %mul3A_452 : f32 to vector<16xf32>
    %mul3A_454 = arith.mulf %mul3A_453, %sub3A_451 : vector<16xf32>
    %get3A_455 = arith.constant 80 : index
    %get3A_456 = tpu.vector_load %arg13[%get3A_455] {strides = array<i32>} : memref<512xf32, #tpu.memory_space<vmem>>, vector<16xf32>,
    %get3A_457 = vector.shape_cast %get3A_456 : vector<16xf32> to vector<16xf32>
    %neg3A_458 = arith.constant 0.000000e+00 : f32
    %neg3A_459 = vector.broadcast %neg3A_458 : f32 to vector<16xf32>
    %neg3A_460 = arith.subf %neg3A_459, %get3A_457 : vector<16xf32>
    %exp3A_461 = math.exp %neg3A_460 : vector<16xf32>
    %add3A_462 = arith.constant 1.000000e+00 : f32
    %add3A_463 = vector.broadcast %add3A_462 : f32 to vector<16xf32>
    %add3A_464 = arith.addf %add3A_463, %exp3A_461 : vector<16xf32>
    %div3A_465 = arith.constant 1.000000e+00 : f32
    %div3A_466 = vector.broadcast %div3A_465 : f32 to vector<16xf32>
    %div3A_467 = arith.divf %div3A_466, %add3A_464 : vector<16xf32>
    %sub3A_468 = arith.constant 5.000000e-01 : f32
    %sub3A_469 = vector.broadcast %sub3A_468 : f32 to vector<16xf32>
    %sub3A_470 = arith.subf %div3A_467, %sub3A_469 : vector<16xf32>
    %mul3A_471 = arith.constant 8.000000e+00 : f32
    %mul3A_472 = vector.broadcast %mul3A_471 : f32 to vector<16xf32>
    %mul3A_473 = arith.mulf %mul3A_472, %sub3A_470 : vector<16xf32>
    %get3A_474 = arith.constant 80 : index
    %get3A_475 = tpu.vector_load %arg12[%get3A_474] {strides = array<i32>} : memref<512xf32, #tpu.memory_space<vmem>>, vector<16xf32>,
    %get3A_476 = vector.shape_cast %get3A_475 : vector<16xf32> to vector<16xf32>
    %neg3A_477 = arith.constant 0.000000e+00 : f32
    %neg3A_478 = vector.broadcast %neg3A_477 : f32 to vector<16xf32>
    %neg3A_479 = arith.subf %neg3A_478, %get3A_476 : vector<16xf32>
    %exp3A_480 = math.exp %neg3A_479 : vector<16xf32>
    %add3A_481 = arith.constant 1.000000e+00 : f32
    %add3A_482 = vector.broadcast %add3A_481 : f32 to vector<16xf32>
    %add3A_483 = arith.addf %add3A_482, %exp3A_480 : vector<16xf32>
    %div3A_484 = arith.constant 1.000000e+00 : f32
    %div3A_485 = vector.broadcast %div3A_484 : f32 to vector<16xf32>
    %div3A_486 = arith.divf %div3A_485, %add3A_483 : vector<16xf32>
    %mul3A_487 = arith.constant 3.000000e+00 : f32
    %mul3A_488 = vector.broadcast %mul3A_487 : f32 to vector<16xf32>
    %mul3A_489 = arith.mulf %mul3A_488, %div3A_486 : vector<16xf32>
    %get3A_490 = arith.constant 80 : index
    %get3A_491 = tpu.vector_load %arg14[%get3A_490] {strides = array<i32>} : memref<512xf32, #tpu.memory_space<vmem>>, vector<16xf32>,
    %get3A_492 = vector.shape_cast %get3A_491 : vector<16xf32> to vector<16xf32>
    %neg3A_493 = arith.constant 0.000000e+00 : f32
    %neg3A_494 = vector.broadcast %neg3A_493 : f32 to vector<16xf32>
    %neg3A_495 = arith.subf %neg3A_494, %get3A_492 : vector<16xf32>
    %exp3A_496 = math.exp %neg3A_495 : vector<16xf32>
    %add3A_497 = arith.constant 1.000000e+00 : f32
    %add3A_498 = vector.broadcast %add3A_497 : f32 to vector<16xf32>
    %add3A_499 = arith.addf %add3A_498, %exp3A_496 : vector<16xf32>
    %div3A_500 = arith.constant 1.000000e+00 : f32
    %div3A_501 = vector.broadcast %div3A_500 : f32 to vector<16xf32>
    %div3A_502 = arith.divf %div3A_501, %add3A_499 : vector<16xf32>
    %sub3A_503 = arith.constant 1.000000e+00 : f32
    %sub3A_504 = vector.broadcast %sub3A_503 : f32 to vector<16xf32>
    %sub3A_505 = arith.subf %sub3A_504, %div3A_502 : vector<16xf32>
    %mul3A_506 = arith.constant -1.702000e+00 : f32
    %mul3A_507 = vector.broadcast %mul3A_506 : f32 to vector<16xf32>
    %mul3A_508 = arith.mulf %mul3A_507, %mul3A_489 : vector<16xf32>
    %sub3A_509 = arith.subf %mul3A_454, %mul3A_473 : vector<16xf32>
    %mul3A_510 = arith.mulf %mul3A_508, %sub3A_509 : vector<16xf32>
    %exp3A_511 = math.exp %mul3A_510 : vector<16xf32>
    %add3A_512 = arith.constant 1.000000e+00 : f32
    %add3A_513 = vector.broadcast %add3A_512 : f32 to vector<16xf32>
    %add3A_514 = arith.addf %add3A_513, %exp3A_511 : vector<16xf32>
    %div3A_515 = arith.divf %sub3A_505, %add3A_514 : vector<16xf32>
    %add3A_516 = arith.addf %div3A_502, %div3A_515 : vector<16xf32>
    %swap3A_517 = arith.constant 80 : index
    %swap3A_518 = tpu.vector_load %arg15[%swap3A_517] {strides = array<i32>} : memref<512xf32, #tpu.memory_space<vmem>>, vector<16xf32>,
    %swap3A_519 = vector.shape_cast %swap3A_518 : vector<16xf32> to vector<16xf32>
    %swap3A_520 = vector.shape_cast %add3A_516 : vector<16xf32> to vector<16xf32>
    tpu.vector_store %arg15[%swap3A_517], %swap3A_520 {strides = array<i32>} : memref<512xf32, #tpu.memory_space<vmem>>, vector<16xf32>,
    %get3A_521 = arith.constant 96 : index
    %get3A_522 = tpu.vector_load %arg11[%get3A_521] {strides = array<i32>} : memref<512xf32, #tpu.memory_space<vmem>>, vector<16xf32>,
    %get3A_523 = vector.shape_cast %get3A_522 : vector<16xf32> to vector<16xf32>
    %neg3A_524 = arith.constant 0.000000e+00 : f32
    %neg3A_525 = vector.broadcast %neg3A_524 : f32 to vector<16xf32>
    %neg3A_526 = arith.subf %neg3A_525, %get3A_523 : vector<16xf32>
    %exp3A_527 = math.exp %neg3A_526 : vector<16xf32>
    %add3A_528 = arith.constant 1.000000e+00 : f32
    %add3A_529 = vector.broadcast %add3A_528 : f32 to vector<16xf32>
    %add3A_530 = arith.addf %add3A_529, %exp3A_527 : vector<16xf32>
    %div3A_531 = arith.constant 1.000000e+00 : f32
    %div3A_532 = vector.broadcast %div3A_531 : f32 to vector<16xf32>
    %div3A_533 = arith.divf %div3A_532, %add3A_530 : vector<16xf32>
    %sub3A_534 = arith.constant 5.000000e-01 : f32
    %sub3A_535 = vector.broadcast %sub3A_534 : f32 to vector<16xf32>
    %sub3A_536 = arith.subf %div3A_533, %sub3A_535 : vector<16xf32>
    %mul3A_537 = arith.constant 8.000000e+00 : f32
    %mul3A_538 = vector.broadcast %mul3A_537 : f32 to vector<16xf32>
    %mul3A_539 = arith.mulf %mul3A_538, %sub3A_536 : vector<16xf32>
    %get3A_540 = arith.constant 96 : index
    %get3A_541 = tpu.vector_load %arg13[%get3A_540] {strides = array<i32>} : memref<512xf32, #tpu.memory_space<vmem>>, vector<16xf32>,
    %get3A_542 = vector.shape_cast %get3A_541 : vector<16xf32> to vector<16xf32>
    %neg3A_543 = arith.constant 0.000000e+00 : f32
    %neg3A_544 = vector.broadcast %neg3A_543 : f32 to vector<16xf32>
    %neg3A_545 = arith.subf %neg3A_544, %get3A_542 : vector<16xf32>
    %exp3A_546 = math.exp %neg3A_545 : vector<16xf32>
    %add3A_547 = arith.constant 1.000000e+00 : f32
    %add3A_548 = vector.broadcast %add3A_547 : f32 to vector<16xf32>
    %add3A_549 = arith.addf %add3A_548, %exp3A_546 : vector<16xf32>
    %div3A_550 = arith.constant 1.000000e+00 : f32
    %div3A_551 = vector.broadcast %div3A_550 : f32 to vector<16xf32>
    %div3A_552 = arith.divf %div3A_551, %add3A_549 : vector<16xf32>
    %sub3A_553 = arith.constant 5.000000e-01 : f32
    %sub3A_554 = vector.broadcast %sub3A_553 : f32 to vector<16xf32>
    %sub3A_555 = arith.subf %div3A_552, %sub3A_554 : vector<16xf32>
    %mul3A_556 = arith.constant 8.000000e+00 : f32
    %mul3A_557 = vector.broadcast %mul3A_556 : f32 to vector<16xf32>
    %mul3A_558 = arith.mulf %mul3A_557, %sub3A_555 : vector<16xf32>
    %get3A_559 = arith.constant 96 : index
    %get3A_560 = tpu.vector_load %arg12[%get3A_559] {strides = array<i32>} : memref<512xf32, #tpu.memory_space<vmem>>, vector<16xf32>,
    %get3A_561 = vector.shape_cast %get3A_560 : vector<16xf32> to vector<16xf32>
    %neg3A_562 = arith.constant 0.000000e+00 : f32
    %neg3A_563 = vector.broadcast %neg3A_562 : f32 to vector<16xf32>
    %neg3A_564 = arith.subf %neg3A_563, %get3A_561 : vector<16xf32>
    %exp3A_565 = math.exp %neg3A_564 : vector<16xf32>
    %add3A_566 = arith.constant 1.000000e+00 : f32
    %add3A_567 = vector.broadcast %add3A_566 : f32 to vector<16xf32>
    %add3A_568 = arith.addf %add3A_567, %exp3A_565 : vector<16xf32>
    %div3A_569 = arith.constant 1.000000e+00 : f32
    %div3A_570 = vector.broadcast %div3A_569 : f32 to vector<16xf32>
    %div3A_571 = arith.divf %div3A_570, %add3A_568 : vector<16xf32>
    %mul3A_572 = arith.constant 3.000000e+00 : f32
    %mul3A_573 = vector.broadcast %mul3A_572 : f32 to vector<16xf32>
    %mul3A_574 = arith.mulf %mul3A_573, %div3A_571 : vector<16xf32>
    %get3A_575 = arith.constant 96 : index
    %get3A_576 = tpu.vector_load %arg14[%get3A_575] {strides = array<i32>} : memref<512xf32, #tpu.memory_space<vmem>>, vector<16xf32>,
    %get3A_577 = vector.shape_cast %get3A_576 : vector<16xf32> to vector<16xf32>
    %neg3A_578 = arith.constant 0.000000e+00 : f32
    %neg3A_579 = vector.broadcast %neg3A_578 : f32 to vector<16xf32>
    %neg3A_580 = arith.subf %neg3A_579, %get3A_577 : vector<16xf32>
    %exp3A_581 = math.exp %neg3A_580 : vector<16xf32>
    %add3A_582 = arith.constant 1.000000e+00 : f32
    %add3A_583 = vector.broadcast %add3A_582 : f32 to vector<16xf32>
    %add3A_584 = arith.addf %add3A_583, %exp3A_581 : vector<16xf32>
    %div3A_585 = arith.constant 1.000000e+00 : f32
    %div3A_586 = vector.broadcast %div3A_585 : f32 to vector<16xf32>
    %div3A_587 = arith.divf %div3A_586, %add3A_584 : vector<16xf32>
    %sub3A_588 = arith.constant 1.000000e+00 : f32
    %sub3A_589 = vector.broadcast %sub3A_588 : f32 to vector<16xf32>
    %sub3A_590 = arith.subf %sub3A_589, %div3A_587 : vector<16xf32>
    %mul3A_591 = arith.constant -1.702000e+00 : f32
    %mul3A_592 = vector.broadcast %mul3A_591 : f32 to vector<16xf32>
    %mul3A_593 = arith.mulf %mul3A_592, %mul3A_574 : vector<16xf32>
    %sub3A_594 = arith.subf %mul3A_539, %mul3A_558 : vector<16xf32>
    %mul3A_595 = arith.mulf %mul3A_593, %sub3A_594 : vector<16xf32>
    %exp3A_596 = math.exp %mul3A_595 : vector<16xf32>
    %add3A_597 = arith.constant 1.000000e+00 : f32
    %add3A_598 = vector.broadcast %add3A_597 : f32 to vector<16xf32>
    %add3A_599 = arith.addf %add3A_598, %exp3A_596 : vector<16xf32>
    %div3A_600 = arith.divf %sub3A_590, %add3A_599 : vector<16xf32>
    %add3A_601 = arith.addf %div3A_587, %div3A_600 : vector<16xf32>
    %swap3A_602 = arith.constant 96 : index
    %swap3A_603 = tpu.vector_load %arg15[%swap3A_602] {strides = array<i32>} : memref<512xf32, #tpu.memory_space<vmem>>, vector<16xf32>,
    %swap3A_604 = vector.shape_cast %swap3A_603 : vector<16xf32> to vector<16xf32>
    %swap3A_605 = vector.shape_cast %add3A_601 : vector<16xf32> to vector<16xf32>
    tpu.vector_store %arg15[%swap3A_602], %swap3A_605 {strides = array<i32>} : memref<512xf32, #tpu.memory_space<vmem>>, vector<16xf32>,
    %get3A_606 = arith.constant 112 : index
    %get3A_607 = tpu.vector_load %arg11[%get3A_606] {strides = array<i32>} : memref<512xf32, #tpu.memory_space<vmem>>, vector<16xf32>,
    %get3A_608 = vector.shape_cast %get3A_607 : vector<16xf32> to vector<16xf32>
    %neg3A_609 = arith.constant 0.000000e+00 : f32
    %neg3A_610 = vector.broadcast %neg3A_609 : f32 to vector<16xf32>
    %neg3A_611 = arith.subf %neg3A_610, %get3A_608 : vector<16xf32>
    %exp3A_612 = math.exp %neg3A_611 : vector<16xf32>
    %add3A_613 = arith.constant 1.000000e+00 : f32
    %add3A_614 = vector.broadcast %add3A_613 : f32 to vector<16xf32>
    %add3A_615 = arith.addf %add3A_614, %exp3A_612 : vector<16xf32>
    %div3A_616 = arith.constant 1.000000e+00 : f32
    %div3A_617 = vector.broadcast %div3A_616 : f32 to vector<16xf32>
    %div3A_618 = arith.divf %div3A_617, %add3A_615 : vector<16xf32>
    %sub3A_619 = arith.constant 5.000000e-01 : f32
    %sub3A_620 = vector.broadcast %sub3A_619 : f32 to vector<16xf32>
    %sub3A_621 = arith.subf %div3A_618, %sub3A_620 : vector<16xf32>
    %mul3A_622 = arith.constant 8.000000e+00 : f32
    %mul3A_623 = vector.broadcast %mul3A_622 : f32 to vector<16xf32>
    %mul3A_624 = arith.mulf %mul3A_623, %sub3A_621 : vector<16xf32>
    %get3A_625 = arith.constant 112 : index
    %get3A_626 = tpu.vector_load %arg13[%get3A_625] {strides = array<i32>} : memref<512xf32, #tpu.memory_space<vmem>>, vector<16xf32>,
    %get3A_627 = vector.shape_cast %get3A_626 : vector<16xf32> to vector<16xf32>
    %neg3A_628 = arith.constant 0.000000e+00 : f32
    %neg3A_629 = vector.broadcast %neg3A_628 : f32 to vector<16xf32>
    %neg3A_630 = arith.subf %neg3A_629, %get3A_627 : vector<16xf32>
    %exp3A_631 = math.exp %neg3A_630 : vector<16xf32>
    %add3A_632 = arith.constant 1.000000e+00 : f32
    %add3A_633 = vector.broadcast %add3A_632 : f32 to vector<16xf32>
    %add3A_634 = arith.addf %add3A_633, %exp3A_631 : vector<16xf32>
    %div3A_635 = arith.constant 1.000000e+00 : f32
    %div3A_636 = vector.broadcast %div3A_635 : f32 to vector<16xf32>
    %div3A_637 = arith.divf %div3A_636, %add3A_634 : vector<16xf32>
    %sub3A_638 = arith.constant 5.000000e-01 : f32
    %sub3A_639 = vector.broadcast %sub3A_638 : f32 to vector<16xf32>
    %sub3A_640 = arith.subf %div3A_637, %sub3A_639 : vector<16xf32>
    %mul3A_641 = arith.constant 8.000000e+00 : f32
    %mul3A_642 = vector.broadcast %mul3A_641 : f32 to vector<16xf32>
    %mul3A_643 = arith.mulf %mul3A_642, %sub3A_640 : vector<16xf32>
    %get3A_644 = arith.constant 112 : index
    %get3A_645 = tpu.vector_load %arg12[%get3A_644] {strides = array<i32>} : memref<512xf32, #tpu.memory_space<vmem>>, vector<16xf32>,
    %get3A_646 = vector.shape_cast %get3A_645 : vector<16xf32> to vector<16xf32>
    %neg3A_647 = arith.constant 0.000000e+00 : f32
    %neg3A_648 = vector.broadcast %neg3A_647 : f32 to vector<16xf32>
    %neg3A_649 = arith.subf %neg3A_648, %get3A_646 : vector<16xf32>
    %exp3A_650 = math.exp %neg3A_649 : vector<16xf32>
    %add3A_651 = arith.constant 1.000000e+00 : f32
    %add3A_652 = vector.broadcast %add3A_651 : f32 to vector<16xf32>
    %add3A_653 = arith.addf %add3A_652, %exp3A_650 : vector<16xf32>
    %div3A_654 = arith.constant 1.000000e+00 : f32
    %div3A_655 = vector.broadcast %div3A_654 : f32 to vector<16xf32>
    %div3A_656 = arith.divf %div3A_655, %add3A_653 : vector<16xf32>
    %mul3A_657 = arith.constant 3.000000e+00 : f32
    %mul3A_658 = vector.broadcast %mul3A_657 : f32 to vector<16xf32>
    %mul3A_659 = arith.mulf %mul3A_658, %div3A_656 : vector<16xf32>
    %get3A_660 = arith.constant 112 : index
    %get3A_661 = tpu.vector_load %arg14[%get3A_660] {strides = array<i32>} : memref<512xf32, #tpu.memory_space<vmem>>, vector<16xf32>,
    %get3A_662 = vector.shape_cast %get3A_661 : vector<16xf32> to vector<16xf32>
    %neg3A_663 = arith.constant 0.000000e+00 : f32
    %neg3A_664 = vector.broadcast %neg3A_663 : f32 to vector<16xf32>
    %neg3A_665 = arith.subf %neg3A_664, %get3A_662 : vector<16xf32>
    %exp3A_666 = math.exp %neg3A_665 : vector<16xf32>
    %add3A_667 = arith.constant 1.000000e+00 : f32
    %add3A_668 = vector.broadcast %add3A_667 : f32 to vector<16xf32>
    %add3A_669 = arith.addf %add3A_668, %exp3A_666 : vector<16xf32>
    %div3A_670 = arith.constant 1.000000e+00 : f32
    %div3A_671 = vector.broadcast %div3A_670 : f32 to vector<16xf32>
    %div3A_672 = arith.divf %div3A_671, %add3A_669 : vector<16xf32>
    %sub3A_673 = arith.constant 1.000000e+00 : f32
    %sub3A_674 = vector.broadcast %sub3A_673 : f32 to vector<16xf32>
    %sub3A_675 = arith.subf %sub3A_674, %div3A_672 : vector<16xf32>
    %mul3A_676 = arith.constant -1.702000e+00 : f32
    %mul3A_677 = vector.broadcast %mul3A_676 : f32 to vector<16xf32>
    %mul3A_678 = arith.mulf %mul3A_677, %mul3A_659 : vector<16xf32>
    %sub3A_679 = arith.subf %mul3A_624, %mul3A_643 : vector<16xf32>
    %mul3A_680 = arith.mulf %mul3A_678, %sub3A_679 : vector<16xf32>
    %exp3A_681 = math.exp %mul3A_680 : vector<16xf32>
    %add3A_682 = arith.constant 1.000000e+00 : f32
    %add3A_683 = vector.broadcast %add3A_682 : f32 to vector<16xf32>
    %add3A_684 = arith.addf %add3A_683, %exp3A_681 : vector<16xf32>
    %div3A_685 = arith.divf %sub3A_675, %add3A_684 : vector<16xf32>
    %add3A_686 = arith.addf %div3A_672, %div3A_685 : vector<16xf32>
    %swap3A_687 = arith.constant 112 : index
    %swap3A_688 = tpu.vector_load %arg15[%swap3A_687] {strides = array<i32>} : memref<512xf32, #tpu.memory_space<vmem>>, vector<16xf32>,
    %swap3A_689 = vector.shape_cast %swap3A_688 : vector<16xf32> to vector<16xf32>
    %swap3A_690 = vector.shape_cast %add3A_686 : vector<16xf32> to vector<16xf32>
    tpu.vector_store %arg15[%swap3A_687], %swap3A_690 {strides = array<i32>} : memref<512xf32, #tpu.memory_space<vmem>>, vector<16xf32>,
    %get3A_691 = arith.constant 128 : index
    %get3A_692 = tpu.vector_load %arg11[%get3A_691] {strides = array<i32>} : memref<512xf32, #tpu.memory_space<vmem>>, vector<16xf32>,
    %get3A_693 = vector.shape_cast %get3A_692 : vector<16xf32> to vector<16xf32>
    %neg3A_694 = arith.constant 0.000000e+00 : f32
    %neg3A_695 = vector.broadcast %neg3A_694 : f32 to vector<16xf32>
    %neg3A_696 = arith.subf %neg3A_695, %get3A_693 : vector<16xf32>
    %exp3A_697 = math.exp %neg3A_696 : vector<16xf32>
    %add3A_698 = arith.constant 1.000000e+00 : f32
    %add3A_699 = vector.broadcast %add3A_698 : f32 to vector<16xf32>
    %add3A_700 = arith.addf %add3A_699, %exp3A_697 : vector<16xf32>
    %div3A_701 = arith.constant 1.000000e+00 : f32
    %div3A_702 = vector.broadcast %div3A_701 : f32 to vector<16xf32>
    %div3A_703 = arith.divf %div3A_702, %add3A_700 : vector<16xf32>
    %sub3A_704 = arith.constant 5.000000e-01 : f32
    %sub3A_705 = vector.broadcast %sub3A_704 : f32 to vector<16xf32>
    %sub3A_706 = arith.subf %div3A_703, %sub3A_705 : vector<16xf32>
    %mul3A_707 = arith.constant 8.000000e+00 : f32
    %mul3A_708 = vector.broadcast %mul3A_707 : f32 to vector<16xf32>
    %mul3A_709 = arith.mulf %mul3A_708, %sub3A_706 : vector<16xf32>
    %get3A_710 = arith.constant 128 : index
    %get3A_711 = tpu.vector_load %arg13[%get3A_710] {strides = array<i32>} : memref<512xf32, #tpu.memory_space<vmem>>, vector<16xf32>,
    %get3A_712 = vector.shape_cast %get3A_711 : vector<16xf32> to vector<16xf32>
    %neg3A_713 = arith.constant 0.000000e+00 : f32
    %neg3A_714 = vector.broadcast %neg3A_713 : f32 to vector<16xf32>
    %neg3A_715 = arith.subf %neg3A_714, %get3A_712 : vector<16xf32>
    %exp3A_716 = math.exp %neg3A_715 : vector<16xf32>
    %add3A_717 = arith.constant 1.000000e+00 : f32
    %add3A_718 = vector.broadcast %add3A_717 : f32 to vector<16xf32>
    %add3A_719 = arith.addf %add3A_718, %exp3A_716 : vector<16xf32>
    %div3A_720 = arith.constant 1.000000e+00 : f32
    %div3A_721 = vector.broadcast %div3A_720 : f32 to vector<16xf32>
    %div3A_722 = arith.divf %div3A_721, %add3A_719 : vector<16xf32>
    %sub3A_723 = arith.constant 5.000000e-01 : f32
    %sub3A_724 = vector.broadcast %sub3A_723 : f32 to vector<16xf32>
    %sub3A_725 = arith.subf %div3A_722, %sub3A_724 : vector<16xf32>
    %mul3A_726 = arith.constant 8.000000e+00 : f32
    %mul3A_727 = vector.broadcast %mul3A_726 : f32 to vector<16xf32>
    %mul3A_728 = arith.mulf %mul3A_727, %sub3A_725 : vector<16xf32>
    %get3A_729 = arith.constant 128 : index
    %get3A_730 = tpu.vector_load %arg12[%get3A_729] {strides = array<i32>} : memref<512xf32, #tpu.memory_space<vmem>>, vector<16xf32>,
    %get3A_731 = vector.shape_cast %get3A_730 : vector<16xf32> to vector<16xf32>
    %neg3A_732 = arith.constant 0.000000e+00 : f32
    %neg3A_733 = vector.broadcast %neg3A_732 : f32 to vector<16xf32>
    %neg3A_734 = arith.subf %neg3A_733, %get3A_731 : vector<16xf32>
    %exp3A_735 = math.exp %neg3A_734 : vector<16xf32>
    %add3A_736 = arith.constant 1.000000e+00 : f32
    %add3A_737 = vector.broadcast %add3A_736 : f32 to vector<16xf32>
    %add3A_738 = arith.addf %add3A_737, %exp3A_735 : vector<16xf32>
    %div3A_739 = arith.constant 1.000000e+00 : f32
    %div3A_740 = vector.broadcast %div3A_739 : f32 to vector<16xf32>
    %div3A_741 = arith.divf %div3A_740, %add3A_738 : vector<16xf32>
    %mul3A_742 = arith.constant 3.000000e+00 : f32
    %mul3A_743 = vector.broadcast %mul3A_742 : f32 to vector<16xf32>
    %mul3A_744 = arith.mulf %mul3A_743, %div3A_741 : vector<16xf32>
    %get3A_745 = arith.constant 128 : index
    %get3A_746 = tpu.vector_load %arg14[%get3A_745] {strides = array<i32>} : memref<512xf32, #tpu.memory_space<vmem>>, vector<16xf32>,
    %get3A_747 = vector.shape_cast %get3A_746 : vector<16xf32> to vector<16xf32>
    %neg3A_748 = arith.constant 0.000000e+00 : f32
    %neg3A_749 = vector.broadcast %neg3A_748 : f32 to vector<16xf32>
    %neg3A_750 = arith.subf %neg3A_749, %get3A_747 : vector<16xf32>
    %exp3A_751 = math.exp %neg3A_750 : vector<16xf32>
    %add3A_752 = arith.constant 1.000000e+00 : f32
    %add3A_753 = vector.broadcast %add3A_752 : f32 to vector<16xf32>
    %add3A_754 = arith.addf %add3A_753, %exp3A_751 : vector<16xf32>
    %div3A_755 = arith.constant 1.000000e+00 : f32
    %div3A_756 = vector.broadcast %div3A_755 : f32 to vector<16xf32>
    %div3A_757 = arith.divf %div3A_756, %add3A_754 : vector<16xf32>
    %sub3A_758 = arith.constant 1.000000e+00 : f32
    %sub3A_759 = vector.broadcast %sub3A_758 : f32 to vector<16xf32>
    %sub3A_760 = arith.subf %sub3A_759, %div3A_757 : vector<16xf32>
    %mul3A_761 = arith.constant -1.702000e+00 : f32
    %mul3A_762 = vector.broadcast %mul3A_761 : f32 to vector<16xf32>
    %mul3A_763 = arith.mulf %mul3A_762, %mul3A_744 : vector<16xf32>
    %sub3A_764 = arith.subf %mul3A_709, %mul3A_728 : vector<16xf32>
    %mul3A_765 = arith.mulf %mul3A_763, %sub3A_764 : vector<16xf32>
    %exp3A_766 = math.exp %mul3A_765 : vector<16xf32>
    %add3A_767 = arith.constant 1.000000e+00 : f32
    %add3A_768 = vector.broadcast %add3A_767 : f32 to vector<16xf32>
    %add3A_769 = arith.addf %add3A_768, %exp3A_766 : vector<16xf32>
    %div3A_770 = arith.divf %sub3A_760, %add3A_769 : vector<16xf32>
    %add3A_771 = arith.addf %div3A_757, %div3A_770 : vector<16xf32>
    %swap3A_772 = arith.constant 128 : index
    %swap3A_773 = tpu.vector_load %arg15[%swap3A_772] {strides = array<i32>} : memref<512xf32, #tpu.memory_space<vmem>>, vector<16xf32>,
    %swap3A_774 = vector.shape_cast %swap3A_773 : vector<16xf32> to vector<16xf32>
    %swap3A_775 = vector.shape_cast %add3A_771 : vector<16xf32> to vector<16xf32>
    tpu.vector_store %arg15[%swap3A_772], %swap3A_775 {strides = array<i32>} : memref<512xf32, #tpu.memory_space<vmem>>, vector<16xf32>,
    %get3A_776 = arith.constant 144 : index
    %get3A_777 = tpu.vector_load %arg11[%get3A_776] {strides = array<i32>} : memref<512xf32, #tpu.memory_space<vmem>>, vector<16xf32>,
    %get3A_778 = vector.shape_cast %get3A_777 : vector<16xf32> to vector<16xf32>
    %neg3A_779 = arith.constant 0.000000e+00 : f32
    %neg3A_780 = vector.broadcast %neg3A_779 : f32 to vector<16xf32>
    %neg3A_781 = arith.subf %neg3A_780, %get3A_778 : vector<16xf32>
    %exp3A_782 = math.exp %neg3A_781 : vector<16xf32>
    %add3A_783 = arith.constant 1.000000e+00 : f32
    %add3A_784 = vector.broadcast %add3A_783 : f32 to vector<16xf32>
    %add3A_785 = arith.addf %add3A_784, %exp3A_782 : vector<16xf32>
    %div3A_786 = arith.constant 1.000000e+00 : f32
    %div3A_787 = vector.broadcast %div3A_786 : f32 to vector<16xf32>
    %div3A_788 = arith.divf %div3A_787, %add3A_785 : vector<16xf32>
    %sub3A_789 = arith.constant 5.000000e-01 : f32
    %sub3A_790 = vector.broadcast %sub3A_789 : f32 to vector<16xf32>
    %sub3A_791 = arith.subf %div3A_788, %sub3A_790 : vector<16xf32>
    %mul3A_792 = arith.constant 8.000000e+00 : f32
    %mul3A_793 = vector.broadcast %mul3A_792 : f32 to vector<16xf32>
    %mul3A_794 = arith.mulf %mul3A_793, %sub3A_791 : vector<16xf32>
    %get3A_795 = arith.constant 144 : index
    %get3A_796 = tpu.vector_load %arg13[%get3A_795] {strides = array<i32>} : memref<512xf32, #tpu.memory_space<vmem>>, vector<16xf32>,
    %get3A_797 = vector.shape_cast %get3A_796 : vector<16xf32> to vector<16xf32>
    %neg3A_798 = arith.constant 0.000000e+00 : f32
    %neg3A_799 = vector.broadcast %neg3A_798 : f32 to vector<16xf32>
    %neg3A_800 = arith.subf %neg3A_799, %get3A_797 : vector<16xf32>
    %exp3A_801 = math.exp %neg3A_800 : vector<16xf32>
    %add3A_802 = arith.constant 1.000000e+00 : f32
    %add3A_803 = vector.broadcast %add3A_802 : f32 to vector<16xf32>
    %add3A_804 = arith.addf %add3A_803, %exp3A_801 : vector<16xf32>
    %div3A_805 = arith.constant 1.000000e+00 : f32
    %div3A_806 = vector.broadcast %div3A_805 : f32 to vector<16xf32>
    %div3A_807 = arith.divf %div3A_806, %add3A_804 : vector<16xf32>
    %sub3A_808 = arith.constant 5.000000e-01 : f32
    %sub3A_809 = vector.broadcast %sub3A_808 : f32 to vector<16xf32>
    %sub3A_810 = arith.subf %div3A_807, %sub3A_809 : vector<16xf32>
    %mul3A_811 = arith.constant 8.000000e+00 : f32
    %mul3A_812 = vector.broadcast %mul3A_811 : f32 to vector<16xf32>
    %mul3A_813 = arith.mulf %mul3A_812, %sub3A_810 : vector<16xf32>
    %get3A_814 = arith.constant 144 : index
    %get3A_815 = tpu.vector_load %arg12[%get3A_814] {strides = array<i32>} : memref<512xf32, #tpu.memory_space<vmem>>, vector<16xf32>,
    %get3A_816 = vector.shape_cast %get3A_815 : vector<16xf32> to vector<16xf32>
    %neg3A_817 = arith.constant 0.000000e+00 : f32
    %neg3A_818 = vector.broadcast %neg3A_817 : f32 to vector<16xf32>
    %neg3A_819 = arith.subf %neg3A_818, %get3A_816 : vector<16xf32>
    %exp3A_820 = math.exp %neg3A_819 : vector<16xf32>
    %add3A_821 = arith.constant 1.000000e+00 : f32
    %add3A_822 = vector.broadcast %add3A_821 : f32 to vector<16xf32>
    %add3A_823 = arith.addf %add3A_822, %exp3A_820 : vector<16xf32>
    %div3A_824 = arith.constant 1.000000e+00 : f32
    %div3A_825 = vector.broadcast %div3A_824 : f32 to vector<16xf32>
    %div3A_826 = arith.divf %div3A_825, %add3A_823 : vector<16xf32>
    %mul3A_827 = arith.constant 3.000000e+00 : f32
    %mul3A_828 = vector.broadcast %mul3A_827 : f32 to vector<16xf32>
    %mul3A_829 = arith.mulf %mul3A_828, %div3A_826 : vector<16xf32>
    %get3A_830 = arith.constant 144 : index
    %get3A_831 = tpu.vector_load %arg14[%get3A_830] {strides = array<i32>} : memref<512xf32, #tpu.memory_space<vmem>>, vector<16xf32>,
    %get3A_832 = vector.shape_cast %get3A_831 : vector<16xf32> to vector<16xf32>
    %neg3A_833 = arith.constant 0.000000e+00 : f32
    %neg3A_834 = vector.broadcast %neg3A_833 : f32 to vector<16xf32>
    %neg3A_835 = arith.subf %neg3A_834, %get3A_832 : vector<16xf32>
    %exp3A_836 = math.exp %neg3A_835 : vector<16xf32>
    %add3A_837 = arith.constant 1.000000e+00 : f32
    %add3A_838 = vector.broadcast %add3A_837 : f32 to vector<16xf32>
    %add3A_839 = arith.addf %add3A_838, %exp3A_836 : vector<16xf32>
    %div3A_840 = arith.constant 1.000000e+00 : f32
    %div3A_841 = vector.broadcast %div3A_840 : f32 to vector<16xf32>
    %div3A_842 = arith.divf %div3A_841, %add3A_839 : vector<16xf32>
    %sub3A_843 = arith.constant 1.000000e+00 : f32
    %sub3A_844 = vector.broadcast %sub3A_843 : f32 to vector<16xf32>
    %sub3A_845 = arith.subf %sub3A_844, %div3A_842 : vector<16xf32>
    %mul3A_846 = arith.constant -1.702000e+00 : f32
    %mul3A_847 = vector.broadcast %mul3A_846 : f32 to vector<16xf32>
    %mul3A_848 = arith.mulf %mul3A_847, %mul3A_829 : vector<16xf32>
    %sub3A_849 = arith.subf %mul3A_794, %mul3A_813 : vector<16xf32>
    %mul3A_850 = arith.mulf %mul3A_848, %sub3A_849 : vector<16xf32>
    %exp3A_851 = math.exp %mul3A_850 : vector<16xf32>
    %add3A_852 = arith.constant 1.000000e+00 : f32
    %add3A_853 = vector.broadcast %add3A_852 : f32 to vector<16xf32>
    %add3A_854 = arith.addf %add3A_853, %exp3A_851 : vector<16xf32>
    %div3A_855 = arith.divf %sub3A_845, %add3A_854 : vector<16xf32>
    %add3A_856 = arith.addf %div3A_842, %div3A_855 : vector<16xf32>
    %swap3A_857 = arith.constant 144 : index
    %swap3A_858 = tpu.vector_load %arg15[%swap3A_857] {strides = array<i32>} : memref<512xf32, #tpu.memory_space<vmem>>, vector<16xf32>,
    %swap3A_859 = vector.shape_cast %swap3A_858 : vector<16xf32> to vector<16xf32>
    %swap3A_860 = vector.shape_cast %add3A_856 : vector<16xf32> to vector<16xf32>
    tpu.vector_store %arg15[%swap3A_857], %swap3A_860 {strides = array<i32>} : memref<512xf32, #tpu.memory_space<vmem>>, vector<16xf32>,
    %get3A_861 = arith.constant 160 : index
    %get3A_862 = tpu.vector_load %arg11[%get3A_861] {strides = array<i32>} : memref<512xf32, #tpu.memory_space<vmem>>, vector<16xf32>,
    %get3A_863 = vector.shape_cast %get3A_862 : vector<16xf32> to vector<16xf32>
    %neg3A_864 = arith.constant 0.000000e+00 : f32
    %neg3A_865 = vector.broadcast %neg3A_864 : f32 to vector<16xf32>
    %neg3A_866 = arith.subf %neg3A_865, %get3A_863 : vector<16xf32>
    %exp3A_867 = math.exp %neg3A_866 : vector<16xf32>
    %add3A_868 = arith.constant 1.000000e+00 : f32
    %add3A_869 = vector.broadcast %add3A_868 : f32 to vector<16xf32>
    %add3A_870 = arith.addf %add3A_869, %exp3A_867 : vector<16xf32>
    %div3A_871 = arith.constant 1.000000e+00 : f32
    %div3A_872 = vector.broadcast %div3A_871 : f32 to vector<16xf32>
    %div3A_873 = arith.divf %div3A_872, %add3A_870 : vector<16xf32>
    %sub3A_874 = arith.constant 5.000000e-01 : f32
    %sub3A_875 = vector.broadcast %sub3A_874 : f32 to vector<16xf32>
    %sub3A_876 = arith.subf %div3A_873, %sub3A_875 : vector<16xf32>
    %mul3A_877 = arith.constant 8.000000e+00 : f32
    %mul3A_878 = vector.broadcast %mul3A_877 : f32 to vector<16xf32>
    %mul3A_879 = arith.mulf %mul3A_878, %sub3A_876 : vector<16xf32>
    %get3A_880 = arith.constant 160 : index
    %get3A_881 = tpu.vector_load %arg13[%get3A_880] {strides = array<i32>} : memref<512xf32, #tpu.memory_space<vmem>>, vector<16xf32>,
    %get3A_882 = vector.shape_cast %get3A_881 : vector<16xf32> to vector<16xf32>
    %neg3A_883 = arith.constant 0.000000e+00 : f32
    %neg3A_884 = vector.broadcast %neg3A_883 : f32 to vector<16xf32>
    %neg3A_885 = arith.subf %neg3A_884, %get3A_882 : vector<16xf32>
    %exp3A_886 = math.exp %neg3A_885 : vector<16xf32>
    %add3A_887 = arith.constant 1.000000e+00 : f32
    %add3A_888 = vector.broadcast %add3A_887 : f32 to vector<16xf32>
    %add3A_889 = arith.addf %add3A_888, %exp3A_886 : vector<16xf32>
    %div3A_890 = arith.constant 1.000000e+00 : f32
    %div3A_891 = vector.broadcast %div3A_890 : f32 to vector<16xf32>
    %div3A_892 = arith.divf %div3A_891, %add3A_889 : vector<16xf32>
    %sub3A_893 = arith.constant 5.000000e-01 : f32
    %sub3A_894 = vector.broadcast %sub3A_893 : f32 to vector<16xf32>
    %sub3A_895 = arith.subf %div3A_892, %sub3A_894 : vector<16xf32>
    %mul3A_896 = arith.constant 8.000000e+00 : f32
    %mul3A_897 = vector.broadcast %mul3A_896 : f32 to vector<16xf32>
    %mul3A_898 = arith.mulf %mul3A_897, %sub3A_895 : vector<16xf32>
    %get3A_899 = arith.constant 160 : index
    %get3A_900 = tpu.vector_load %arg12[%get3A_899] {strides = array<i32>} : memref<512xf32, #tpu.memory_space<vmem>>, vector<16xf32>,
    %get3A_901 = vector.shape_cast %get3A_900 : vector<16xf32> to vector<16xf32>
    %neg3A_902 = arith.constant 0.000000e+00 : f32
    %neg3A_903 = vector.broadcast %neg3A_902 : f32 to vector<16xf32>
    %neg3A_904 = arith.subf %neg3A_903, %get3A_901 : vector<16xf32>
    %exp3A_905 = math.exp %neg3A_904 : vector<16xf32>
    %add3A_906 = arith.constant 1.000000e+00 : f32
    %add3A_907 = vector.broadcast %add3A_906 : f32 to vector<16xf32>
    %add3A_908 = arith.addf %add3A_907, %exp3A_905 : vector<16xf32>
    %div3A_909 = arith.constant 1.000000e+00 : f32
    %div3A_910 = vector.broadcast %div3A_909 : f32 to vector<16xf32>
    %div3A_911 = arith.divf %div3A_910, %add3A_908 : vector<16xf32>
    %mul3A_912 = arith.constant 3.000000e+00 : f32
    %mul3A_913 = vector.broadcast %mul3A_912 : f32 to vector<16xf32>
    %mul3A_914 = arith.mulf %mul3A_913, %div3A_911 : vector<16xf32>
    %get3A_915 = arith.constant 160 : index
    %get3A_916 = tpu.vector_load %arg14[%get3A_915] {strides = array<i32>} : memref<512xf32, #tpu.memory_space<vmem>>, vector<16xf32>,
    %get3A_917 = vector.shape_cast %get3A_916 : vector<16xf32> to vector<16xf32>
    %neg3A_918 = arith.constant 0.000000e+00 : f32
    %neg3A_919 = vector.broadcast %neg3A_918 : f32 to vector<16xf32>
    %neg3A_920 = arith.subf %neg3A_919, %get3A_917 : vector<16xf32>
    %exp3A_921 = math.exp %neg3A_920 : vector<16xf32>
    %add3A_922 = arith.constant 1.000000e+00 : f32
    %add3A_923 = vector.broadcast %add3A_922 : f32 to vector<16xf32>
    %add3A_924 = arith.addf %add3A_923, %exp3A_921 : vector<16xf32>
    %div3A_925 = arith.constant 1.000000e+00 : f32
    %div3A_926 = vector.broadcast %div3A_925 : f32 to vector<16xf32>
    %div3A_927 = arith.divf %div3A_926, %add3A_924 : vector<16xf32>
    %sub3A_928 = arith.constant 1.000000e+00 : f32
    %sub3A_929 = vector.broadcast %sub3A_928 : f32 to vector<16xf32>
    %sub3A_930 = arith.subf %sub3A_929, %div3A_927 : vector<16xf32>
    %mul3A_931 = arith.constant -1.702000e+00 : f32
    %mul3A_932 = vector.broadcast %mul3A_931 : f32 to vector<16xf32>
    %mul3A_933 = arith.mulf %mul3A_932, %mul3A_914 : vector<16xf32>
    %sub3A_934 = arith.subf %mul3A_879, %mul3A_898 : vector<16xf32>
    %mul3A_935 = arith.mulf %mul3A_933, %sub3A_934 : vector<16xf32>
    %exp3A_936 = math.exp %mul3A_935 : vector<16xf32>
    %add3A_937 = arith.constant 1.000000e+00 : f32
    %add3A_938 = vector.broadcast %add3A_937 : f32 to vector<16xf32>
    %add3A_939 = arith.addf %add3A_938, %exp3A_936 : vector<16xf32>
    %div3A_940 = arith.divf %sub3A_930, %add3A_939 : vector<16xf32>
    %add3A_941 = arith.addf %div3A_927, %div3A_940 : vector<16xf32>
    %swap3A_942 = arith.constant 160 : index
    %swap3A_943 = tpu.vector_load %arg15[%swap3A_942] {strides = array<i32>} : memref<512xf32, #tpu.memory_space<vmem>>, vector<16xf32>,
    %swap3A_944 = vector.shape_cast %swap3A_943 : vector<16xf32> to vector<16xf32>
    %swap3A_945 = vector.shape_cast %add3A_941 : vector<16xf32> to vector<16xf32>
    tpu.vector_store %arg15[%swap3A_942], %swap3A_945 {strides = array<i32>} : memref<512xf32, #tpu.memory_space<vmem>>, vector<16xf32>,
    %get3A_946 = arith.constant 176 : index
    %get3A_947 = tpu.vector_load %arg11[%get3A_946] {strides = array<i32>} : memref<512xf32, #tpu.memory_space<vmem>>, vector<16xf32>,
    %get3A_948 = vector.shape_cast %get3A_947 : vector<16xf32> to vector<16xf32>
    %neg3A_949 = arith.constant 0.000000e+00 : f32
    %neg3A_950 = vector.broadcast %neg3A_949 : f32 to vector<16xf32>
    %neg3A_951 = arith.subf %neg3A_950, %get3A_948 : vector<16xf32>
    %exp3A_952 = math.exp %neg3A_951 : vector<16xf32>
    %add3A_953 = arith.constant 1.000000e+00 : f32
    %add3A_954 = vector.broadcast %add3A_953 : f32 to vector<16xf32>
    %add3A_955 = arith.addf %add3A_954, %exp3A_952 : vector<16xf32>
    %div3A_956 = arith.constant 1.000000e+00 : f32
    %div3A_957 = vector.broadcast %div3A_956 : f32 to vector<16xf32>
    %div3A_958 = arith.divf %div3A_957, %add3A_955 : vector<16xf32>
    %sub3A_959 = arith.constant 5.000000e-01 : f32
    %sub3A_960 = vector.broadcast %sub3A_959 : f32 to vector<16xf32>
    %sub3A_961 = arith.subf %div3A_958, %sub3A_960 : vector<16xf32>
    %mul3A_962 = arith.constant 8.000000e+00 : f32
    %mul3A_963 = vector.broadcast %mul3A_962 : f32 to vector<16xf32>
    %mul3A_964 = arith.mulf %mul3A_963, %sub3A_961 : vector<16xf32>
    %get3A_965 = arith.constant 176 : index
    %get3A_966 = tpu.vector_load %arg13[%get3A_965] {strides = array<i32>} : memref<512xf32, #tpu.memory_space<vmem>>, vector<16xf32>,
    %get3A_967 = vector.shape_cast %get3A_966 : vector<16xf32> to vector<16xf32>
    %neg3A_968 = arith.constant 0.000000e+00 : f32
    %neg3A_969 = vector.broadcast %neg3A_968 : f32 to vector<16xf32>
    %neg3A_970 = arith.subf %neg3A_969, %get3A_967 : vector<16xf32>
    %exp3A_971 = math.exp %neg3A_970 : vector<16xf32>
    %add3A_972 = arith.constant 1.000000e+00 : f32
    %add3A_973 = vector.broadcast %add3A_972 : f32 to vector<16xf32>
    %add3A_974 = arith.addf %add3A_973, %exp3A_971 : vector<16xf32>
    %div3A_975 = arith.constant 1.000000e+00 : f32
    %div3A_976 = vector.broadcast %div3A_975 : f32 to vector<16xf32>
    %div3A_977 = arith.divf %div3A_976, %add3A_974 : vector<16xf32>
    %sub3A_978 = arith.constant 5.000000e-01 : f32
    %sub3A_979 = vector.broadcast %sub3A_978 : f32 to vector<16xf32>
    %sub3A_980 = arith.subf %div3A_977, %sub3A_979 : vector<16xf32>
    %mul3A_981 = arith.constant 8.000000e+00 : f32
    %mul3A_982 = vector.broadcast %mul3A_981 : f32 to vector<16xf32>
    %mul3A_983 = arith.mulf %mul3A_982, %sub3A_980 : vector<16xf32>
    %get3A_984 = arith.constant 176 : index
    %get3A_985 = tpu.vector_load %arg12[%get3A_984] {strides = array<i32>} : memref<512xf32, #tpu.memory_space<vmem>>, vector<16xf32>,
    %get3A_986 = vector.shape_cast %get3A_985 : vector<16xf32> to vector<16xf32>
    %neg3A_987 = arith.constant 0.000000e+00 : f32
    %neg3A_988 = vector.broadcast %neg3A_987 : f32 to vector<16xf32>
    %neg3A_989 = arith.subf %neg3A_988, %get3A_986 : vector<16xf32>
    %exp3A_990 = math.exp %neg3A_989 : vector<16xf32>
    %add3A_991 = arith.constant 1.000000e+00 : f32
    %add3A_992 = vector.broadcast %add3A_991 : f32 to vector<16xf32>
    %add3A_993 = arith.addf %add3A_992, %exp3A_990 : vector<16xf32>
    %div3A_994 = arith.constant 1.000000e+00 : f32
    %div3A_995 = vector.broadcast %div3A_994 : f32 to vector<16xf32>
    %div3A_996 = arith.divf %div3A_995, %add3A_993 : vector<16xf32>
    %mul3A_997 = arith.constant 3.000000e+00 : f32
    %mul3A_998 = vector.broadcast %mul3A_997 : f32 to vector<16xf32>
    %mul3A_999 = arith.mulf %mul3A_998, %div3A_996 : vector<16xf32>
    %get3A_1000 = arith.constant 176 : index
    %get3A_1001 = tpu.vector_load %arg14[%get3A_1000] {strides = array<i32>} : memref<512xf32, #tpu.memory_space<vmem>>, vector<16xf32>,
    %get3A_1002 = vector.shape_cast %get3A_1001 : vector<16xf32> to vector<16xf32>
    %neg3A_1003 = arith.constant 0.000000e+00 : f32
    %neg3A_1004 = vector.broadcast %neg3A_1003 : f32 to vector<16xf32>
    %neg3A_1005 = arith.subf %neg3A_1004, %get3A_1002 : vector<16xf32>
    %exp3A_1006 = math.exp %neg3A_1005 : vector<16xf32>
    %add3A_1007 = arith.constant 1.000000e+00 : f32
    %add3A_1008 = vector.broadcast %add3A_1007 : f32 to vector<16xf32>
    %add3A_1009 = arith.addf %add3A_1008, %exp3A_1006 : vector<16xf32>
    %div3A_1010 = arith.constant 1.000000e+00 : f32
    %div3A_1011 = vector.broadcast %div3A_1010 : f32 to vector<16xf32>
    %div3A_1012 = arith.divf %div3A_1011, %add3A_1009 : vector<16xf32>
    %sub3A_1013 = arith.constant 1.000000e+00 : f32
    %sub3A_1014 = vector.broadcast %sub3A_1013 : f32 to vector<16xf32>
    %sub3A_1015 = arith.subf %sub3A_1014, %div3A_1012 : vector<16xf32>
    %mul3A_1016 = arith.constant -1.702000e+00 : f32
    %mul3A_1017 = vector.broadcast %mul3A_1016 : f32 to vector<16xf32>
    %mul3A_1018 = arith.mulf %mul3A_1017, %mul3A_999 : vector<16xf32>
    %sub3A_1019 = arith.subf %mul3A_964, %mul3A_983 : vector<16xf32>
    %mul3A_1020 = arith.mulf %mul3A_1018, %sub3A_1019 : vector<16xf32>
    %exp3A_1021 = math.exp %mul3A_1020 : vector<16xf32>
    %add3A_1022 = arith.constant 1.000000e+00 : f32
    %add3A_1023 = vector.broadcast %add3A_1022 : f32 to vector<16xf32>
    %add3A_1024 = arith.addf %add3A_1023, %exp3A_1021 : vector<16xf32>
    %div3A_1025 = arith.divf %sub3A_1015, %add3A_1024 : vector<16xf32>
    %add3A_1026 = arith.addf %div3A_1012, %div3A_1025 : vector<16xf32>
    %swap3A_1027 = arith.constant 176 : index
    %swap3A_1028 = tpu.vector_load %arg15[%swap3A_1027] {strides = array<i32>} : memref<512xf32, #tpu.memory_space<vmem>>, vector<16xf32>,
    %swap3A_1029 = vector.shape_cast %swap3A_1028 : vector<16xf32> to vector<16xf32>
    %swap3A_1030 = vector.shape_cast %add3A_1026 : vector<16xf32> to vector<16xf32>
    tpu.vector_store %arg15[%swap3A_1027], %swap3A_1030 {strides = array<i32>} : memref<512xf32, #tpu.memory_space<vmem>>, vector<16xf32>,
    %get3A_1031 = arith.constant 192 : index
    %get3A_1032 = tpu.vector_load %arg11[%get3A_1031] {strides = array<i32>} : memref<512xf32, #tpu.memory_space<vmem>>, vector<16xf32>,
    %get3A_1033 = vector.shape_cast %get3A_1032 : vector<16xf32> to vector<16xf32>
    %neg3A_1034 = arith.constant 0.000000e+00 : f32
    %neg3A_1035 = vector.broadcast %neg3A_1034 : f32 to vector<16xf32>
    %neg3A_1036 = arith.subf %neg3A_1035, %get3A_1033 : vector<16xf32>
    %exp3A_1037 = math.exp %neg3A_1036 : vector<16xf32>
    %add3A_1038 = arith.constant 1.000000e+00 : f32
    %add3A_1039 = vector.broadcast %add3A_1038 : f32 to vector<16xf32>
    %add3A_1040 = arith.addf %add3A_1039, %exp3A_1037 : vector<16xf32>
    %div3A_1041 = arith.constant 1.000000e+00 : f32
    %div3A_1042 = vector.broadcast %div3A_1041 : f32 to vector<16xf32>
    %div3A_1043 = arith.divf %div3A_1042, %add3A_1040 : vector<16xf32>
    %sub3A_1044 = arith.constant 5.000000e-01 : f32
    %sub3A_1045 = vector.broadcast %sub3A_1044 : f32 to vector<16xf32>
    %sub3A_1046 = arith.subf %div3A_1043, %sub3A_1045 : vector<16xf32>
    %mul3A_1047 = arith.constant 8.000000e+00 : f32
    %mul3A_1048 = vector.broadcast %mul3A_1047 : f32 to vector<16xf32>
    %mul3A_1049 = arith.mulf %mul3A_1048, %sub3A_1046 : vector<16xf32>
    %get3A_1050 = arith.constant 192 : index
    %get3A_1051 = tpu.vector_load %arg13[%get3A_1050] {strides = array<i32>} : memref<512xf32, #tpu.memory_space<vmem>>, vector<16xf32>,
    %get3A_1052 = vector.shape_cast %get3A_1051 : vector<16xf32> to vector<16xf32>
    %neg3A_1053 = arith.constant 0.000000e+00 : f32
    %neg3A_1054 = vector.broadcast %neg3A_1053 : f32 to vector<16xf32>
    %neg3A_1055 = arith.subf %neg3A_1054, %get3A_1052 : vector<16xf32>
    %exp3A_1056 = math.exp %neg3A_1055 : vector<16xf32>
    %add3A_1057 = arith.constant 1.000000e+00 : f32
    %add3A_1058 = vector.broadcast %add3A_1057 : f32 to vector<16xf32>
    %add3A_1059 = arith.addf %add3A_1058, %exp3A_1056 : vector<16xf32>
    %div3A_1060 = arith.constant 1.000000e+00 : f32
    %div3A_1061 = vector.broadcast %div3A_1060 : f32 to vector<16xf32>
    %div3A_1062 = arith.divf %div3A_1061, %add3A_1059 : vector<16xf32>
    %sub3A_1063 = arith.constant 5.000000e-01 : f32
    %sub3A_1064 = vector.broadcast %sub3A_1063 : f32 to vector<16xf32>
    %sub3A_1065 = arith.subf %div3A_1062, %sub3A_1064 : vector<16xf32>
    %mul3A_1066 = arith.constant 8.000000e+00 : f32
    %mul3A_1067 = vector.broadcast %mul3A_1066 : f32 to vector<16xf32>
    %mul3A_1068 = arith.mulf %mul3A_1067, %sub3A_1065 : vector<16xf32>
    %get3A_1069 = arith.constant 192 : index
    %get3A_1070 = tpu.vector_load %arg12[%get3A_1069] {strides = array<i32>} : memref<512xf32, #tpu.memory_space<vmem>>, vector<16xf32>,
    %get3A_1071 = vector.shape_cast %get3A_1070 : vector<16xf32> to vector<16xf32>
    %neg3A_1072 = arith.constant 0.000000e+00 : f32
    %neg3A_1073 = vector.broadcast %neg3A_1072 : f32 to vector<16xf32>
    %neg3A_1074 = arith.subf %neg3A_1073, %get3A_1071 : vector<16xf32>
    %exp3A_1075 = math.exp %neg3A_1074 : vector<16xf32>
    %add3A_1076 = arith.constant 1.000000e+00 : f32
    %add3A_1077 = vector.broadcast %add3A_1076 : f32 to vector<16xf32>
    %add3A_1078 = arith.addf %add3A_1077, %exp3A_1075 : vector<16xf32>
    %div3A_1079 = arith.constant 1.000000e+00 : f32
    %div3A_1080 = vector.broadcast %div3A_1079 : f32 to vector<16xf32>
    %div3A_1081 = arith.divf %div3A_1080, %add3A_1078 : vector<16xf32>
    %mul3A_1082 = arith.constant 3.000000e+00 : f32
    %mul3A_1083 = vector.broadcast %mul3A_1082 : f32 to vector<16xf32>
    %mul3A_1084 = arith.mulf %mul3A_1083, %div3A_1081 : vector<16xf32>
    %get3A_1085 = arith.constant 192 : index
    %get3A_1086 = tpu.vector_load %arg14[%get3A_1085] {strides = array<i32>} : memref<512xf32, #tpu.memory_space<vmem>>, vector<16xf32>,
    %get3A_1087 = vector.shape_cast %get3A_1086 : vector<16xf32> to vector<16xf32>
    %neg3A_1088 = arith.constant 0.000000e+00 : f32
    %neg3A_1089 = vector.broadcast %neg3A_1088 : f32 to vector<16xf32>
    %neg3A_1090 = arith.subf %neg3A_1089, %get3A_1087 : vector<16xf32>
    %exp3A_1091 = math.exp %neg3A_1090 : vector<16xf32>
    %add3A_1092 = arith.constant 1.000000e+00 : f32
    %add3A_1093 = vector.broadcast %add3A_1092 : f32 to vector<16xf32>
    %add3A_1094 = arith.addf %add3A_1093, %exp3A_1091 : vector<16xf32>
    %div3A_1095 = arith.constant 1.000000e+00 : f32
    %div3A_1096 = vector.broadcast %div3A_1095 : f32 to vector<16xf32>
    %div3A_1097 = arith.divf %div3A_1096, %add3A_1094 : vector<16xf32>
    %sub3A_1098 = arith.constant 1.000000e+00 : f32
    %sub3A_1099 = vector.broadcast %sub3A_1098 : f32 to vector<16xf32>
    %sub3A_1100 = arith.subf %sub3A_1099, %div3A_1097 : vector<16xf32>
    %mul3A_1101 = arith.constant -1.702000e+00 : f32
    %mul3A_1102 = vector.broadcast %mul3A_1101 : f32 to vector<16xf32>
    %mul3A_1103 = arith.mulf %mul3A_1102, %mul3A_1084 : vector<16xf32>
    %sub3A_1104 = arith.subf %mul3A_1049, %mul3A_1068 : vector<16xf32>
    %mul3A_1105 = arith.mulf %mul3A_1103, %sub3A_1104 : vector<16xf32>
    %exp3A_1106 = math.exp %mul3A_1105 : vector<16xf32>
    %add3A_1107 = arith.constant 1.000000e+00 : f32
    %add3A_1108 = vector.broadcast %add3A_1107 : f32 to vector<16xf32>
    %add3A_1109 = arith.addf %add3A_1108, %exp3A_1106 : vector<16xf32>
    %div3A_1110 = arith.divf %sub3A_1100, %add3A_1109 : vector<16xf32>
    %add3A_1111 = arith.addf %div3A_1097, %div3A_1110 : vector<16xf32>
    %swap3A_1112 = arith.constant 192 : index
    %swap3A_1113 = tpu.vector_load %arg15[%swap3A_1112] {strides = array<i32>} : memref<512xf32, #tpu.memory_space<vmem>>, vector<16xf32>,
    %swap3A_1114 = vector.shape_cast %swap3A_1113 : vector<16xf32> to vector<16xf32>
    %swap3A_1115 = vector.shape_cast %add3A_1111 : vector<16xf32> to vector<16xf32>
    tpu.vector_store %arg15[%swap3A_1112], %swap3A_1115 {strides = array<i32>} : memref<512xf32, #tpu.memory_space<vmem>>, vector<16xf32>,
    %get3A_1116 = arith.constant 208 : index
    %get3A_1117 = tpu.vector_load %arg11[%get3A_1116] {strides = array<i32>} : memref<512xf32, #tpu.memory_space<vmem>>, vector<16xf32>,
    %get3A_1118 = vector.shape_cast %get3A_1117 : vector<16xf32> to vector<16xf32>
    %neg3A_1119 = arith.constant 0.000000e+00 : f32
    %neg3A_1120 = vector.broadcast %neg3A_1119 : f32 to vector<16xf32>
    %neg3A_1121 = arith.subf %neg3A_1120, %get3A_1118 : vector<16xf32>
    %exp3A_1122 = math.exp %neg3A_1121 : vector<16xf32>
    %add3A_1123 = arith.constant 1.000000e+00 : f32
    %add3A_1124 = vector.broadcast %add3A_1123 : f32 to vector<16xf32>
    %add3A_1125 = arith.addf %add3A_1124, %exp3A_1122 : vector<16xf32>
    %div3A_1126 = arith.constant 1.000000e+00 : f32
    %div3A_1127 = vector.broadcast %div3A_1126 : f32 to vector<16xf32>
    %div3A_1128 = arith.divf %div3A_1127, %add3A_1125 : vector<16xf32>
    %sub3A_1129 = arith.constant 5.000000e-01 : f32
    %sub3A_1130 = vector.broadcast %sub3A_1129 : f32 to vector<16xf32>
    %sub3A_1131 = arith.subf %div3A_1128, %sub3A_1130 : vector<16xf32>
    %mul3A_1132 = arith.constant 8.000000e+00 : f32
    %mul3A_1133 = vector.broadcast %mul3A_1132 : f32 to vector<16xf32>
    %mul3A_1134 = arith.mulf %mul3A_1133, %sub3A_1131 : vector<16xf32>
    %get3A_1135 = arith.constant 208 : index
    %get3A_1136 = tpu.vector_load %arg13[%get3A_1135] {strides = array<i32>} : memref<512xf32, #tpu.memory_space<vmem>>, vector<16xf32>,
    %get3A_1137 = vector.shape_cast %get3A_1136 : vector<16xf32> to vector<16xf32>
    %neg3A_1138 = arith.constant 0.000000e+00 : f32
    %neg3A_1139 = vector.broadcast %neg3A_1138 : f32 to vector<16xf32>
    %neg3A_1140 = arith.subf %neg3A_1139, %get3A_1137 : vector<16xf32>
    %exp3A_1141 = math.exp %neg3A_1140 : vector<16xf32>
    %add3A_1142 = arith.constant 1.000000e+00 : f32
    %add3A_1143 = vector.broadcast %add3A_1142 : f32 to vector<16xf32>
    %add3A_1144 = arith.addf %add3A_1143, %exp3A_1141 : vector<16xf32>
    %div3A_1145 = arith.constant 1.000000e+00 : f32
    %div3A_1146 = vector.broadcast %div3A_1145 : f32 to vector<16xf32>
    %div3A_1147 = arith.divf %div3A_1146, %add3A_1144 : vector<16xf32>
    %sub3A_1148 = arith.constant 5.000000e-01 : f32
    %sub3A_1149 = vector.broadcast %sub3A_1148 : f32 to vector<16xf32>
    %sub3A_1150 = arith.subf %div3A_1147, %sub3A_1149 : vector<16xf32>
    %mul3A_1151 = arith.constant 8.000000e+00 : f32
    %mul3A_1152 = vector.broadcast %mul3A_1151 : f32 to vector<16xf32>
    %mul3A_1153 = arith.mulf %mul3A_1152, %sub3A_1150 : vector<16xf32>
    %get3A_1154 = arith.constant 208 : index
    %get3A_1155 = tpu.vector_load %arg12[%get3A_1154] {strides = array<i32>} : memref<512xf32, #tpu.memory_space<vmem>>, vector<16xf32>,
    %get3A_1156 = vector.shape_cast %get3A_1155 : vector<16xf32> to vector<16xf32>
    %neg3A_1157 = arith.constant 0.000000e+00 : f32
    %neg3A_1158 = vector.broadcast %neg3A_1157 : f32 to vector<16xf32>
    %neg3A_1159 = arith.subf %neg3A_1158, %get3A_1156 : vector<16xf32>
    %exp3A_1160 = math.exp %neg3A_1159 : vector<16xf32>
    %add3A_1161 = arith.constant 1.000000e+00 : f32
    %add3A_1162 = vector.broadcast %add3A_1161 : f32 to vector<16xf32>
    %add3A_1163 = arith.addf %add3A_1162, %exp3A_1160 : vector<16xf32>
    %div3A_1164 = arith.constant 1.000000e+00 : f32
    %div3A_1165 = vector.broadcast %div3A_1164 : f32 to vector<16xf32>
    %div3A_1166 = arith.divf %div3A_1165, %add3A_1163 : vector<16xf32>
    %mul3A_1167 = arith.constant 3.000000e+00 : f32
    %mul3A_1168 = vector.broadcast %mul3A_1167 : f32 to vector<16xf32>
    %mul3A_1169 = arith.mulf %mul3A_1168, %div3A_1166 : vector<16xf32>
    %get3A_1170 = arith.constant 208 : index
    %get3A_1171 = tpu.vector_load %arg14[%get3A_1170] {strides = array<i32>} : memref<512xf32, #tpu.memory_space<vmem>>, vector<16xf32>,
    %get3A_1172 = vector.shape_cast %get3A_1171 : vector<16xf32> to vector<16xf32>
    %neg3A_1173 = arith.constant 0.000000e+00 : f32
    %neg3A_1174 = vector.broadcast %neg3A_1173 : f32 to vector<16xf32>
    %neg3A_1175 = arith.subf %neg3A_1174, %get3A_1172 : vector<16xf32>
    %exp3A_1176 = math.exp %neg3A_1175 : vector<16xf32>
    %add3A_1177 = arith.constant 1.000000e+00 : f32
    %add3A_1178 = vector.broadcast %add3A_1177 : f32 to vector<16xf32>
    %add3A_1179 = arith.addf %add3A_1178, %exp3A_1176 : vector<16xf32>
    %div3A_1180 = arith.constant 1.000000e+00 : f32
    %div3A_1181 = vector.broadcast %div3A_1180 : f32 to vector<16xf32>
    %div3A_1182 = arith.divf %div3A_1181, %add3A_1179 : vector<16xf32>
    %sub3A_1183 = arith.constant 1.000000e+00 : f32
    %sub3A_1184 = vector.broadcast %sub3A_1183 : f32 to vector<16xf32>
    %sub3A_1185 = arith.subf %sub3A_1184, %div3A_1182 : vector<16xf32>
    %mul3A_1186 = arith.constant -1.702000e+00 : f32
    %mul3A_1187 = vector.broadcast %mul3A_1186 : f32 to vector<16xf32>
    %mul3A_1188 = arith.mulf %mul3A_1187, %mul3A_1169 : vector<16xf32>
    %sub3A_1189 = arith.subf %mul3A_1134, %mul3A_1153 : vector<16xf32>
    %mul3A_1190 = arith.mulf %mul3A_1188, %sub3A_1189 : vector<16xf32>
    %exp3A_1191 = math.exp %mul3A_1190 : vector<16xf32>
    %add3A_1192 = arith.constant 1.000000e+00 : f32
    %add3A_1193 = vector.broadcast %add3A_1192 : f32 to vector<16xf32>
    %add3A_1194 = arith.addf %add3A_1193, %exp3A_1191 : vector<16xf32>
    %div3A_1195 = arith.divf %sub3A_1185, %add3A_1194 : vector<16xf32>
    %add3A_1196 = arith.addf %div3A_1182, %div3A_1195 : vector<16xf32>
    %swap3A_1197 = arith.constant 208 : index
    %swap3A_1198 = tpu.vector_load %arg15[%swap3A_1197] {strides = array<i32>} : memref<512xf32, #tpu.memory_space<vmem>>, vector<16xf32>,
    %swap3A_1199 = vector.shape_cast %swap3A_1198 : vector<16xf32> to vector<16xf32>
    %swap3A_1200 = vector.shape_cast %add3A_1196 : vector<16xf32> to vector<16xf32>
    tpu.vector_store %arg15[%swap3A_1197], %swap3A_1200 {strides = array<i32>} : memref<512xf32, #tpu.memory_space<vmem>>, vector<16xf32>,
    %get3A_1201 = arith.constant 224 : index
    %get3A_1202 = tpu.vector_load %arg11[%get3A_1201] {strides = array<i32>} : memref<512xf32, #tpu.memory_space<vmem>>, vector<16xf32>,
    %get3A_1203 = vector.shape_cast %get3A_1202 : vector<16xf32> to vector<16xf32>
    %neg3A_1204 = arith.constant 0.000000e+00 : f32
    %neg3A_1205 = vector.broadcast %neg3A_1204 : f32 to vector<16xf32>
    %neg3A_1206 = arith.subf %neg3A_1205, %get3A_1203 : vector<16xf32>
    %exp3A_1207 = math.exp %neg3A_1206 : vector<16xf32>
    %add3A_1208 = arith.constant 1.000000e+00 : f32
    %add3A_1209 = vector.broadcast %add3A_1208 : f32 to vector<16xf32>
    %add3A_1210 = arith.addf %add3A_1209, %exp3A_1207 : vector<16xf32>
    %div3A_1211 = arith.constant 1.000000e+00 : f32
    %div3A_1212 = vector.broadcast %div3A_1211 : f32 to vector<16xf32>
    %div3A_1213 = arith.divf %div3A_1212, %add3A_1210 : vector<16xf32>
    %sub3A_1214 = arith.constant 5.000000e-01 : f32
    %sub3A_1215 = vector.broadcast %sub3A_1214 : f32 to vector<16xf32>
    %sub3A_1216 = arith.subf %div3A_1213, %sub3A_1215 : vector<16xf32>
    %mul3A_1217 = arith.constant 8.000000e+00 : f32
    %mul3A_1218 = vector.broadcast %mul3A_1217 : f32 to vector<16xf32>
    %mul3A_1219 = arith.mulf %mul3A_1218, %sub3A_1216 : vector<16xf32>
    %get3A_1220 = arith.constant 224 : index
    %get3A_1221 = tpu.vector_load %arg13[%get3A_1220] {strides = array<i32>} : memref<512xf32, #tpu.memory_space<vmem>>, vector<16xf32>,
    %get3A_1222 = vector.shape_cast %get3A_1221 : vector<16xf32> to vector<16xf32>
    %neg3A_1223 = arith.constant 0.000000e+00 : f32
    %neg3A_1224 = vector.broadcast %neg3A_1223 : f32 to vector<16xf32>
    %neg3A_1225 = arith.subf %neg3A_1224, %get3A_1222 : vector<16xf32>
    %exp3A_1226 = math.exp %neg3A_1225 : vector<16xf32>
    %add3A_1227 = arith.constant 1.000000e+00 : f32
    %add3A_1228 = vector.broadcast %add3A_1227 : f32 to vector<16xf32>
    %add3A_1229 = arith.addf %add3A_1228, %exp3A_1226 : vector<16xf32>
    %div3A_1230 = arith.constant 1.000000e+00 : f32
    %div3A_1231 = vector.broadcast %div3A_1230 : f32 to vector<16xf32>
    %div3A_1232 = arith.divf %div3A_1231, %add3A_1229 : vector<16xf32>
    %sub3A_1233 = arith.constant 5.000000e-01 : f32
    %sub3A_1234 = vector.broadcast %sub3A_1233 : f32 to vector<16xf32>
    %sub3A_1235 = arith.subf %div3A_1232, %sub3A_1234 : vector<16xf32>
    %mul3A_1236 = arith.constant 8.000000e+00 : f32
    %mul3A_1237 = vector.broadcast %mul3A_1236 : f32 to vector<16xf32>
    %mul3A_1238 = arith.mulf %mul3A_1237, %sub3A_1235 : vector<16xf32>
    %get3A_1239 = arith.constant 224 : index
    %get3A_1240 = tpu.vector_load %arg12[%get3A_1239] {strides = array<i32>} : memref<512xf32, #tpu.memory_space<vmem>>, vector<16xf32>,
    %get3A_1241 = vector.shape_cast %get3A_1240 : vector<16xf32> to vector<16xf32>
    %neg3A_1242 = arith.constant 0.000000e+00 : f32
    %neg3A_1243 = vector.broadcast %neg3A_1242 : f32 to vector<16xf32>
    %neg3A_1244 = arith.subf %neg3A_1243, %get3A_1241 : vector<16xf32>
    %exp3A_1245 = math.exp %neg3A_1244 : vector<16xf32>
    %add3A_1246 = arith.constant 1.000000e+00 : f32
    %add3A_1247 = vector.broadcast %add3A_1246 : f32 to vector<16xf32>
    %add3A_1248 = arith.addf %add3A_1247, %exp3A_1245 : vector<16xf32>
    %div3A_1249 = arith.constant 1.000000e+00 : f32
    %div3A_1250 = vector.broadcast %div3A_1249 : f32 to vector<16xf32>
    %div3A_1251 = arith.divf %div3A_1250, %add3A_1248 : vector<16xf32>
    %mul3A_1252 = arith.constant 3.000000e+00 : f32
    %mul3A_1253 = vector.broadcast %mul3A_1252 : f32 to vector<16xf32>
    %mul3A_1254 = arith.mulf %mul3A_1253, %div3A_1251 : vector<16xf32>
    %get3A_1255 = arith.constant 224 : index
    %get3A_1256 = tpu.vector_load %arg14[%get3A_1255] {strides = array<i32>} : memref<512xf32, #tpu.memory_space<vmem>>, vector<16xf32>,
    %get3A_1257 = vector.shape_cast %get3A_1256 : vector<16xf32> to vector<16xf32>
    %neg3A_1258 = arith.constant 0.000000e+00 : f32
    %neg3A_1259 = vector.broadcast %neg3A_1258 : f32 to vector<16xf32>
    %neg3A_1260 = arith.subf %neg3A_1259, %get3A_1257 : vector<16xf32>
    %exp3A_1261 = math.exp %neg3A_1260 : vector<16xf32>
    %add3A_1262 = arith.constant 1.000000e+00 : f32
    %add3A_1263 = vector.broadcast %add3A_1262 : f32 to vector<16xf32>
    %add3A_1264 = arith.addf %add3A_1263, %exp3A_1261 : vector<16xf32>
    %div3A_1265 = arith.constant 1.000000e+00 : f32
    %div3A_1266 = vector.broadcast %div3A_1265 : f32 to vector<16xf32>
    %div3A_1267 = arith.divf %div3A_1266, %add3A_1264 : vector<16xf32>
    %sub3A_1268 = arith.constant 1.000000e+00 : f32
    %sub3A_1269 = vector.broadcast %sub3A_1268 : f32 to vector<16xf32>
    %sub3A_1270 = arith.subf %sub3A_1269, %div3A_1267 : vector<16xf32>
    %mul3A_1271 = arith.constant -1.702000e+00 : f32
    %mul3A_1272 = vector.broadcast %mul3A_1271 : f32 to vector<16xf32>
    %mul3A_1273 = arith.mulf %mul3A_1272, %mul3A_1254 : vector<16xf32>
    %sub3A_1274 = arith.subf %mul3A_1219, %mul3A_1238 : vector<16xf32>
    %mul3A_1275 = arith.mulf %mul3A_1273, %sub3A_1274 : vector<16xf32>
    %exp3A_1276 = math.exp %mul3A_1275 : vector<16xf32>
    %add3A_1277 = arith.constant 1.000000e+00 : f32
    %add3A_1278 = vector.broadcast %add3A_1277 : f32 to vector<16xf32>
    %add3A_1279 = arith.addf %add3A_1278, %exp3A_1276 : vector<16xf32>
    %div3A_1280 = arith.divf %sub3A_1270, %add3A_1279 : vector<16xf32>
    %add3A_1281 = arith.addf %div3A_1267, %div3A_1280 : vector<16xf32>
    %swap3A_1282 = arith.constant 224 : index
    %swap3A_1283 = tpu.vector_load %arg15[%swap3A_1282] {strides = array<i32>} : memref<512xf32, #tpu.memory_space<vmem>>, vector<16xf32>,
    %swap3A_1284 = vector.shape_cast %swap3A_1283 : vector<16xf32> to vector<16xf32>
    %swap3A_1285 = vector.shape_cast %add3A_1281 : vector<16xf32> to vector<16xf32>
    tpu.vector_store %arg15[%swap3A_1282], %swap3A_1285 {strides = array<i32>} : memref<512xf32, #tpu.memory_space<vmem>>, vector<16xf32>,
    %get3A_1286 = arith.constant 240 : index
    %get3A_1287 = tpu.vector_load %arg11[%get3A_1286] {strides = array<i32>} : memref<512xf32, #tpu.memory_space<vmem>>, vector<16xf32>,
    %get3A_1288 = vector.shape_cast %get3A_1287 : vector<16xf32> to vector<16xf32>
    %neg3A_1289 = arith.constant 0.000000e+00 : f32
    %neg3A_1290 = vector.broadcast %neg3A_1289 : f32 to vector<16xf32>
    %neg3A_1291 = arith.subf %neg3A_1290, %get3A_1288 : vector<16xf32>
    %exp3A_1292 = math.exp %neg3A_1291 : vector<16xf32>
    %add3A_1293 = arith.constant 1.000000e+00 : f32
    %add3A_1294 = vector.broadcast %add3A_1293 : f32 to vector<16xf32>
    %add3A_1295 = arith.addf %add3A_1294, %exp3A_1292 : vector<16xf32>
    %div3A_1296 = arith.constant 1.000000e+00 : f32
    %div3A_1297 = vector.broadcast %div3A_1296 : f32 to vector<16xf32>
    %div3A_1298 = arith.divf %div3A_1297, %add3A_1295 : vector<16xf32>
    %sub3A_1299 = arith.constant 5.000000e-01 : f32
    %sub3A_1300 = vector.broadcast %sub3A_1299 : f32 to vector<16xf32>
    %sub3A_1301 = arith.subf %div3A_1298, %sub3A_1300 : vector<16xf32>
    %mul3A_1302 = arith.constant 8.000000e+00 : f32
    %mul3A_1303 = vector.broadcast %mul3A_1302 : f32 to vector<16xf32>
    %mul3A_1304 = arith.mulf %mul3A_1303, %sub3A_1301 : vector<16xf32>
    %get3A_1305 = arith.constant 240 : index
    %get3A_1306 = tpu.vector_load %arg13[%get3A_1305] {strides = array<i32>} : memref<512xf32, #tpu.memory_space<vmem>>, vector<16xf32>,
    %get3A_1307 = vector.shape_cast %get3A_1306 : vector<16xf32> to vector<16xf32>
    %neg3A_1308 = arith.constant 0.000000e+00 : f32
    %neg3A_1309 = vector.broadcast %neg3A_1308 : f32 to vector<16xf32>
    %neg3A_1310 = arith.subf %neg3A_1309, %get3A_1307 : vector<16xf32>
    %exp3A_1311 = math.exp %neg3A_1310 : vector<16xf32>
    %add3A_1312 = arith.constant 1.000000e+00 : f32
    %add3A_1313 = vector.broadcast %add3A_1312 : f32 to vector<16xf32>
    %add3A_1314 = arith.addf %add3A_1313, %exp3A_1311 : vector<16xf32>
    %div3A_1315 = arith.constant 1.000000e+00 : f32
    %div3A_1316 = vector.broadcast %div3A_1315 : f32 to vector<16xf32>
    %div3A_1317 = arith.divf %div3A_1316, %add3A_1314 : vector<16xf32>
    %sub3A_1318 = arith.constant 5.000000e-01 : f32
    %sub3A_1319 = vector.broadcast %sub3A_1318 : f32 to vector<16xf32>
    %sub3A_1320 = arith.subf %div3A_1317, %sub3A_1319 : vector<16xf32>
    %mul3A_1321 = arith.constant 8.000000e+00 : f32
    %mul3A_1322 = vector.broadcast %mul3A_1321 : f32 to vector<16xf32>
    %mul3A_1323 = arith.mulf %mul3A_1322, %sub3A_1320 : vector<16xf32>
    %get3A_1324 = arith.constant 240 : index
    %get3A_1325 = tpu.vector_load %arg12[%get3A_1324] {strides = array<i32>} : memref<512xf32, #tpu.memory_space<vmem>>, vector<16xf32>,
    %get3A_1326 = vector.shape_cast %get3A_1325 : vector<16xf32> to vector<16xf32>
    %neg3A_1327 = arith.constant 0.000000e+00 : f32
    %neg3A_1328 = vector.broadcast %neg3A_1327 : f32 to vector<16xf32>
    %neg3A_1329 = arith.subf %neg3A_1328, %get3A_1326 : vector<16xf32>
    %exp3A_1330 = math.exp %neg3A_1329 : vector<16xf32>
    %add3A_1331 = arith.constant 1.000000e+00 : f32
    %add3A_1332 = vector.broadcast %add3A_1331 : f32 to vector<16xf32>
    %add3A_1333 = arith.addf %add3A_1332, %exp3A_1330 : vector<16xf32>
    %div3A_1334 = arith.constant 1.000000e+00 : f32
    %div3A_1335 = vector.broadcast %div3A_1334 : f32 to vector<16xf32>
    %div3A_1336 = arith.divf %div3A_1335, %add3A_1333 : vector<16xf32>
    %mul3A_1337 = arith.constant 3.000000e+00 : f32
    %mul3A_1338 = vector.broadcast %mul3A_1337 : f32 to vector<16xf32>
    %mul3A_1339 = arith.mulf %mul3A_1338, %div3A_1336 : vector<16xf32>
    %get3A_1340 = arith.constant 240 : index
    %get3A_1341 = tpu.vector_load %arg14[%get3A_1340] {strides = array<i32>} : memref<512xf32, #tpu.memory_space<vmem>>, vector<16xf32>,
    %get3A_1342 = vector.shape_cast %get3A_1341 : vector<16xf32> to vector<16xf32>
    %neg3A_1343 = arith.constant 0.000000e+00 : f32
    %neg3A_1344 = vector.broadcast %neg3A_1343 : f32 to vector<16xf32>
    %neg3A_1345 = arith.subf %neg3A_1344, %get3A_1342 : vector<16xf32>
    %exp3A_1346 = math.exp %neg3A_1345 : vector<16xf32>
    %add3A_1347 = arith.constant 1.000000e+00 : f32
    %add3A_1348 = vector.broadcast %add3A_1347 : f32 to vector<16xf32>
    %add3A_1349 = arith.addf %add3A_1348, %exp3A_1346 : vector<16xf32>
    %div3A_1350 = arith.constant 1.000000e+00 : f32
    %div3A_1351 = vector.broadcast %div3A_1350 : f32 to vector<16xf32>
    %div3A_1352 = arith.divf %div3A_1351, %add3A_1349 : vector<16xf32>
    %sub3A_1353 = arith.constant 1.000000e+00 : f32
    %sub3A_1354 = vector.broadcast %sub3A_1353 : f32 to vector<16xf32>
    %sub3A_1355 = arith.subf %sub3A_1354, %div3A_1352 : vector<16xf32>
    %mul3A_1356 = arith.constant -1.702000e+00 : f32
    %mul3A_1357 = vector.broadcast %mul3A_1356 : f32 to vector<16xf32>
    %mul3A_1358 = arith.mulf %mul3A_1357, %mul3A_1339 : vector<16xf32>
    %sub3A_1359 = arith.subf %mul3A_1304, %mul3A_1323 : vector<16xf32>
    %mul3A_1360 = arith.mulf %mul3A_1358, %sub3A_1359 : vector<16xf32>
    %exp3A_1361 = math.exp %mul3A_1360 : vector<16xf32>
    %add3A_1362 = arith.constant 1.000000e+00 : f32
    %add3A_1363 = vector.broadcast %add3A_1362 : f32 to vector<16xf32>
    %add3A_1364 = arith.addf %add3A_1363, %exp3A_1361 : vector<16xf32>
    %div3A_1365 = arith.divf %sub3A_1355, %add3A_1364 : vector<16xf32>
    %add3A_1366 = arith.addf %div3A_1352, %div3A_1365 : vector<16xf32>
    %swap3A_1367 = arith.constant 240 : index
    %swap3A_1368 = tpu.vector_load %arg15[%swap3A_1367] {strides = array<i32>} : memref<512xf32, #tpu.memory_space<vmem>>, vector<16xf32>,
    %swap3A_1369 = vector.shape_cast %swap3A_1368 : vector<16xf32> to vector<16xf32>
    %swap3A_1370 = vector.shape_cast %add3A_1366 : vector<16xf32> to vector<16xf32>
    tpu.vector_store %arg15[%swap3A_1367], %swap3A_1370 {strides = array<i32>} : memref<512xf32, #tpu.memory_space<vmem>>, vector<16xf32>,
    %get3A_1371 = arith.constant 256 : index
    %get3A_1372 = tpu.vector_load %arg11[%get3A_1371] {strides = array<i32>} : memref<512xf32, #tpu.memory_space<vmem>>, vector<16xf32>,
    %get3A_1373 = vector.shape_cast %get3A_1372 : vector<16xf32> to vector<16xf32>
    %neg3A_1374 = arith.constant 0.000000e+00 : f32
    %neg3A_1375 = vector.broadcast %neg3A_1374 : f32 to vector<16xf32>
    %neg3A_1376 = arith.subf %neg3A_1375, %get3A_1373 : vector<16xf32>
    %exp3A_1377 = math.exp %neg3A_1376 : vector<16xf32>
    %add3A_1378 = arith.constant 1.000000e+00 : f32
    %add3A_1379 = vector.broadcast %add3A_1378 : f32 to vector<16xf32>
    %add3A_1380 = arith.addf %add3A_1379, %exp3A_1377 : vector<16xf32>
    %div3A_1381 = arith.constant 1.000000e+00 : f32
    %div3A_1382 = vector.broadcast %div3A_1381 : f32 to vector<16xf32>
    %div3A_1383 = arith.divf %div3A_1382, %add3A_1380 : vector<16xf32>
    %sub3A_1384 = arith.constant 5.000000e-01 : f32
    %sub3A_1385 = vector.broadcast %sub3A_1384 : f32 to vector<16xf32>
    %sub3A_1386 = arith.subf %div3A_1383, %sub3A_1385 : vector<16xf32>
    %mul3A_1387 = arith.constant 8.000000e+00 : f32
    %mul3A_1388 = vector.broadcast %mul3A_1387 : f32 to vector<16xf32>
    %mul3A_1389 = arith.mulf %mul3A_1388, %sub3A_1386 : vector<16xf32>
    %get3A_1390 = arith.constant 256 : index
    %get3A_1391 = tpu.vector_load %arg13[%get3A_1390] {strides = array<i32>} : memref<512xf32, #tpu.memory_space<vmem>>, vector<16xf32>,
    %get3A_1392 = vector.shape_cast %get3A_1391 : vector<16xf32> to vector<16xf32>
    %neg3A_1393 = arith.constant 0.000000e+00 : f32
    %neg3A_1394 = vector.broadcast %neg3A_1393 : f32 to vector<16xf32>
    %neg3A_1395 = arith.subf %neg3A_1394, %get3A_1392 : vector<16xf32>
    %exp3A_1396 = math.exp %neg3A_1395 : vector<16xf32>
    %add3A_1397 = arith.constant 1.000000e+00 : f32
    %add3A_1398 = vector.broadcast %add3A_1397 : f32 to vector<16xf32>
    %add3A_1399 = arith.addf %add3A_1398, %exp3A_1396 : vector<16xf32>
    %div3A_1400 = arith.constant 1.000000e+00 : f32
    %div3A_1401 = vector.broadcast %div3A_1400 : f32 to vector<16xf32>
    %div3A_1402 = arith.divf %div3A_1401, %add3A_1399 : vector<16xf32>
    %sub3A_1403 = arith.constant 5.000000e-01 : f32
    %sub3A_1404 = vector.broadcast %sub3A_1403 : f32 to vector<16xf32>
    %sub3A_1405 = arith.subf %div3A_1402, %sub3A_1404 : vector<16xf32>
    %mul3A_1406 = arith.constant 8.000000e+00 : f32
    %mul3A_1407 = vector.broadcast %mul3A_1406 : f32 to vector<16xf32>
    %mul3A_1408 = arith.mulf %mul3A_1407, %sub3A_1405 : vector<16xf32>
    %get3A_1409 = arith.constant 256 : index
    %get3A_1410 = tpu.vector_load %arg12[%get3A_1409] {strides = array<i32>} : memref<512xf32, #tpu.memory_space<vmem>>, vector<16xf32>,
    %get3A_1411 = vector.shape_cast %get3A_1410 : vector<16xf32> to vector<16xf32>
    %neg3A_1412 = arith.constant 0.000000e+00 : f32
    %neg3A_1413 = vector.broadcast %neg3A_1412 : f32 to vector<16xf32>
    %neg3A_1414 = arith.subf %neg3A_1413, %get3A_1411 : vector<16xf32>
    %exp3A_1415 = math.exp %neg3A_1414 : vector<16xf32>
    %add3A_1416 = arith.constant 1.000000e+00 : f32
    %add3A_1417 = vector.broadcast %add3A_1416 : f32 to vector<16xf32>
    %add3A_1418 = arith.addf %add3A_1417, %exp3A_1415 : vector<16xf32>
    %div3A_1419 = arith.constant 1.000000e+00 : f32
    %div3A_1420 = vector.broadcast %div3A_1419 : f32 to vector<16xf32>
    %div3A_1421 = arith.divf %div3A_1420, %add3A_1418 : vector<16xf32>
    %mul3A_1422 = arith.constant 3.000000e+00 : f32
    %mul3A_1423 = vector.broadcast %mul3A_1422 : f32 to vector<16xf32>
    %mul3A_1424 = arith.mulf %mul3A_1423, %div3A_1421 : vector<16xf32>
    %get3A_1425 = arith.constant 256 : index
    %get3A_1426 = tpu.vector_load %arg14[%get3A_1425] {strides = array<i32>} : memref<512xf32, #tpu.memory_space<vmem>>, vector<16xf32>,
    %get3A_1427 = vector.shape_cast %get3A_1426 : vector<16xf32> to vector<16xf32>
    %neg3A_1428 = arith.constant 0.000000e+00 : f32
    %neg3A_1429 = vector.broadcast %neg3A_1428 : f32 to vector<16xf32>
    %neg3A_1430 = arith.subf %neg3A_1429, %get3A_1427 : vector<16xf32>
    %exp3A_1431 = math.exp %neg3A_1430 : vector<16xf32>
    %add3A_1432 = arith.constant 1.000000e+00 : f32
    %add3A_1433 = vector.broadcast %add3A_1432 : f32 to vector<16xf32>
    %add3A_1434 = arith.addf %add3A_1433, %exp3A_1431 : vector<16xf32>
    %div3A_1435 = arith.constant 1.000000e+00 : f32
    %div3A_1436 = vector.broadcast %div3A_1435 : f32 to vector<16xf32>
    %div3A_1437 = arith.divf %div3A_1436, %add3A_1434 : vector<16xf32>
    %sub3A_1438 = arith.constant 1.000000e+00 : f32
    %sub3A_1439 = vector.broadcast %sub3A_1438 : f32 to vector<16xf32>
    %sub3A_1440 = arith.subf %sub3A_1439, %div3A_1437 : vector<16xf32>
    %mul3A_1441 = arith.constant -1.702000e+00 : f32
    %mul3A_1442 = vector.broadcast %mul3A_1441 : f32 to vector<16xf32>
    %mul3A_1443 = arith.mulf %mul3A_1442, %mul3A_1424 : vector<16xf32>
    %sub3A_1444 = arith.subf %mul3A_1389, %mul3A_1408 : vector<16xf32>
    %mul3A_1445 = arith.mulf %mul3A_1443, %sub3A_1444 : vector<16xf32>
    %exp3A_1446 = math.exp %mul3A_1445 : vector<16xf32>
    %add3A_1447 = arith.constant 1.000000e+00 : f32
    %add3A_1448 = vector.broadcast %add3A_1447 : f32 to vector<16xf32>
    %add3A_1449 = arith.addf %add3A_1448, %exp3A_1446 : vector<16xf32>
    %div3A_1450 = arith.divf %sub3A_1440, %add3A_1449 : vector<16xf32>
    %add3A_1451 = arith.addf %div3A_1437, %div3A_1450 : vector<16xf32>
    %swap3A_1452 = arith.constant 256 : index
    %swap3A_1453 = tpu.vector_load %arg15[%swap3A_1452] {strides = array<i32>} : memref<512xf32, #tpu.memory_space<vmem>>, vector<16xf32>,
    %swap3A_1454 = vector.shape_cast %swap3A_1453 : vector<16xf32> to vector<16xf32>
    %swap3A_1455 = vector.shape_cast %add3A_1451 : vector<16xf32> to vector<16xf32>
    tpu.vector_store %arg15[%swap3A_1452], %swap3A_1455 {strides = array<i32>} : memref<512xf32, #tpu.memory_space<vmem>>, vector<16xf32>,
    %get3A_1456 = arith.constant 272 : index
    %get3A_1457 = tpu.vector_load %arg11[%get3A_1456] {strides = array<i32>} : memref<512xf32, #tpu.memory_space<vmem>>, vector<16xf32>,
    %get3A_1458 = vector.shape_cast %get3A_1457 : vector<16xf32> to vector<16xf32>
    %neg3A_1459 = arith.constant 0.000000e+00 : f32
    %neg3A_1460 = vector.broadcast %neg3A_1459 : f32 to vector<16xf32>
    %neg3A_1461 = arith.subf %neg3A_1460, %get3A_1458 : vector<16xf32>
    %exp3A_1462 = math.exp %neg3A_1461 : vector<16xf32>
    %add3A_1463 = arith.constant 1.000000e+00 : f32
    %add3A_1464 = vector.broadcast %add3A_1463 : f32 to vector<16xf32>
    %add3A_1465 = arith.addf %add3A_1464, %exp3A_1462 : vector<16xf32>
    %div3A_1466 = arith.constant 1.000000e+00 : f32
    %div3A_1467 = vector.broadcast %div3A_1466 : f32 to vector<16xf32>
    %div3A_1468 = arith.divf %div3A_1467, %add3A_1465 : vector<16xf32>
    %sub3A_1469 = arith.constant 5.000000e-01 : f32
    %sub3A_1470 = vector.broadcast %sub3A_1469 : f32 to vector<16xf32>
    %sub3A_1471 = arith.subf %div3A_1468, %sub3A_1470 : vector<16xf32>
    %mul3A_1472 = arith.constant 8.000000e+00 : f32
    %mul3A_1473 = vector.broadcast %mul3A_1472 : f32 to vector<16xf32>
    %mul3A_1474 = arith.mulf %mul3A_1473, %sub3A_1471 : vector<16xf32>
    %get3A_1475 = arith.constant 272 : index
    %get3A_1476 = tpu.vector_load %arg13[%get3A_1475] {strides = array<i32>} : memref<512xf32, #tpu.memory_space<vmem>>, vector<16xf32>,
    %get3A_1477 = vector.shape_cast %get3A_1476 : vector<16xf32> to vector<16xf32>
    %neg3A_1478 = arith.constant 0.000000e+00 : f32
    %neg3A_1479 = vector.broadcast %neg3A_1478 : f32 to vector<16xf32>
    %neg3A_1480 = arith.subf %neg3A_1479, %get3A_1477 : vector<16xf32>
    %exp3A_1481 = math.exp %neg3A_1480 : vector<16xf32>
    %add3A_1482 = arith.constant 1.000000e+00 : f32
    %add3A_1483 = vector.broadcast %add3A_1482 : f32 to vector<16xf32>
    %add3A_1484 = arith.addf %add3A_1483, %exp3A_1481 : vector<16xf32>
    %div3A_1485 = arith.constant 1.000000e+00 : f32
    %div3A_1486 = vector.broadcast %div3A_1485 : f32 to vector<16xf32>
    %div3A_1487 = arith.divf %div3A_1486, %add3A_1484 : vector<16xf32>
    %sub3A_1488 = arith.constant 5.000000e-01 : f32
    %sub3A_1489 = vector.broadcast %sub3A_1488 : f32 to vector<16xf32>
    %sub3A_1490 = arith.subf %div3A_1487, %sub3A_1489 : vector<16xf32>
    %mul3A_1491 = arith.constant 8.000000e+00 : f32
    %mul3A_1492 = vector.broadcast %mul3A_1491 : f32 to vector<16xf32>
    %mul3A_1493 = arith.mulf %mul3A_1492, %sub3A_1490 : vector<16xf32>
    %get3A_1494 = arith.constant 272 : index
    %get3A_1495 = tpu.vector_load %arg12[%get3A_1494] {strides = array<i32>} : memref<512xf32, #tpu.memory_space<vmem>>, vector<16xf32>,
    %get3A_1496 = vector.shape_cast %get3A_1495 : vector<16xf32> to vector<16xf32>
    %neg3A_1497 = arith.constant 0.000000e+00 : f32
    %neg3A_1498 = vector.broadcast %neg3A_1497 : f32 to vector<16xf32>
    %neg3A_1499 = arith.subf %neg3A_1498, %get3A_1496 : vector<16xf32>
    %exp3A_1500 = math.exp %neg3A_1499 : vector<16xf32>
    %add3A_1501 = arith.constant 1.000000e+00 : f32
    %add3A_1502 = vector.broadcast %add3A_1501 : f32 to vector<16xf32>
    %add3A_1503 = arith.addf %add3A_1502, %exp3A_1500 : vector<16xf32>
    %div3A_1504 = arith.constant 1.000000e+00 : f32
    %div3A_1505 = vector.broadcast %div3A_1504 : f32 to vector<16xf32>
    %div3A_1506 = arith.divf %div3A_1505, %add3A_1503 : vector<16xf32>
    %mul3A_1507 = arith.constant 3.000000e+00 : f32
    %mul3A_1508 = vector.broadcast %mul3A_1507 : f32 to vector<16xf32>
    %mul3A_1509 = arith.mulf %mul3A_1508, %div3A_1506 : vector<16xf32>
    %get3A_1510 = arith.constant 272 : index
    %get3A_1511 = tpu.vector_load %arg14[%get3A_1510] {strides = array<i32>} : memref<512xf32, #tpu.memory_space<vmem>>, vector<16xf32>,
    %get3A_1512 = vector.shape_cast %get3A_1511 : vector<16xf32> to vector<16xf32>
    %neg3A_1513 = arith.constant 0.000000e+00 : f32
    %neg3A_1514 = vector.broadcast %neg3A_1513 : f32 to vector<16xf32>
    %neg3A_1515 = arith.subf %neg3A_1514, %get3A_1512 : vector<16xf32>
    %exp3A_1516 = math.exp %neg3A_1515 : vector<16xf32>
    %add3A_1517 = arith.constant 1.000000e+00 : f32
    %add3A_1518 = vector.broadcast %add3A_1517 : f32 to vector<16xf32>
    %add3A_1519 = arith.addf %add3A_1518, %exp3A_1516 : vector<16xf32>
    %div3A_1520 = arith.constant 1.000000e+00 : f32
    %div3A_1521 = vector.broadcast %div3A_1520 : f32 to vector<16xf32>
    %div3A_1522 = arith.divf %div3A_1521, %add3A_1519 : vector<16xf32>
    %sub3A_1523 = arith.constant 1.000000e+00 : f32
    %sub3A_1524 = vector.broadcast %sub3A_1523 : f32 to vector<16xf32>
    %sub3A_1525 = arith.subf %sub3A_1524, %div3A_1522 : vector<16xf32>
    %mul3A_1526 = arith.constant -1.702000e+00 : f32
    %mul3A_1527 = vector.broadcast %mul3A_1526 : f32 to vector<16xf32>
    %mul3A_1528 = arith.mulf %mul3A_1527, %mul3A_1509 : vector<16xf32>
    %sub3A_1529 = arith.subf %mul3A_1474, %mul3A_1493 : vector<16xf32>
    %mul3A_1530 = arith.mulf %mul3A_1528, %sub3A_1529 : vector<16xf32>
    %exp3A_1531 = math.exp %mul3A_1530 : vector<16xf32>
    %add3A_1532 = arith.constant 1.000000e+00 : f32
    %add3A_1533 = vector.broadcast %add3A_1532 : f32 to vector<16xf32>
    %add3A_1534 = arith.addf %add3A_1533, %exp3A_1531 : vector<16xf32>
    %div3A_1535 = arith.divf %sub3A_1525, %add3A_1534 : vector<16xf32>
    %add3A_1536 = arith.addf %div3A_1522, %div3A_1535 : vector<16xf32>
    %swap3A_1537 = arith.constant 272 : index
    %swap3A_1538 = tpu.vector_load %arg15[%swap3A_1537] {strides = array<i32>} : memref<512xf32, #tpu.memory_space<vmem>>, vector<16xf32>,
    %swap3A_1539 = vector.shape_cast %swap3A_1538 : vector<16xf32> to vector<16xf32>
    %swap3A_1540 = vector.shape_cast %add3A_1536 : vector<16xf32> to vector<16xf32>
    tpu.vector_store %arg15[%swap3A_1537], %swap3A_1540 {strides = array<i32>} : memref<512xf32, #tpu.memory_space<vmem>>, vector<16xf32>,
    %get3A_1541 = arith.constant 288 : index
    %get3A_1542 = tpu.vector_load %arg11[%get3A_1541] {strides = array<i32>} : memref<512xf32, #tpu.memory_space<vmem>>, vector<16xf32>,
    %get3A_1543 = vector.shape_cast %get3A_1542 : vector<16xf32> to vector<16xf32>
    %neg3A_1544 = arith.constant 0.000000e+00 : f32
    %neg3A_1545 = vector.broadcast %neg3A_1544 : f32 to vector<16xf32>
    %neg3A_1546 = arith.subf %neg3A_1545, %get3A_1543 : vector<16xf32>
    %exp3A_1547 = math.exp %neg3A_1546 : vector<16xf32>
    %add3A_1548 = arith.constant 1.000000e+00 : f32
    %add3A_1549 = vector.broadcast %add3A_1548 : f32 to vector<16xf32>
    %add3A_1550 = arith.addf %add3A_1549, %exp3A_1547 : vector<16xf32>
    %div3A_1551 = arith.constant 1.000000e+00 : f32
    %div3A_1552 = vector.broadcast %div3A_1551 : f32 to vector<16xf32>
    %div3A_1553 = arith.divf %div3A_1552, %add3A_1550 : vector<16xf32>
    %sub3A_1554 = arith.constant 5.000000e-01 : f32
    %sub3A_1555 = vector.broadcast %sub3A_1554 : f32 to vector<16xf32>
    %sub3A_1556 = arith.subf %div3A_1553, %sub3A_1555 : vector<16xf32>
    %mul3A_1557 = arith.constant 8.000000e+00 : f32
    %mul3A_1558 = vector.broadcast %mul3A_1557 : f32 to vector<16xf32>
    %mul3A_1559 = arith.mulf %mul3A_1558, %sub3A_1556 : vector<16xf32>
    %get3A_1560 = arith.constant 288 : index
    %get3A_1561 = tpu.vector_load %arg13[%get3A_1560] {strides = array<i32>} : memref<512xf32, #tpu.memory_space<vmem>>, vector<16xf32>,
    %get3A_1562 = vector.shape_cast %get3A_1561 : vector<16xf32> to vector<16xf32>
    %neg3A_1563 = arith.constant 0.000000e+00 : f32
    %neg3A_1564 = vector.broadcast %neg3A_1563 : f32 to vector<16xf32>
    %neg3A_1565 = arith.subf %neg3A_1564, %get3A_1562 : vector<16xf32>
    %exp3A_1566 = math.exp %neg3A_1565 : vector<16xf32>
    %add3A_1567 = arith.constant 1.000000e+00 : f32
    %add3A_1568 = vector.broadcast %add3A_1567 : f32 to vector<16xf32>
    %add3A_1569 = arith.addf %add3A_1568, %exp3A_1566 : vector<16xf32>
    %div3A_1570 = arith.constant 1.000000e+00 : f32
    %div3A_1571 = vector.broadcast %div3A_1570 : f32 to vector<16xf32>
    %div3A_1572 = arith.divf %div3A_1571, %add3A_1569 : vector<16xf32>
    %sub3A_1573 = arith.constant 5.000000e-01 : f32
    %sub3A_1574 = vector.broadcast %sub3A_1573 : f32 to vector<16xf32>
    %sub3A_1575 = arith.subf %div3A_1572, %sub3A_1574 : vector<16xf32>
    %mul3A_1576 = arith.constant 8.000000e+00 : f32
    %mul3A_1577 = vector.broadcast %mul3A_1576 : f32 to vector<16xf32>
    %mul3A_1578 = arith.mulf %mul3A_1577, %sub3A_1575 : vector<16xf32>
    %get3A_1579 = arith.constant 288 : index
    %get3A_1580 = tpu.vector_load %arg12[%get3A_1579] {strides = array<i32>} : memref<512xf32, #tpu.memory_space<vmem>>, vector<16xf32>,
    %get3A_1581 = vector.shape_cast %get3A_1580 : vector<16xf32> to vector<16xf32>
    %neg3A_1582 = arith.constant 0.000000e+00 : f32
    %neg3A_1583 = vector.broadcast %neg3A_1582 : f32 to vector<16xf32>
    %neg3A_1584 = arith.subf %neg3A_1583, %get3A_1581 : vector<16xf32>
    %exp3A_1585 = math.exp %neg3A_1584 : vector<16xf32>
    %add3A_1586 = arith.constant 1.000000e+00 : f32
    %add3A_1587 = vector.broadcast %add3A_1586 : f32 to vector<16xf32>
    %add3A_1588 = arith.addf %add3A_1587, %exp3A_1585 : vector<16xf32>
    %div3A_1589 = arith.constant 1.000000e+00 : f32
    %div3A_1590 = vector.broadcast %div3A_1589 : f32 to vector<16xf32>
    %div3A_1591 = arith.divf %div3A_1590, %add3A_1588 : vector<16xf32>
    %mul3A_1592 = arith.constant 3.000000e+00 : f32
    %mul3A_1593 = vector.broadcast %mul3A_1592 : f32 to vector<16xf32>
    %mul3A_1594 = arith.mulf %mul3A_1593, %div3A_1591 : vector<16xf32>
    %get3A_1595 = arith.constant 288 : index
    %get3A_1596 = tpu.vector_load %arg14[%get3A_1595] {strides = array<i32>} : memref<512xf32, #tpu.memory_space<vmem>>, vector<16xf32>,
    %get3A_1597 = vector.shape_cast %get3A_1596 : vector<16xf32> to vector<16xf32>
    %neg3A_1598 = arith.constant 0.000000e+00 : f32
    %neg3A_1599 = vector.broadcast %neg3A_1598 : f32 to vector<16xf32>
    %neg3A_1600 = arith.subf %neg3A_1599, %get3A_1597 : vector<16xf32>
    %exp3A_1601 = math.exp %neg3A_1600 : vector<16xf32>
    %add3A_1602 = arith.constant 1.000000e+00 : f32
    %add3A_1603 = vector.broadcast %add3A_1602 : f32 to vector<16xf32>
    %add3A_1604 = arith.addf %add3A_1603, %exp3A_1601 : vector<16xf32>
    %div3A_1605 = arith.constant 1.000000e+00 : f32
    %div3A_1606 = vector.broadcast %div3A_1605 : f32 to vector<16xf32>
    %div3A_1607 = arith.divf %div3A_1606, %add3A_1604 : vector<16xf32>
    %sub3A_1608 = arith.constant 1.000000e+00 : f32
    %sub3A_1609 = vector.broadcast %sub3A_1608 : f32 to vector<16xf32>
    %sub3A_1610 = arith.subf %sub3A_1609, %div3A_1607 : vector<16xf32>
    %mul3A_1611 = arith.constant -1.702000e+00 : f32
    %mul3A_1612 = vector.broadcast %mul3A_1611 : f32 to vector<16xf32>
    %mul3A_1613 = arith.mulf %mul3A_1612, %mul3A_1594 : vector<16xf32>
    %sub3A_1614 = arith.subf %mul3A_1559, %mul3A_1578 : vector<16xf32>
    %mul3A_1615 = arith.mulf %mul3A_1613, %sub3A_1614 : vector<16xf32>
    %exp3A_1616 = math.exp %mul3A_1615 : vector<16xf32>
    %add3A_1617 = arith.constant 1.000000e+00 : f32
    %add3A_1618 = vector.broadcast %add3A_1617 : f32 to vector<16xf32>
    %add3A_1619 = arith.addf %add3A_1618, %exp3A_1616 : vector<16xf32>
    %div3A_1620 = arith.divf %sub3A_1610, %add3A_1619 : vector<16xf32>
    %add3A_1621 = arith.addf %div3A_1607, %div3A_1620 : vector<16xf32>
    %swap3A_1622 = arith.constant 288 : index
    %swap3A_1623 = tpu.vector_load %arg15[%swap3A_1622] {strides = array<i32>} : memref<512xf32, #tpu.memory_space<vmem>>, vector<16xf32>,
    %swap3A_1624 = vector.shape_cast %swap3A_1623 : vector<16xf32> to vector<16xf32>
    %swap3A_1625 = vector.shape_cast %add3A_1621 : vector<16xf32> to vector<16xf32>
    tpu.vector_store %arg15[%swap3A_1622], %swap3A_1625 {strides = array<i32>} : memref<512xf32, #tpu.memory_space<vmem>>, vector<16xf32>,
    %get3A_1626 = arith.constant 304 : index
    %get3A_1627 = tpu.vector_load %arg11[%get3A_1626] {strides = array<i32>} : memref<512xf32, #tpu.memory_space<vmem>>, vector<16xf32>,
    %get3A_1628 = vector.shape_cast %get3A_1627 : vector<16xf32> to vector<16xf32>
    %neg3A_1629 = arith.constant 0.000000e+00 : f32
    %neg3A_1630 = vector.broadcast %neg3A_1629 : f32 to vector<16xf32>
    %neg3A_1631 = arith.subf %neg3A_1630, %get3A_1628 : vector<16xf32>
    %exp3A_1632 = math.exp %neg3A_1631 : vector<16xf32>
    %add3A_1633 = arith.constant 1.000000e+00 : f32
    %add3A_1634 = vector.broadcast %add3A_1633 : f32 to vector<16xf32>
    %add3A_1635 = arith.addf %add3A_1634, %exp3A_1632 : vector<16xf32>
    %div3A_1636 = arith.constant 1.000000e+00 : f32
    %div3A_1637 = vector.broadcast %div3A_1636 : f32 to vector<16xf32>
    %div3A_1638 = arith.divf %div3A_1637, %add3A_1635 : vector<16xf32>
    %sub3A_1639 = arith.constant 5.000000e-01 : f32
    %sub3A_1640 = vector.broadcast %sub3A_1639 : f32 to vector<16xf32>
    %sub3A_1641 = arith.subf %div3A_1638, %sub3A_1640 : vector<16xf32>
    %mul3A_1642 = arith.constant 8.000000e+00 : f32
    %mul3A_1643 = vector.broadcast %mul3A_1642 : f32 to vector<16xf32>
    %mul3A_1644 = arith.mulf %mul3A_1643, %sub3A_1641 : vector<16xf32>
    %get3A_1645 = arith.constant 304 : index
    %get3A_1646 = tpu.vector_load %arg13[%get3A_1645] {strides = array<i32>} : memref<512xf32, #tpu.memory_space<vmem>>, vector<16xf32>,
    %get3A_1647 = vector.shape_cast %get3A_1646 : vector<16xf32> to vector<16xf32>
    %neg3A_1648 = arith.constant 0.000000e+00 : f32
    %neg3A_1649 = vector.broadcast %neg3A_1648 : f32 to vector<16xf32>
    %neg3A_1650 = arith.subf %neg3A_1649, %get3A_1647 : vector<16xf32>
    %exp3A_1651 = math.exp %neg3A_1650 : vector<16xf32>
    %add3A_1652 = arith.constant 1.000000e+00 : f32
    %add3A_1653 = vector.broadcast %add3A_1652 : f32 to vector<16xf32>
    %add3A_1654 = arith.addf %add3A_1653, %exp3A_1651 : vector<16xf32>
    %div3A_1655 = arith.constant 1.000000e+00 : f32
    %div3A_1656 = vector.broadcast %div3A_1655 : f32 to vector<16xf32>
    %div3A_1657 = arith.divf %div3A_1656, %add3A_1654 : vector<16xf32>
    %sub3A_1658 = arith.constant 5.000000e-01 : f32
    %sub3A_1659 = vector.broadcast %sub3A_1658 : f32 to vector<16xf32>
    %sub3A_1660 = arith.subf %div3A_1657, %sub3A_1659 : vector<16xf32>
    %mul3A_1661 = arith.constant 8.000000e+00 : f32
    %mul3A_1662 = vector.broadcast %mul3A_1661 : f32 to vector<16xf32>
    %mul3A_1663 = arith.mulf %mul3A_1662, %sub3A_1660 : vector<16xf32>
    %get3A_1664 = arith.constant 304 : index
    %get3A_1665 = tpu.vector_load %arg12[%get3A_1664] {strides = array<i32>} : memref<512xf32, #tpu.memory_space<vmem>>, vector<16xf32>,
    %get3A_1666 = vector.shape_cast %get3A_1665 : vector<16xf32> to vector<16xf32>
    %neg3A_1667 = arith.constant 0.000000e+00 : f32
    %neg3A_1668 = vector.broadcast %neg3A_1667 : f32 to vector<16xf32>
    %neg3A_1669 = arith.subf %neg3A_1668, %get3A_1666 : vector<16xf32>
    %exp3A_1670 = math.exp %neg3A_1669 : vector<16xf32>
    %add3A_1671 = arith.constant 1.000000e+00 : f32
    %add3A_1672 = vector.broadcast %add3A_1671 : f32 to vector<16xf32>
    %add3A_1673 = arith.addf %add3A_1672, %exp3A_1670 : vector<16xf32>
    %div3A_1674 = arith.constant 1.000000e+00 : f32
    %div3A_1675 = vector.broadcast %div3A_1674 : f32 to vector<16xf32>
    %div3A_1676 = arith.divf %div3A_1675, %add3A_1673 : vector<16xf32>
    %mul3A_1677 = arith.constant 3.000000e+00 : f32
    %mul3A_1678 = vector.broadcast %mul3A_1677 : f32 to vector<16xf32>
    %mul3A_1679 = arith.mulf %mul3A_1678, %div3A_1676 : vector<16xf32>
    %get3A_1680 = arith.constant 304 : index
    %get3A_1681 = tpu.vector_load %arg14[%get3A_1680] {strides = array<i32>} : memref<512xf32, #tpu.memory_space<vmem>>, vector<16xf32>,
    %get3A_1682 = vector.shape_cast %get3A_1681 : vector<16xf32> to vector<16xf32>
    %neg3A_1683 = arith.constant 0.000000e+00 : f32
    %neg3A_1684 = vector.broadcast %neg3A_1683 : f32 to vector<16xf32>
    %neg3A_1685 = arith.subf %neg3A_1684, %get3A_1682 : vector<16xf32>
    %exp3A_1686 = math.exp %neg3A_1685 : vector<16xf32>
    %add3A_1687 = arith.constant 1.000000e+00 : f32
    %add3A_1688 = vector.broadcast %add3A_1687 : f32 to vector<16xf32>
    %add3A_1689 = arith.addf %add3A_1688, %exp3A_1686 : vector<16xf32>
    %div3A_1690 = arith.constant 1.000000e+00 : f32
    %div3A_1691 = vector.broadcast %div3A_1690 : f32 to vector<16xf32>
    %div3A_1692 = arith.divf %div3A_1691, %add3A_1689 : vector<16xf32>
    %sub3A_1693 = arith.constant 1.000000e+00 : f32
    %sub3A_1694 = vector.broadcast %sub3A_1693 : f32 to vector<16xf32>
    %sub3A_1695 = arith.subf %sub3A_1694, %div3A_1692 : vector<16xf32>
    %mul3A_1696 = arith.constant -1.702000e+00 : f32
    %mul3A_1697 = vector.broadcast %mul3A_1696 : f32 to vector<16xf32>
    %mul3A_1698 = arith.mulf %mul3A_1697, %mul3A_1679 : vector<16xf32>
    %sub3A_1699 = arith.subf %mul3A_1644, %mul3A_1663 : vector<16xf32>
    %mul3A_1700 = arith.mulf %mul3A_1698, %sub3A_1699 : vector<16xf32>
    %exp3A_1701 = math.exp %mul3A_1700 : vector<16xf32>
    %add3A_1702 = arith.constant 1.000000e+00 : f32
    %add3A_1703 = vector.broadcast %add3A_1702 : f32 to vector<16xf32>
    %add3A_1704 = arith.addf %add3A_1703, %exp3A_1701 : vector<16xf32>
    %div3A_1705 = arith.divf %sub3A_1695, %add3A_1704 : vector<16xf32>
    %add3A_1706 = arith.addf %div3A_1692, %div3A_1705 : vector<16xf32>
    %swap3A_1707 = arith.constant 304 : index
    %swap3A_1708 = tpu.vector_load %arg15[%swap3A_1707] {strides = array<i32>} : memref<512xf32, #tpu.memory_space<vmem>>, vector<16xf32>,
    %swap3A_1709 = vector.shape_cast %swap3A_1708 : vector<16xf32> to vector<16xf32>
    %swap3A_1710 = vector.shape_cast %add3A_1706 : vector<16xf32> to vector<16xf32>
    tpu.vector_store %arg15[%swap3A_1707], %swap3A_1710 {strides = array<i32>} : memref<512xf32, #tpu.memory_space<vmem>>, vector<16xf32>,
    %get3A_1711 = arith.constant 320 : index
    %get3A_1712 = tpu.vector_load %arg11[%get3A_1711] {strides = array<i32>} : memref<512xf32, #tpu.memory_space<vmem>>, vector<16xf32>,
    %get3A_1713 = vector.shape_cast %get3A_1712 : vector<16xf32> to vector<16xf32>
    %neg3A_1714 = arith.constant 0.000000e+00 : f32
    %neg3A_1715 = vector.broadcast %neg3A_1714 : f32 to vector<16xf32>
    %neg3A_1716 = arith.subf %neg3A_1715, %get3A_1713 : vector<16xf32>
    %exp3A_1717 = math.exp %neg3A_1716 : vector<16xf32>
    %add3A_1718 = arith.constant 1.000000e+00 : f32
    %add3A_1719 = vector.broadcast %add3A_1718 : f32 to vector<16xf32>
    %add3A_1720 = arith.addf %add3A_1719, %exp3A_1717 : vector<16xf32>
    %div3A_1721 = arith.constant 1.000000e+00 : f32
    %div3A_1722 = vector.broadcast %div3A_1721 : f32 to vector<16xf32>
    %div3A_1723 = arith.divf %div3A_1722, %add3A_1720 : vector<16xf32>
    %sub3A_1724 = arith.constant 5.000000e-01 : f32
    %sub3A_1725 = vector.broadcast %sub3A_1724 : f32 to vector<16xf32>
    %sub3A_1726 = arith.subf %div3A_1723, %sub3A_1725 : vector<16xf32>
    %mul3A_1727 = arith.constant 8.000000e+00 : f32
    %mul3A_1728 = vector.broadcast %mul3A_1727 : f32 to vector<16xf32>
    %mul3A_1729 = arith.mulf %mul3A_1728, %sub3A_1726 : vector<16xf32>
    %get3A_1730 = arith.constant 320 : index
    %get3A_1731 = tpu.vector_load %arg13[%get3A_1730] {strides = array<i32>} : memref<512xf32, #tpu.memory_space<vmem>>, vector<16xf32>,
    %get3A_1732 = vector.shape_cast %get3A_1731 : vector<16xf32> to vector<16xf32>
    %neg3A_1733 = arith.constant 0.000000e+00 : f32
    %neg3A_1734 = vector.broadcast %neg3A_1733 : f32 to vector<16xf32>
    %neg3A_1735 = arith.subf %neg3A_1734, %get3A_1732 : vector<16xf32>
    %exp3A_1736 = math.exp %neg3A_1735 : vector<16xf32>
    %add3A_1737 = arith.constant 1.000000e+00 : f32
    %add3A_1738 = vector.broadcast %add3A_1737 : f32 to vector<16xf32>
    %add3A_1739 = arith.addf %add3A_1738, %exp3A_1736 : vector<16xf32>
    %div3A_1740 = arith.constant 1.000000e+00 : f32
    %div3A_1741 = vector.broadcast %div3A_1740 : f32 to vector<16xf32>
    %div3A_1742 = arith.divf %div3A_1741, %add3A_1739 : vector<16xf32>
    %sub3A_1743 = arith.constant 5.000000e-01 : f32
    %sub3A_1744 = vector.broadcast %sub3A_1743 : f32 to vector<16xf32>
    %sub3A_1745 = arith.subf %div3A_1742, %sub3A_1744 : vector<16xf32>
    %mul3A_1746 = arith.constant 8.000000e+00 : f32
    %mul3A_1747 = vector.broadcast %mul3A_1746 : f32 to vector<16xf32>
    %mul3A_1748 = arith.mulf %mul3A_1747, %sub3A_1745 : vector<16xf32>
    %get3A_1749 = arith.constant 320 : index
    %get3A_1750 = tpu.vector_load %arg12[%get3A_1749] {strides = array<i32>} : memref<512xf32, #tpu.memory_space<vmem>>, vector<16xf32>,
    %get3A_1751 = vector.shape_cast %get3A_1750 : vector<16xf32> to vector<16xf32>
    %neg3A_1752 = arith.constant 0.000000e+00 : f32
    %neg3A_1753 = vector.broadcast %neg3A_1752 : f32 to vector<16xf32>
    %neg3A_1754 = arith.subf %neg3A_1753, %get3A_1751 : vector<16xf32>
    %exp3A_1755 = math.exp %neg3A_1754 : vector<16xf32>
    %add3A_1756 = arith.constant 1.000000e+00 : f32
    %add3A_1757 = vector.broadcast %add3A_1756 : f32 to vector<16xf32>
    %add3A_1758 = arith.addf %add3A_1757, %exp3A_1755 : vector<16xf32>
    %div3A_1759 = arith.constant 1.000000e+00 : f32
    %div3A_1760 = vector.broadcast %div3A_1759 : f32 to vector<16xf32>
    %div3A_1761 = arith.divf %div3A_1760, %add3A_1758 : vector<16xf32>
    %mul3A_1762 = arith.constant 3.000000e+00 : f32
    %mul3A_1763 = vector.broadcast %mul3A_1762 : f32 to vector<16xf32>
    %mul3A_1764 = arith.mulf %mul3A_1763, %div3A_1761 : vector<16xf32>
    %get3A_1765 = arith.constant 320 : index
    %get3A_1766 = tpu.vector_load %arg14[%get3A_1765] {strides = array<i32>} : memref<512xf32, #tpu.memory_space<vmem>>, vector<16xf32>,
    %get3A_1767 = vector.shape_cast %get3A_1766 : vector<16xf32> to vector<16xf32>
    %neg3A_1768 = arith.constant 0.000000e+00 : f32
    %neg3A_1769 = vector.broadcast %neg3A_1768 : f32 to vector<16xf32>
    %neg3A_1770 = arith.subf %neg3A_1769, %get3A_1767 : vector<16xf32>
    %exp3A_1771 = math.exp %neg3A_1770 : vector<16xf32>
    %add3A_1772 = arith.constant 1.000000e+00 : f32
    %add3A_1773 = vector.broadcast %add3A_1772 : f32 to vector<16xf32>
    %add3A_1774 = arith.addf %add3A_1773, %exp3A_1771 : vector<16xf32>
    %div3A_1775 = arith.constant 1.000000e+00 : f32
    %div3A_1776 = vector.broadcast %div3A_1775 : f32 to vector<16xf32>
    %div3A_1777 = arith.divf %div3A_1776, %add3A_1774 : vector<16xf32>
    %sub3A_1778 = arith.constant 1.000000e+00 : f32
    %sub3A_1779 = vector.broadcast %sub3A_1778 : f32 to vector<16xf32>
    %sub3A_1780 = arith.subf %sub3A_1779, %div3A_1777 : vector<16xf32>
    %mul3A_1781 = arith.constant -1.702000e+00 : f32
    %mul3A_1782 = vector.broadcast %mul3A_1781 : f32 to vector<16xf32>
    %mul3A_1783 = arith.mulf %mul3A_1782, %mul3A_1764 : vector<16xf32>
    %sub3A_1784 = arith.subf %mul3A_1729, %mul3A_1748 : vector<16xf32>
    %mul3A_1785 = arith.mulf %mul3A_1783, %sub3A_1784 : vector<16xf32>
    %exp3A_1786 = math.exp %mul3A_1785 : vector<16xf32>
    %add3A_1787 = arith.constant 1.000000e+00 : f32
    %add3A_1788 = vector.broadcast %add3A_1787 : f32 to vector<16xf32>
    %add3A_1789 = arith.addf %add3A_1788, %exp3A_1786 : vector<16xf32>
    %div3A_1790 = arith.divf %sub3A_1780, %add3A_1789 : vector<16xf32>
    %add3A_1791 = arith.addf %div3A_1777, %div3A_1790 : vector<16xf32>
    %swap3A_1792 = arith.constant 320 : index
    %swap3A_1793 = tpu.vector_load %arg15[%swap3A_1792] {strides = array<i32>} : memref<512xf32, #tpu.memory_space<vmem>>, vector<16xf32>,
    %swap3A_1794 = vector.shape_cast %swap3A_1793 : vector<16xf32> to vector<16xf32>
    %swap3A_1795 = vector.shape_cast %add3A_1791 : vector<16xf32> to vector<16xf32>
    tpu.vector_store %arg15[%swap3A_1792], %swap3A_1795 {strides = array<i32>} : memref<512xf32, #tpu.memory_space<vmem>>, vector<16xf32>,
    %get3A_1796 = arith.constant 336 : index
    %get3A_1797 = tpu.vector_load %arg11[%get3A_1796] {strides = array<i32>} : memref<512xf32, #tpu.memory_space<vmem>>, vector<16xf32>,
    %get3A_1798 = vector.shape_cast %get3A_1797 : vector<16xf32> to vector<16xf32>
    %neg3A_1799 = arith.constant 0.000000e+00 : f32
    %neg3A_1800 = vector.broadcast %neg3A_1799 : f32 to vector<16xf32>
    %neg3A_1801 = arith.subf %neg3A_1800, %get3A_1798 : vector<16xf32>
    %exp3A_1802 = math.exp %neg3A_1801 : vector<16xf32>
    %add3A_1803 = arith.constant 1.000000e+00 : f32
    %add3A_1804 = vector.broadcast %add3A_1803 : f32 to vector<16xf32>
    %add3A_1805 = arith.addf %add3A_1804, %exp3A_1802 : vector<16xf32>
    %div3A_1806 = arith.constant 1.000000e+00 : f32
    %div3A_1807 = vector.broadcast %div3A_1806 : f32 to vector<16xf32>
    %div3A_1808 = arith.divf %div3A_1807, %add3A_1805 : vector<16xf32>
    %sub3A_1809 = arith.constant 5.000000e-01 : f32
    %sub3A_1810 = vector.broadcast %sub3A_1809 : f32 to vector<16xf32>
    %sub3A_1811 = arith.subf %div3A_1808, %sub3A_1810 : vector<16xf32>
    %mul3A_1812 = arith.constant 8.000000e+00 : f32
    %mul3A_1813 = vector.broadcast %mul3A_1812 : f32 to vector<16xf32>
    %mul3A_1814 = arith.mulf %mul3A_1813, %sub3A_1811 : vector<16xf32>
    %get3A_1815 = arith.constant 336 : index
    %get3A_1816 = tpu.vector_load %arg13[%get3A_1815] {strides = array<i32>} : memref<512xf32, #tpu.memory_space<vmem>>, vector<16xf32>,
    %get3A_1817 = vector.shape_cast %get3A_1816 : vector<16xf32> to vector<16xf32>
    %neg3A_1818 = arith.constant 0.000000e+00 : f32
    %neg3A_1819 = vector.broadcast %neg3A_1818 : f32 to vector<16xf32>
    %neg3A_1820 = arith.subf %neg3A_1819, %get3A_1817 : vector<16xf32>
    %exp3A_1821 = math.exp %neg3A_1820 : vector<16xf32>
    %add3A_1822 = arith.constant 1.000000e+00 : f32
    %add3A_1823 = vector.broadcast %add3A_1822 : f32 to vector<16xf32>
    %add3A_1824 = arith.addf %add3A_1823, %exp3A_1821 : vector<16xf32>
    %div3A_1825 = arith.constant 1.000000e+00 : f32
    %div3A_1826 = vector.broadcast %div3A_1825 : f32 to vector<16xf32>
    %div3A_1827 = arith.divf %div3A_1826, %add3A_1824 : vector<16xf32>
    %sub3A_1828 = arith.constant 5.000000e-01 : f32
    %sub3A_1829 = vector.broadcast %sub3A_1828 : f32 to vector<16xf32>
    %sub3A_1830 = arith.subf %div3A_1827, %sub3A_1829 : vector<16xf32>
    %mul3A_1831 = arith.constant 8.000000e+00 : f32
    %mul3A_1832 = vector.broadcast %mul3A_1831 : f32 to vector<16xf32>
    %mul3A_1833 = arith.mulf %mul3A_1832, %sub3A_1830 : vector<16xf32>
    %get3A_1834 = arith.constant 336 : index
    %get3A_1835 = tpu.vector_load %arg12[%get3A_1834] {strides = array<i32>} : memref<512xf32, #tpu.memory_space<vmem>>, vector<16xf32>,
    %get3A_1836 = vector.shape_cast %get3A_1835 : vector<16xf32> to vector<16xf32>
    %neg3A_1837 = arith.constant 0.000000e+00 : f32
    %neg3A_1838 = vector.broadcast %neg3A_1837 : f32 to vector<16xf32>
    %neg3A_1839 = arith.subf %neg3A_1838, %get3A_1836 : vector<16xf32>
    %exp3A_1840 = math.exp %neg3A_1839 : vector<16xf32>
    %add3A_1841 = arith.constant 1.000000e+00 : f32
    %add3A_1842 = vector.broadcast %add3A_1841 : f32 to vector<16xf32>
    %add3A_1843 = arith.addf %add3A_1842, %exp3A_1840 : vector<16xf32>
    %div3A_1844 = arith.constant 1.000000e+00 : f32
    %div3A_1845 = vector.broadcast %div3A_1844 : f32 to vector<16xf32>
    %div3A_1846 = arith.divf %div3A_1845, %add3A_1843 : vector<16xf32>
    %mul3A_1847 = arith.constant 3.000000e+00 : f32
    %mul3A_1848 = vector.broadcast %mul3A_1847 : f32 to vector<16xf32>
    %mul3A_1849 = arith.mulf %mul3A_1848, %div3A_1846 : vector<16xf32>
    %get3A_1850 = arith.constant 336 : index
    %get3A_1851 = tpu.vector_load %arg14[%get3A_1850] {strides = array<i32>} : memref<512xf32, #tpu.memory_space<vmem>>, vector<16xf32>,
    %get3A_1852 = vector.shape_cast %get3A_1851 : vector<16xf32> to vector<16xf32>
    %neg3A_1853 = arith.constant 0.000000e+00 : f32
    %neg3A_1854 = vector.broadcast %neg3A_1853 : f32 to vector<16xf32>
    %neg3A_1855 = arith.subf %neg3A_1854, %get3A_1852 : vector<16xf32>
    %exp3A_1856 = math.exp %neg3A_1855 : vector<16xf32>
    %add3A_1857 = arith.constant 1.000000e+00 : f32
    %add3A_1858 = vector.broadcast %add3A_1857 : f32 to vector<16xf32>
    %add3A_1859 = arith.addf %add3A_1858, %exp3A_1856 : vector<16xf32>
    %div3A_1860 = arith.constant 1.000000e+00 : f32
    %div3A_1861 = vector.broadcast %div3A_1860 : f32 to vector<16xf32>
    %div3A_1862 = arith.divf %div3A_1861, %add3A_1859 : vector<16xf32>
    %sub3A_1863 = arith.constant 1.000000e+00 : f32
    %sub3A_1864 = vector.broadcast %sub3A_1863 : f32 to vector<16xf32>
    %sub3A_1865 = arith.subf %sub3A_1864, %div3A_1862 : vector<16xf32>
    %mul3A_1866 = arith.constant -1.702000e+00 : f32
    %mul3A_1867 = vector.broadcast %mul3A_1866 : f32 to vector<16xf32>
    %mul3A_1868 = arith.mulf %mul3A_1867, %mul3A_1849 : vector<16xf32>
    %sub3A_1869 = arith.subf %mul3A_1814, %mul3A_1833 : vector<16xf32>
    %mul3A_1870 = arith.mulf %mul3A_1868, %sub3A_1869 : vector<16xf32>
    %exp3A_1871 = math.exp %mul3A_1870 : vector<16xf32>
    %add3A_1872 = arith.constant 1.000000e+00 : f32
    %add3A_1873 = vector.broadcast %add3A_1872 : f32 to vector<16xf32>
    %add3A_1874 = arith.addf %add3A_1873, %exp3A_1871 : vector<16xf32>
    %div3A_1875 = arith.divf %sub3A_1865, %add3A_1874 : vector<16xf32>
    %add3A_1876 = arith.addf %div3A_1862, %div3A_1875 : vector<16xf32>
    %swap3A_1877 = arith.constant 336 : index
    %swap3A_1878 = tpu.vector_load %arg15[%swap3A_1877] {strides = array<i32>} : memref<512xf32, #tpu.memory_space<vmem>>, vector<16xf32>,
    %swap3A_1879 = vector.shape_cast %swap3A_1878 : vector<16xf32> to vector<16xf32>
    %swap3A_1880 = vector.shape_cast %add3A_1876 : vector<16xf32> to vector<16xf32>
    tpu.vector_store %arg15[%swap3A_1877], %swap3A_1880 {strides = array<i32>} : memref<512xf32, #tpu.memory_space<vmem>>, vector<16xf32>,
    %get3A_1881 = arith.constant 352 : index
    %get3A_1882 = tpu.vector_load %arg11[%get3A_1881] {strides = array<i32>} : memref<512xf32, #tpu.memory_space<vmem>>, vector<16xf32>,
    %get3A_1883 = vector.shape_cast %get3A_1882 : vector<16xf32> to vector<16xf32>
    %neg3A_1884 = arith.constant 0.000000e+00 : f32
    %neg3A_1885 = vector.broadcast %neg3A_1884 : f32 to vector<16xf32>
    %neg3A_1886 = arith.subf %neg3A_1885, %get3A_1883 : vector<16xf32>
    %exp3A_1887 = math.exp %neg3A_1886 : vector<16xf32>
    %add3A_1888 = arith.constant 1.000000e+00 : f32
    %add3A_1889 = vector.broadcast %add3A_1888 : f32 to vector<16xf32>
    %add3A_1890 = arith.addf %add3A_1889, %exp3A_1887 : vector<16xf32>
    %div3A_1891 = arith.constant 1.000000e+00 : f32
    %div3A_1892 = vector.broadcast %div3A_1891 : f32 to vector<16xf32>
    %div3A_1893 = arith.divf %div3A_1892, %add3A_1890 : vector<16xf32>
    %sub3A_1894 = arith.constant 5.000000e-01 : f32
    %sub3A_1895 = vector.broadcast %sub3A_1894 : f32 to vector<16xf32>
    %sub3A_1896 = arith.subf %div3A_1893, %sub3A_1895 : vector<16xf32>
    %mul3A_1897 = arith.constant 8.000000e+00 : f32
    %mul3A_1898 = vector.broadcast %mul3A_1897 : f32 to vector<16xf32>
    %mul3A_1899 = arith.mulf %mul3A_1898, %sub3A_1896 : vector<16xf32>
    %get3A_1900 = arith.constant 352 : index
    %get3A_1901 = tpu.vector_load %arg13[%get3A_1900] {strides = array<i32>} : memref<512xf32, #tpu.memory_space<vmem>>, vector<16xf32>,
    %get3A_1902 = vector.shape_cast %get3A_1901 : vector<16xf32> to vector<16xf32>
    %neg3A_1903 = arith.constant 0.000000e+00 : f32
    %neg3A_1904 = vector.broadcast %neg3A_1903 : f32 to vector<16xf32>
    %neg3A_1905 = arith.subf %neg3A_1904, %get3A_1902 : vector<16xf32>
    %exp3A_1906 = math.exp %neg3A_1905 : vector<16xf32>
    %add3A_1907 = arith.constant 1.000000e+00 : f32
    %add3A_1908 = vector.broadcast %add3A_1907 : f32 to vector<16xf32>
    %add3A_1909 = arith.addf %add3A_1908, %exp3A_1906 : vector<16xf32>
    %div3A_1910 = arith.constant 1.000000e+00 : f32
    %div3A_1911 = vector.broadcast %div3A_1910 : f32 to vector<16xf32>
    %div3A_1912 = arith.divf %div3A_1911, %add3A_1909 : vector<16xf32>
    %sub3A_1913 = arith.constant 5.000000e-01 : f32
    %sub3A_1914 = vector.broadcast %sub3A_1913 : f32 to vector<16xf32>
    %sub3A_1915 = arith.subf %div3A_1912, %sub3A_1914 : vector<16xf32>
    %mul3A_1916 = arith.constant 8.000000e+00 : f32
    %mul3A_1917 = vector.broadcast %mul3A_1916 : f32 to vector<16xf32>
    %mul3A_1918 = arith.mulf %mul3A_1917, %sub3A_1915 : vector<16xf32>
    %get3A_1919 = arith.constant 352 : index
    %get3A_1920 = tpu.vector_load %arg12[%get3A_1919] {strides = array<i32>} : memref<512xf32, #tpu.memory_space<vmem>>, vector<16xf32>,
    %get3A_1921 = vector.shape_cast %get3A_1920 : vector<16xf32> to vector<16xf32>
    %neg3A_1922 = arith.constant 0.000000e+00 : f32
    %neg3A_1923 = vector.broadcast %neg3A_1922 : f32 to vector<16xf32>
    %neg3A_1924 = arith.subf %neg3A_1923, %get3A_1921 : vector<16xf32>
    %exp3A_1925 = math.exp %neg3A_1924 : vector<16xf32>
    %add3A_1926 = arith.constant 1.000000e+00 : f32
    %add3A_1927 = vector.broadcast %add3A_1926 : f32 to vector<16xf32>
    %add3A_1928 = arith.addf %add3A_1927, %exp3A_1925 : vector<16xf32>
    %div3A_1929 = arith.constant 1.000000e+00 : f32
    %div3A_1930 = vector.broadcast %div3A_1929 : f32 to vector<16xf32>
    %div3A_1931 = arith.divf %div3A_1930, %add3A_1928 : vector<16xf32>
    %mul3A_1932 = arith.constant 3.000000e+00 : f32
    %mul3A_1933 = vector.broadcast %mul3A_1932 : f32 to vector<16xf32>
    %mul3A_1934 = arith.mulf %mul3A_1933, %div3A_1931 : vector<16xf32>
    %get3A_1935 = arith.constant 352 : index
    %get3A_1936 = tpu.vector_load %arg14[%get3A_1935] {strides = array<i32>} : memref<512xf32, #tpu.memory_space<vmem>>, vector<16xf32>,
    %get3A_1937 = vector.shape_cast %get3A_1936 : vector<16xf32> to vector<16xf32>
    %neg3A_1938 = arith.constant 0.000000e+00 : f32
    %neg3A_1939 = vector.broadcast %neg3A_1938 : f32 to vector<16xf32>
    %neg3A_1940 = arith.subf %neg3A_1939, %get3A_1937 : vector<16xf32>
    %exp3A_1941 = math.exp %neg3A_1940 : vector<16xf32>
    %add3A_1942 = arith.constant 1.000000e+00 : f32
    %add3A_1943 = vector.broadcast %add3A_1942 : f32 to vector<16xf32>
    %add3A_1944 = arith.addf %add3A_1943, %exp3A_1941 : vector<16xf32>
    %div3A_1945 = arith.constant 1.000000e+00 : f32
    %div3A_1946 = vector.broadcast %div3A_1945 : f32 to vector<16xf32>
    %div3A_1947 = arith.divf %div3A_1946, %add3A_1944 : vector<16xf32>
    %sub3A_1948 = arith.constant 1.000000e+00 : f32
    %sub3A_1949 = vector.broadcast %sub3A_1948 : f32 to vector<16xf32>
    %sub3A_1950 = arith.subf %sub3A_1949, %div3A_1947 : vector<16xf32>
    %mul3A_1951 = arith.constant -1.702000e+00 : f32
    %mul3A_1952 = vector.broadcast %mul3A_1951 : f32 to vector<16xf32>
    %mul3A_1953 = arith.mulf %mul3A_1952, %mul3A_1934 : vector<16xf32>
    %sub3A_1954 = arith.subf %mul3A_1899, %mul3A_1918 : vector<16xf32>
    %mul3A_1955 = arith.mulf %mul3A_1953, %sub3A_1954 : vector<16xf32>
    %exp3A_1956 = math.exp %mul3A_1955 : vector<16xf32>
    %add3A_1957 = arith.constant 1.000000e+00 : f32
    %add3A_1958 = vector.broadcast %add3A_1957 : f32 to vector<16xf32>
    %add3A_1959 = arith.addf %add3A_1958, %exp3A_1956 : vector<16xf32>
    %div3A_1960 = arith.divf %sub3A_1950, %add3A_1959 : vector<16xf32>
    %add3A_1961 = arith.addf %div3A_1947, %div3A_1960 : vector<16xf32>
    %swap3A_1962 = arith.constant 352 : index
    %swap3A_1963 = tpu.vector_load %arg15[%swap3A_1962] {strides = array<i32>} : memref<512xf32, #tpu.memory_space<vmem>>, vector<16xf32>,
    %swap3A_1964 = vector.shape_cast %swap3A_1963 : vector<16xf32> to vector<16xf32>
    %swap3A_1965 = vector.shape_cast %add3A_1961 : vector<16xf32> to vector<16xf32>
    tpu.vector_store %arg15[%swap3A_1962], %swap3A_1965 {strides = array<i32>} : memref<512xf32, #tpu.memory_space<vmem>>, vector<16xf32>,
    %get3A_1966 = arith.constant 368 : index
    %get3A_1967 = tpu.vector_load %arg11[%get3A_1966] {strides = array<i32>} : memref<512xf32, #tpu.memory_space<vmem>>, vector<16xf32>,
    %get3A_1968 = vector.shape_cast %get3A_1967 : vector<16xf32> to vector<16xf32>
    %neg3A_1969 = arith.constant 0.000000e+00 : f32
    %neg3A_1970 = vector.broadcast %neg3A_1969 : f32 to vector<16xf32>
    %neg3A_1971 = arith.subf %neg3A_1970, %get3A_1968 : vector<16xf32>
    %exp3A_1972 = math.exp %neg3A_1971 : vector<16xf32>
    %add3A_1973 = arith.constant 1.000000e+00 : f32
    %add3A_1974 = vector.broadcast %add3A_1973 : f32 to vector<16xf32>
    %add3A_1975 = arith.addf %add3A_1974, %exp3A_1972 : vector<16xf32>
    %div3A_1976 = arith.constant 1.000000e+00 : f32
    %div3A_1977 = vector.broadcast %div3A_1976 : f32 to vector<16xf32>
    %div3A_1978 = arith.divf %div3A_1977, %add3A_1975 : vector<16xf32>
    %sub3A_1979 = arith.constant 5.000000e-01 : f32
    %sub3A_1980 = vector.broadcast %sub3A_1979 : f32 to vector<16xf32>
    %sub3A_1981 = arith.subf %div3A_1978, %sub3A_1980 : vector<16xf32>
    %mul3A_1982 = arith.constant 8.000000e+00 : f32
    %mul3A_1983 = vector.broadcast %mul3A_1982 : f32 to vector<16xf32>
    %mul3A_1984 = arith.mulf %mul3A_1983, %sub3A_1981 : vector<16xf32>
    %get3A_1985 = arith.constant 368 : index
    %get3A_1986 = tpu.vector_load %arg13[%get3A_1985] {strides = array<i32>} : memref<512xf32, #tpu.memory_space<vmem>>, vector<16xf32>,
    %get3A_1987 = vector.shape_cast %get3A_1986 : vector<16xf32> to vector<16xf32>
    %neg3A_1988 = arith.constant 0.000000e+00 : f32
    %neg3A_1989 = vector.broadcast %neg3A_1988 : f32 to vector<16xf32>
    %neg3A_1990 = arith.subf %neg3A_1989, %get3A_1987 : vector<16xf32>
    %exp3A_1991 = math.exp %neg3A_1990 : vector<16xf32>
    %add3A_1992 = arith.constant 1.000000e+00 : f32
    %add3A_1993 = vector.broadcast %add3A_1992 : f32 to vector<16xf32>
    %add3A_1994 = arith.addf %add3A_1993, %exp3A_1991 : vector<16xf32>
    %div3A_1995 = arith.constant 1.000000e+00 : f32
    %div3A_1996 = vector.broadcast %div3A_1995 : f32 to vector<16xf32>
    %div3A_1997 = arith.divf %div3A_1996, %add3A_1994 : vector<16xf32>
    %sub3A_1998 = arith.constant 5.000000e-01 : f32
    %sub3A_1999 = vector.broadcast %sub3A_1998 : f32 to vector<16xf32>
    %sub3A_2000 = arith.subf %div3A_1997, %sub3A_1999 : vector<16xf32>
    %mul3A_2001 = arith.constant 8.000000e+00 : f32
    %mul3A_2002 = vector.broadcast %mul3A_2001 : f32 to vector<16xf32>
    %mul3A_2003 = arith.mulf %mul3A_2002, %sub3A_2000 : vector<16xf32>
    %get3A_2004 = arith.constant 368 : index
    %get3A_2005 = tpu.vector_load %arg12[%get3A_2004] {strides = array<i32>} : memref<512xf32, #tpu.memory_space<vmem>>, vector<16xf32>,
    %get3A_2006 = vector.shape_cast %get3A_2005 : vector<16xf32> to vector<16xf32>
    %neg3A_2007 = arith.constant 0.000000e+00 : f32
    %neg3A_2008 = vector.broadcast %neg3A_2007 : f32 to vector<16xf32>
    %neg3A_2009 = arith.subf %neg3A_2008, %get3A_2006 : vector<16xf32>
    %exp3A_2010 = math.exp %neg3A_2009 : vector<16xf32>
    %add3A_2011 = arith.constant 1.000000e+00 : f32
    %add3A_2012 = vector.broadcast %add3A_2011 : f32 to vector<16xf32>
    %add3A_2013 = arith.addf %add3A_2012, %exp3A_2010 : vector<16xf32>
    %div3A_2014 = arith.constant 1.000000e+00 : f32
    %div3A_2015 = vector.broadcast %div3A_2014 : f32 to vector<16xf32>
    %div3A_2016 = arith.divf %div3A_2015, %add3A_2013 : vector<16xf32>
    %mul3A_2017 = arith.constant 3.000000e+00 : f32
    %mul3A_2018 = vector.broadcast %mul3A_2017 : f32 to vector<16xf32>
    %mul3A_2019 = arith.mulf %mul3A_2018, %div3A_2016 : vector<16xf32>
    %get3A_2020 = arith.constant 368 : index
    %get3A_2021 = tpu.vector_load %arg14[%get3A_2020] {strides = array<i32>} : memref<512xf32, #tpu.memory_space<vmem>>, vector<16xf32>,
    %get3A_2022 = vector.shape_cast %get3A_2021 : vector<16xf32> to vector<16xf32>
    %neg3A_2023 = arith.constant 0.000000e+00 : f32
    %neg3A_2024 = vector.broadcast %neg3A_2023 : f32 to vector<16xf32>
    %neg3A_2025 = arith.subf %neg3A_2024, %get3A_2022 : vector<16xf32>
    %exp3A_2026 = math.exp %neg3A_2025 : vector<16xf32>
    %add3A_2027 = arith.constant 1.000000e+00 : f32
    %add3A_2028 = vector.broadcast %add3A_2027 : f32 to vector<16xf32>
    %add3A_2029 = arith.addf %add3A_2028, %exp3A_2026 : vector<16xf32>
    %div3A_2030 = arith.constant 1.000000e+00 : f32
    %div3A_2031 = vector.broadcast %div3A_2030 : f32 to vector<16xf32>
    %div3A_2032 = arith.divf %div3A_2031, %add3A_2029 : vector<16xf32>
    %sub3A_2033 = arith.constant 1.000000e+00 : f32
    %sub3A_2034 = vector.broadcast %sub3A_2033 : f32 to vector<16xf32>
    %sub3A_2035 = arith.subf %sub3A_2034, %div3A_2032 : vector<16xf32>
    %mul3A_2036 = arith.constant -1.702000e+00 : f32
    %mul3A_2037 = vector.broadcast %mul3A_2036 : f32 to vector<16xf32>
    %mul3A_2038 = arith.mulf %mul3A_2037, %mul3A_2019 : vector<16xf32>
    %sub3A_2039 = arith.subf %mul3A_1984, %mul3A_2003 : vector<16xf32>
    %mul3A_2040 = arith.mulf %mul3A_2038, %sub3A_2039 : vector<16xf32>
    %exp3A_2041 = math.exp %mul3A_2040 : vector<16xf32>
    %add3A_2042 = arith.constant 1.000000e+00 : f32
    %add3A_2043 = vector.broadcast %add3A_2042 : f32 to vector<16xf32>
    %add3A_2044 = arith.addf %add3A_2043, %exp3A_2041 : vector<16xf32>
    %div3A_2045 = arith.divf %sub3A_2035, %add3A_2044 : vector<16xf32>
    %add3A_2046 = arith.addf %div3A_2032, %div3A_2045 : vector<16xf32>
    %swap3A_2047 = arith.constant 368 : index
    %swap3A_2048 = tpu.vector_load %arg15[%swap3A_2047] {strides = array<i32>} : memref<512xf32, #tpu.memory_space<vmem>>, vector<16xf32>,
    %swap3A_2049 = vector.shape_cast %swap3A_2048 : vector<16xf32> to vector<16xf32>
    %swap3A_2050 = vector.shape_cast %add3A_2046 : vector<16xf32> to vector<16xf32>
    tpu.vector_store %arg15[%swap3A_2047], %swap3A_2050 {strides = array<i32>} : memref<512xf32, #tpu.memory_space<vmem>>, vector<16xf32>,
    %get3A_2051 = arith.constant 384 : index
    %get3A_2052 = tpu.vector_load %arg11[%get3A_2051] {strides = array<i32>} : memref<512xf32, #tpu.memory_space<vmem>>, vector<16xf32>,
    %get3A_2053 = vector.shape_cast %get3A_2052 : vector<16xf32> to vector<16xf32>
    %neg3A_2054 = arith.constant 0.000000e+00 : f32
    %neg3A_2055 = vector.broadcast %neg3A_2054 : f32 to vector<16xf32>
    %neg3A_2056 = arith.subf %neg3A_2055, %get3A_2053 : vector<16xf32>
    %exp3A_2057 = math.exp %neg3A_2056 : vector<16xf32>
    %add3A_2058 = arith.constant 1.000000e+00 : f32
    %add3A_2059 = vector.broadcast %add3A_2058 : f32 to vector<16xf32>
    %add3A_2060 = arith.addf %add3A_2059, %exp3A_2057 : vector<16xf32>
    %div3A_2061 = arith.constant 1.000000e+00 : f32
    %div3A_2062 = vector.broadcast %div3A_2061 : f32 to vector<16xf32>
    %div3A_2063 = arith.divf %div3A_2062, %add3A_2060 : vector<16xf32>
    %sub3A_2064 = arith.constant 5.000000e-01 : f32
    %sub3A_2065 = vector.broadcast %sub3A_2064 : f32 to vector<16xf32>
    %sub3A_2066 = arith.subf %div3A_2063, %sub3A_2065 : vector<16xf32>
    %mul3A_2067 = arith.constant 8.000000e+00 : f32
    %mul3A_2068 = vector.broadcast %mul3A_2067 : f32 to vector<16xf32>
    %mul3A_2069 = arith.mulf %mul3A_2068, %sub3A_2066 : vector<16xf32>
    %get3A_2070 = arith.constant 384 : index
    %get3A_2071 = tpu.vector_load %arg13[%get3A_2070] {strides = array<i32>} : memref<512xf32, #tpu.memory_space<vmem>>, vector<16xf32>,
    %get3A_2072 = vector.shape_cast %get3A_2071 : vector<16xf32> to vector<16xf32>
    %neg3A_2073 = arith.constant 0.000000e+00 : f32
    %neg3A_2074 = vector.broadcast %neg3A_2073 : f32 to vector<16xf32>
    %neg3A_2075 = arith.subf %neg3A_2074, %get3A_2072 : vector<16xf32>
    %exp3A_2076 = math.exp %neg3A_2075 : vector<16xf32>
    %add3A_2077 = arith.constant 1.000000e+00 : f32
    %add3A_2078 = vector.broadcast %add3A_2077 : f32 to vector<16xf32>
    %add3A_2079 = arith.addf %add3A_2078, %exp3A_2076 : vector<16xf32>
    %div3A_2080 = arith.constant 1.000000e+00 : f32
    %div3A_2081 = vector.broadcast %div3A_2080 : f32 to vector<16xf32>
    %div3A_2082 = arith.divf %div3A_2081, %add3A_2079 : vector<16xf32>
    %sub3A_2083 = arith.constant 5.000000e-01 : f32
    %sub3A_2084 = vector.broadcast %sub3A_2083 : f32 to vector<16xf32>
    %sub3A_2085 = arith.subf %div3A_2082, %sub3A_2084 : vector<16xf32>
    %mul3A_2086 = arith.constant 8.000000e+00 : f32
    %mul3A_2087 = vector.broadcast %mul3A_2086 : f32 to vector<16xf32>
    %mul3A_2088 = arith.mulf %mul3A_2087, %sub3A_2085 : vector<16xf32>
    %get3A_2089 = arith.constant 384 : index
    %get3A_2090 = tpu.vector_load %arg12[%get3A_2089] {strides = array<i32>} : memref<512xf32, #tpu.memory_space<vmem>>, vector<16xf32>,
    %get3A_2091 = vector.shape_cast %get3A_2090 : vector<16xf32> to vector<16xf32>
    %neg3A_2092 = arith.constant 0.000000e+00 : f32
    %neg3A_2093 = vector.broadcast %neg3A_2092 : f32 to vector<16xf32>
    %neg3A_2094 = arith.subf %neg3A_2093, %get3A_2091 : vector<16xf32>
    %exp3A_2095 = math.exp %neg3A_2094 : vector<16xf32>
    %add3A_2096 = arith.constant 1.000000e+00 : f32
    %add3A_2097 = vector.broadcast %add3A_2096 : f32 to vector<16xf32>
    %add3A_2098 = arith.addf %add3A_2097, %exp3A_2095 : vector<16xf32>
    %div3A_2099 = arith.constant 1.000000e+00 : f32
    %div3A_2100 = vector.broadcast %div3A_2099 : f32 to vector<16xf32>
    %div3A_2101 = arith.divf %div3A_2100, %add3A_2098 : vector<16xf32>
    %mul3A_2102 = arith.constant 3.000000e+00 : f32
    %mul3A_2103 = vector.broadcast %mul3A_2102 : f32 to vector<16xf32>
    %mul3A_2104 = arith.mulf %mul3A_2103, %div3A_2101 : vector<16xf32>
    %get3A_2105 = arith.constant 384 : index
    %get3A_2106 = tpu.vector_load %arg14[%get3A_2105] {strides = array<i32>} : memref<512xf32, #tpu.memory_space<vmem>>, vector<16xf32>,
    %get3A_2107 = vector.shape_cast %get3A_2106 : vector<16xf32> to vector<16xf32>
    %neg3A_2108 = arith.constant 0.000000e+00 : f32
    %neg3A_2109 = vector.broadcast %neg3A_2108 : f32 to vector<16xf32>
    %neg3A_2110 = arith.subf %neg3A_2109, %get3A_2107 : vector<16xf32>
    %exp3A_2111 = math.exp %neg3A_2110 : vector<16xf32>
    %add3A_2112 = arith.constant 1.000000e+00 : f32
    %add3A_2113 = vector.broadcast %add3A_2112 : f32 to vector<16xf32>
    %add3A_2114 = arith.addf %add3A_2113, %exp3A_2111 : vector<16xf32>
    %div3A_2115 = arith.constant 1.000000e+00 : f32
    %div3A_2116 = vector.broadcast %div3A_2115 : f32 to vector<16xf32>
    %div3A_2117 = arith.divf %div3A_2116, %add3A_2114 : vector<16xf32>
    %sub3A_2118 = arith.constant 1.000000e+00 : f32
    %sub3A_2119 = vector.broadcast %sub3A_2118 : f32 to vector<16xf32>
    %sub3A_2120 = arith.subf %sub3A_2119, %div3A_2117 : vector<16xf32>
    %mul3A_2121 = arith.constant -1.702000e+00 : f32
    %mul3A_2122 = vector.broadcast %mul3A_2121 : f32 to vector<16xf32>
    %mul3A_2123 = arith.mulf %mul3A_2122, %mul3A_2104 : vector<16xf32>
    %sub3A_2124 = arith.subf %mul3A_2069, %mul3A_2088 : vector<16xf32>
    %mul3A_2125 = arith.mulf %mul3A_2123, %sub3A_2124 : vector<16xf32>
    %exp3A_2126 = math.exp %mul3A_2125 : vector<16xf32>
    %add3A_2127 = arith.constant 1.000000e+00 : f32
    %add3A_2128 = vector.broadcast %add3A_2127 : f32 to vector<16xf32>
    %add3A_2129 = arith.addf %add3A_2128, %exp3A_2126 : vector<16xf32>
    %div3A_2130 = arith.divf %sub3A_2120, %add3A_2129 : vector<16xf32>
    %add3A_2131 = arith.addf %div3A_2117, %div3A_2130 : vector<16xf32>
    %swap3A_2132 = arith.constant 384 : index
    %swap3A_2133 = tpu.vector_load %arg15[%swap3A_2132] {strides = array<i32>} : memref<512xf32, #tpu.memory_space<vmem>>, vector<16xf32>,
    %swap3A_2134 = vector.shape_cast %swap3A_2133 : vector<16xf32> to vector<16xf32>
    %swap3A_2135 = vector.shape_cast %add3A_2131 : vector<16xf32> to vector<16xf32>
    tpu.vector_store %arg15[%swap3A_2132], %swap3A_2135 {strides = array<i32>} : memref<512xf32, #tpu.memory_space<vmem>>, vector<16xf32>,
    %get3A_2136 = arith.constant 400 : index
    %get3A_2137 = tpu.vector_load %arg11[%get3A_2136] {strides = array<i32>} : memref<512xf32, #tpu.memory_space<vmem>>, vector<16xf32>,
    %get3A_2138 = vector.shape_cast %get3A_2137 : vector<16xf32> to vector<16xf32>
    %neg3A_2139 = arith.constant 0.000000e+00 : f32
    %neg3A_2140 = vector.broadcast %neg3A_2139 : f32 to vector<16xf32>
    %neg3A_2141 = arith.subf %neg3A_2140, %get3A_2138 : vector<16xf32>
    %exp3A_2142 = math.exp %neg3A_2141 : vector<16xf32>
    %add3A_2143 = arith.constant 1.000000e+00 : f32
    %add3A_2144 = vector.broadcast %add3A_2143 : f32 to vector<16xf32>
    %add3A_2145 = arith.addf %add3A_2144, %exp3A_2142 : vector<16xf32>
    %div3A_2146 = arith.constant 1.000000e+00 : f32
    %div3A_2147 = vector.broadcast %div3A_2146 : f32 to vector<16xf32>
    %div3A_2148 = arith.divf %div3A_2147, %add3A_2145 : vector<16xf32>
    %sub3A_2149 = arith.constant 5.000000e-01 : f32
    %sub3A_2150 = vector.broadcast %sub3A_2149 : f32 to vector<16xf32>
    %sub3A_2151 = arith.subf %div3A_2148, %sub3A_2150 : vector<16xf32>
    %mul3A_2152 = arith.constant 8.000000e+00 : f32
    %mul3A_2153 = vector.broadcast %mul3A_2152 : f32 to vector<16xf32>
    %mul3A_2154 = arith.mulf %mul3A_2153, %sub3A_2151 : vector<16xf32>
    %get3A_2155 = arith.constant 400 : index
    %get3A_2156 = tpu.vector_load %arg13[%get3A_2155] {strides = array<i32>} : memref<512xf32, #tpu.memory_space<vmem>>, vector<16xf32>,
    %get3A_2157 = vector.shape_cast %get3A_2156 : vector<16xf32> to vector<16xf32>
    %neg3A_2158 = arith.constant 0.000000e+00 : f32
    %neg3A_2159 = vector.broadcast %neg3A_2158 : f32 to vector<16xf32>
    %neg3A_2160 = arith.subf %neg3A_2159, %get3A_2157 : vector<16xf32>
    %exp3A_2161 = math.exp %neg3A_2160 : vector<16xf32>
    %add3A_2162 = arith.constant 1.000000e+00 : f32
    %add3A_2163 = vector.broadcast %add3A_2162 : f32 to vector<16xf32>
    %add3A_2164 = arith.addf %add3A_2163, %exp3A_2161 : vector<16xf32>
    %div3A_2165 = arith.constant 1.000000e+00 : f32
    %div3A_2166 = vector.broadcast %div3A_2165 : f32 to vector<16xf32>
    %div3A_2167 = arith.divf %div3A_2166, %add3A_2164 : vector<16xf32>
    %sub3A_2168 = arith.constant 5.000000e-01 : f32
    %sub3A_2169 = vector.broadcast %sub3A_2168 : f32 to vector<16xf32>
    %sub3A_2170 = arith.subf %div3A_2167, %sub3A_2169 : vector<16xf32>
    %mul3A_2171 = arith.constant 8.000000e+00 : f32
    %mul3A_2172 = vector.broadcast %mul3A_2171 : f32 to vector<16xf32>
    %mul3A_2173 = arith.mulf %mul3A_2172, %sub3A_2170 : vector<16xf32>
    %get3A_2174 = arith.constant 400 : index
    %get3A_2175 = tpu.vector_load %arg12[%get3A_2174] {strides = array<i32>} : memref<512xf32, #tpu.memory_space<vmem>>, vector<16xf32>,
    %get3A_2176 = vector.shape_cast %get3A_2175 : vector<16xf32> to vector<16xf32>
    %neg3A_2177 = arith.constant 0.000000e+00 : f32
    %neg3A_2178 = vector.broadcast %neg3A_2177 : f32 to vector<16xf32>
    %neg3A_2179 = arith.subf %neg3A_2178, %get3A_2176 : vector<16xf32>
    %exp3A_2180 = math.exp %neg3A_2179 : vector<16xf32>
    %add3A_2181 = arith.constant 1.000000e+00 : f32
    %add3A_2182 = vector.broadcast %add3A_2181 : f32 to vector<16xf32>
    %add3A_2183 = arith.addf %add3A_2182, %exp3A_2180 : vector<16xf32>
    %div3A_2184 = arith.constant 1.000000e+00 : f32
    %div3A_2185 = vector.broadcast %div3A_2184 : f32 to vector<16xf32>
    %div3A_2186 = arith.divf %div3A_2185, %add3A_2183 : vector<16xf32>
    %mul3A_2187 = arith.constant 3.000000e+00 : f32
    %mul3A_2188 = vector.broadcast %mul3A_2187 : f32 to vector<16xf32>
    %mul3A_2189 = arith.mulf %mul3A_2188, %div3A_2186 : vector<16xf32>
    %get3A_2190 = arith.constant 400 : index
    %get3A_2191 = tpu.vector_load %arg14[%get3A_2190] {strides = array<i32>} : memref<512xf32, #tpu.memory_space<vmem>>, vector<16xf32>,
    %get3A_2192 = vector.shape_cast %get3A_2191 : vector<16xf32> to vector<16xf32>
    %neg3A_2193 = arith.constant 0.000000e+00 : f32
    %neg3A_2194 = vector.broadcast %neg3A_2193 : f32 to vector<16xf32>
    %neg3A_2195 = arith.subf %neg3A_2194, %get3A_2192 : vector<16xf32>
    %exp3A_2196 = math.exp %neg3A_2195 : vector<16xf32>
    %add3A_2197 = arith.constant 1.000000e+00 : f32
    %add3A_2198 = vector.broadcast %add3A_2197 : f32 to vector<16xf32>
    %add3A_2199 = arith.addf %add3A_2198, %exp3A_2196 : vector<16xf32>
    %div3A_2200 = arith.constant 1.000000e+00 : f32
    %div3A_2201 = vector.broadcast %div3A_2200 : f32 to vector<16xf32>
    %div3A_2202 = arith.divf %div3A_2201, %add3A_2199 : vector<16xf32>
    %sub3A_2203 = arith.constant 1.000000e+00 : f32
    %sub3A_2204 = vector.broadcast %sub3A_2203 : f32 to vector<16xf32>
    %sub3A_2205 = arith.subf %sub3A_2204, %div3A_2202 : vector<16xf32>
    %mul3A_2206 = arith.constant -1.702000e+00 : f32
    %mul3A_2207 = vector.broadcast %mul3A_2206 : f32 to vector<16xf32>
    %mul3A_2208 = arith.mulf %mul3A_2207, %mul3A_2189 : vector<16xf32>
    %sub3A_2209 = arith.subf %mul3A_2154, %mul3A_2173 : vector<16xf32>
    %mul3A_2210 = arith.mulf %mul3A_2208, %sub3A_2209 : vector<16xf32>
    %exp3A_2211 = math.exp %mul3A_2210 : vector<16xf32>
    %add3A_2212 = arith.constant 1.000000e+00 : f32
    %add3A_2213 = vector.broadcast %add3A_2212 : f32 to vector<16xf32>
    %add3A_2214 = arith.addf %add3A_2213, %exp3A_2211 : vector<16xf32>
    %div3A_2215 = arith.divf %sub3A_2205, %add3A_2214 : vector<16xf32>
    %add3A_2216 = arith.addf %div3A_2202, %div3A_2215 : vector<16xf32>
    %swap3A_2217 = arith.constant 400 : index
    %swap3A_2218 = tpu.vector_load %arg15[%swap3A_2217] {strides = array<i32>} : memref<512xf32, #tpu.memory_space<vmem>>, vector<16xf32>,
    %swap3A_2219 = vector.shape_cast %swap3A_2218 : vector<16xf32> to vector<16xf32>
    %swap3A_2220 = vector.shape_cast %add3A_2216 : vector<16xf32> to vector<16xf32>
    tpu.vector_store %arg15[%swap3A_2217], %swap3A_2220 {strides = array<i32>} : memref<512xf32, #tpu.memory_space<vmem>>, vector<16xf32>,
    %get3A_2221 = arith.constant 416 : index
    %get3A_2222 = tpu.vector_load %arg11[%get3A_2221] {strides = array<i32>} : memref<512xf32, #tpu.memory_space<vmem>>, vector<16xf32>,
    %get3A_2223 = vector.shape_cast %get3A_2222 : vector<16xf32> to vector<16xf32>
    %neg3A_2224 = arith.constant 0.000000e+00 : f32
    %neg3A_2225 = vector.broadcast %neg3A_2224 : f32 to vector<16xf32>
    %neg3A_2226 = arith.subf %neg3A_2225, %get3A_2223 : vector<16xf32>
    %exp3A_2227 = math.exp %neg3A_2226 : vector<16xf32>
    %add3A_2228 = arith.constant 1.000000e+00 : f32
    %add3A_2229 = vector.broadcast %add3A_2228 : f32 to vector<16xf32>
    %add3A_2230 = arith.addf %add3A_2229, %exp3A_2227 : vector<16xf32>
    %div3A_2231 = arith.constant 1.000000e+00 : f32
    %div3A_2232 = vector.broadcast %div3A_2231 : f32 to vector<16xf32>
    %div3A_2233 = arith.divf %div3A_2232, %add3A_2230 : vector<16xf32>
    %sub3A_2234 = arith.constant 5.000000e-01 : f32
    %sub3A_2235 = vector.broadcast %sub3A_2234 : f32 to vector<16xf32>
    %sub3A_2236 = arith.subf %div3A_2233, %sub3A_2235 : vector<16xf32>
    %mul3A_2237 = arith.constant 8.000000e+00 : f32
    %mul3A_2238 = vector.broadcast %mul3A_2237 : f32 to vector<16xf32>
    %mul3A_2239 = arith.mulf %mul3A_2238, %sub3A_2236 : vector<16xf32>
    %get3A_2240 = arith.constant 416 : index
    %get3A_2241 = tpu.vector_load %arg13[%get3A_2240] {strides = array<i32>} : memref<512xf32, #tpu.memory_space<vmem>>, vector<16xf32>,
    %get3A_2242 = vector.shape_cast %get3A_2241 : vector<16xf32> to vector<16xf32>
    %neg3A_2243 = arith.constant 0.000000e+00 : f32
    %neg3A_2244 = vector.broadcast %neg3A_2243 : f32 to vector<16xf32>
    %neg3A_2245 = arith.subf %neg3A_2244, %get3A_2242 : vector<16xf32>
    %exp3A_2246 = math.exp %neg3A_2245 : vector<16xf32>
    %add3A_2247 = arith.constant 1.000000e+00 : f32
    %add3A_2248 = vector.broadcast %add3A_2247 : f32 to vector<16xf32>
    %add3A_2249 = arith.addf %add3A_2248, %exp3A_2246 : vector<16xf32>
    %div3A_2250 = arith.constant 1.000000e+00 : f32
    %div3A_2251 = vector.broadcast %div3A_2250 : f32 to vector<16xf32>
    %div3A_2252 = arith.divf %div3A_2251, %add3A_2249 : vector<16xf32>
    %sub3A_2253 = arith.constant 5.000000e-01 : f32
    %sub3A_2254 = vector.broadcast %sub3A_2253 : f32 to vector<16xf32>
    %sub3A_2255 = arith.subf %div3A_2252, %sub3A_2254 : vector<16xf32>
    %mul3A_2256 = arith.constant 8.000000e+00 : f32
    %mul3A_2257 = vector.broadcast %mul3A_2256 : f32 to vector<16xf32>
    %mul3A_2258 = arith.mulf %mul3A_2257, %sub3A_2255 : vector<16xf32>
    %get3A_2259 = arith.constant 416 : index
    %get3A_2260 = tpu.vector_load %arg12[%get3A_2259] {strides = array<i32>} : memref<512xf32, #tpu.memory_space<vmem>>, vector<16xf32>,
    %get3A_2261 = vector.shape_cast %get3A_2260 : vector<16xf32> to vector<16xf32>
    %neg3A_2262 = arith.constant 0.000000e+00 : f32
    %neg3A_2263 = vector.broadcast %neg3A_2262 : f32 to vector<16xf32>
    %neg3A_2264 = arith.subf %neg3A_2263, %get3A_2261 : vector<16xf32>
    %exp3A_2265 = math.exp %neg3A_2264 : vector<16xf32>
    %add3A_2266 = arith.constant 1.000000e+00 : f32
    %add3A_2267 = vector.broadcast %add3A_2266 : f32 to vector<16xf32>
    %add3A_2268 = arith.addf %add3A_2267, %exp3A_2265 : vector<16xf32>
    %div3A_2269 = arith.constant 1.000000e+00 : f32
    %div3A_2270 = vector.broadcast %div3A_2269 : f32 to vector<16xf32>
    %div3A_2271 = arith.divf %div3A_2270, %add3A_2268 : vector<16xf32>
    %mul3A_2272 = arith.constant 3.000000e+00 : f32
    %mul3A_2273 = vector.broadcast %mul3A_2272 : f32 to vector<16xf32>
    %mul3A_2274 = arith.mulf %mul3A_2273, %div3A_2271 : vector<16xf32>
    %get3A_2275 = arith.constant 416 : index
    %get3A_2276 = tpu.vector_load %arg14[%get3A_2275] {strides = array<i32>} : memref<512xf32, #tpu.memory_space<vmem>>, vector<16xf32>,
    %get3A_2277 = vector.shape_cast %get3A_2276 : vector<16xf32> to vector<16xf32>
    %neg3A_2278 = arith.constant 0.000000e+00 : f32
    %neg3A_2279 = vector.broadcast %neg3A_2278 : f32 to vector<16xf32>
    %neg3A_2280 = arith.subf %neg3A_2279, %get3A_2277 : vector<16xf32>
    %exp3A_2281 = math.exp %neg3A_2280 : vector<16xf32>
    %add3A_2282 = arith.constant 1.000000e+00 : f32
    %add3A_2283 = vector.broadcast %add3A_2282 : f32 to vector<16xf32>
    %add3A_2284 = arith.addf %add3A_2283, %exp3A_2281 : vector<16xf32>
    %div3A_2285 = arith.constant 1.000000e+00 : f32
    %div3A_2286 = vector.broadcast %div3A_2285 : f32 to vector<16xf32>
    %div3A_2287 = arith.divf %div3A_2286, %add3A_2284 : vector<16xf32>
    %sub3A_2288 = arith.constant 1.000000e+00 : f32
    %sub3A_2289 = vector.broadcast %sub3A_2288 : f32 to vector<16xf32>
    %sub3A_2290 = arith.subf %sub3A_2289, %div3A_2287 : vector<16xf32>
    %mul3A_2291 = arith.constant -1.702000e+00 : f32
    %mul3A_2292 = vector.broadcast %mul3A_2291 : f32 to vector<16xf32>
    %mul3A_2293 = arith.mulf %mul3A_2292, %mul3A_2274 : vector<16xf32>
    %sub3A_2294 = arith.subf %mul3A_2239, %mul3A_2258 : vector<16xf32>
    %mul3A_2295 = arith.mulf %mul3A_2293, %sub3A_2294 : vector<16xf32>
    %exp3A_2296 = math.exp %mul3A_2295 : vector<16xf32>
    %add3A_2297 = arith.constant 1.000000e+00 : f32
    %add3A_2298 = vector.broadcast %add3A_2297 : f32 to vector<16xf32>
    %add3A_2299 = arith.addf %add3A_2298, %exp3A_2296 : vector<16xf32>
    %div3A_2300 = arith.divf %sub3A_2290, %add3A_2299 : vector<16xf32>
    %add3A_2301 = arith.addf %div3A_2287, %div3A_2300 : vector<16xf32>
    %swap3A_2302 = arith.constant 416 : index
    %swap3A_2303 = tpu.vector_load %arg15[%swap3A_2302] {strides = array<i32>} : memref<512xf32, #tpu.memory_space<vmem>>, vector<16xf32>,
    %swap3A_2304 = vector.shape_cast %swap3A_2303 : vector<16xf32> to vector<16xf32>
    %swap3A_2305 = vector.shape_cast %add3A_2301 : vector<16xf32> to vector<16xf32>
    tpu.vector_store %arg15[%swap3A_2302], %swap3A_2305 {strides = array<i32>} : memref<512xf32, #tpu.memory_space<vmem>>, vector<16xf32>,
    %get3A_2306 = arith.constant 432 : index
    %get3A_2307 = tpu.vector_load %arg11[%get3A_2306] {strides = array<i32>} : memref<512xf32, #tpu.memory_space<vmem>>, vector<16xf32>,
    %get3A_2308 = vector.shape_cast %get3A_2307 : vector<16xf32> to vector<16xf32>
    %neg3A_2309 = arith.constant 0.000000e+00 : f32
    %neg3A_2310 = vector.broadcast %neg3A_2309 : f32 to vector<16xf32>
    %neg3A_2311 = arith.subf %neg3A_2310, %get3A_2308 : vector<16xf32>
    %exp3A_2312 = math.exp %neg3A_2311 : vector<16xf32>
    %add3A_2313 = arith.constant 1.000000e+00 : f32
    %add3A_2314 = vector.broadcast %add3A_2313 : f32 to vector<16xf32>
    %add3A_2315 = arith.addf %add3A_2314, %exp3A_2312 : vector<16xf32>
    %div3A_2316 = arith.constant 1.000000e+00 : f32
    %div3A_2317 = vector.broadcast %div3A_2316 : f32 to vector<16xf32>
    %div3A_2318 = arith.divf %div3A_2317, %add3A_2315 : vector<16xf32>
    %sub3A_2319 = arith.constant 5.000000e-01 : f32
    %sub3A_2320 = vector.broadcast %sub3A_2319 : f32 to vector<16xf32>
    %sub3A_2321 = arith.subf %div3A_2318, %sub3A_2320 : vector<16xf32>
    %mul3A_2322 = arith.constant 8.000000e+00 : f32
    %mul3A_2323 = vector.broadcast %mul3A_2322 : f32 to vector<16xf32>
    %mul3A_2324 = arith.mulf %mul3A_2323, %sub3A_2321 : vector<16xf32>
    %get3A_2325 = arith.constant 432 : index
    %get3A_2326 = tpu.vector_load %arg13[%get3A_2325] {strides = array<i32>} : memref<512xf32, #tpu.memory_space<vmem>>, vector<16xf32>,
    %get3A_2327 = vector.shape_cast %get3A_2326 : vector<16xf32> to vector<16xf32>
    %neg3A_2328 = arith.constant 0.000000e+00 : f32
    %neg3A_2329 = vector.broadcast %neg3A_2328 : f32 to vector<16xf32>
    %neg3A_2330 = arith.subf %neg3A_2329, %get3A_2327 : vector<16xf32>
    %exp3A_2331 = math.exp %neg3A_2330 : vector<16xf32>
    %add3A_2332 = arith.constant 1.000000e+00 : f32
    %add3A_2333 = vector.broadcast %add3A_2332 : f32 to vector<16xf32>
    %add3A_2334 = arith.addf %add3A_2333, %exp3A_2331 : vector<16xf32>
    %div3A_2335 = arith.constant 1.000000e+00 : f32
    %div3A_2336 = vector.broadcast %div3A_2335 : f32 to vector<16xf32>
    %div3A_2337 = arith.divf %div3A_2336, %add3A_2334 : vector<16xf32>
    %sub3A_2338 = arith.constant 5.000000e-01 : f32
    %sub3A_2339 = vector.broadcast %sub3A_2338 : f32 to vector<16xf32>
    %sub3A_2340 = arith.subf %div3A_2337, %sub3A_2339 : vector<16xf32>
    %mul3A_2341 = arith.constant 8.000000e+00 : f32
    %mul3A_2342 = vector.broadcast %mul3A_2341 : f32 to vector<16xf32>
    %mul3A_2343 = arith.mulf %mul3A_2342, %sub3A_2340 : vector<16xf32>
    %get3A_2344 = arith.constant 432 : index
    %get3A_2345 = tpu.vector_load %arg12[%get3A_2344] {strides = array<i32>} : memref<512xf32, #tpu.memory_space<vmem>>, vector<16xf32>,
    %get3A_2346 = vector.shape_cast %get3A_2345 : vector<16xf32> to vector<16xf32>
    %neg3A_2347 = arith.constant 0.000000e+00 : f32
    %neg3A_2348 = vector.broadcast %neg3A_2347 : f32 to vector<16xf32>
    %neg3A_2349 = arith.subf %neg3A_2348, %get3A_2346 : vector<16xf32>
    %exp3A_2350 = math.exp %neg3A_2349 : vector<16xf32>
    %add3A_2351 = arith.constant 1.000000e+00 : f32
    %add3A_2352 = vector.broadcast %add3A_2351 : f32 to vector<16xf32>
    %add3A_2353 = arith.addf %add3A_2352, %exp3A_2350 : vector<16xf32>
    %div3A_2354 = arith.constant 1.000000e+00 : f32
    %div3A_2355 = vector.broadcast %div3A_2354 : f32 to vector<16xf32>
    %div3A_2356 = arith.divf %div3A_2355, %add3A_2353 : vector<16xf32>
    %mul3A_2357 = arith.constant 3.000000e+00 : f32
    %mul3A_2358 = vector.broadcast %mul3A_2357 : f32 to vector<16xf32>
    %mul3A_2359 = arith.mulf %mul3A_2358, %div3A_2356 : vector<16xf32>
    %get3A_2360 = arith.constant 432 : index
    %get3A_2361 = tpu.vector_load %arg14[%get3A_2360] {strides = array<i32>} : memref<512xf32, #tpu.memory_space<vmem>>, vector<16xf32>,
    %get3A_2362 = vector.shape_cast %get3A_2361 : vector<16xf32> to vector<16xf32>
    %neg3A_2363 = arith.constant 0.000000e+00 : f32
    %neg3A_2364 = vector.broadcast %neg3A_2363 : f32 to vector<16xf32>
    %neg3A_2365 = arith.subf %neg3A_2364, %get3A_2362 : vector<16xf32>
    %exp3A_2366 = math.exp %neg3A_2365 : vector<16xf32>
    %add3A_2367 = arith.constant 1.000000e+00 : f32
    %add3A_2368 = vector.broadcast %add3A_2367 : f32 to vector<16xf32>
    %add3A_2369 = arith.addf %add3A_2368, %exp3A_2366 : vector<16xf32>
    %div3A_2370 = arith.constant 1.000000e+00 : f32
    %div3A_2371 = vector.broadcast %div3A_2370 : f32 to vector<16xf32>
    %div3A_2372 = arith.divf %div3A_2371, %add3A_2369 : vector<16xf32>
    %sub3A_2373 = arith.constant 1.000000e+00 : f32
    %sub3A_2374 = vector.broadcast %sub3A_2373 : f32 to vector<16xf32>
    %sub3A_2375 = arith.subf %sub3A_2374, %div3A_2372 : vector<16xf32>
    %mul3A_2376 = arith.constant -1.702000e+00 : f32
    %mul3A_2377 = vector.broadcast %mul3A_2376 : f32 to vector<16xf32>
    %mul3A_2378 = arith.mulf %mul3A_2377, %mul3A_2359 : vector<16xf32>
    %sub3A_2379 = arith.subf %mul3A_2324, %mul3A_2343 : vector<16xf32>
    %mul3A_2380 = arith.mulf %mul3A_2378, %sub3A_2379 : vector<16xf32>
    %exp3A_2381 = math.exp %mul3A_2380 : vector<16xf32>
    %add3A_2382 = arith.constant 1.000000e+00 : f32
    %add3A_2383 = vector.broadcast %add3A_2382 : f32 to vector<16xf32>
    %add3A_2384 = arith.addf %add3A_2383, %exp3A_2381 : vector<16xf32>
    %div3A_2385 = arith.divf %sub3A_2375, %add3A_2384 : vector<16xf32>
    %add3A_2386 = arith.addf %div3A_2372, %div3A_2385 : vector<16xf32>
    %swap3A_2387 = arith.constant 432 : index
    %swap3A_2388 = tpu.vector_load %arg15[%swap3A_2387] {strides = array<i32>} : memref<512xf32, #tpu.memory_space<vmem>>, vector<16xf32>,
    %swap3A_2389 = vector.shape_cast %swap3A_2388 : vector<16xf32> to vector<16xf32>
    %swap3A_2390 = vector.shape_cast %add3A_2386 : vector<16xf32> to vector<16xf32>
    tpu.vector_store %arg15[%swap3A_2387], %swap3A_2390 {strides = array<i32>} : memref<512xf32, #tpu.memory_space<vmem>>, vector<16xf32>,
    %get3A_2391 = arith.constant 448 : index
    %get3A_2392 = tpu.vector_load %arg11[%get3A_2391] {strides = array<i32>} : memref<512xf32, #tpu.memory_space<vmem>>, vector<16xf32>,
    %get3A_2393 = vector.shape_cast %get3A_2392 : vector<16xf32> to vector<16xf32>
    %neg3A_2394 = arith.constant 0.000000e+00 : f32
    %neg3A_2395 = vector.broadcast %neg3A_2394 : f32 to vector<16xf32>
    %neg3A_2396 = arith.subf %neg3A_2395, %get3A_2393 : vector<16xf32>
    %exp3A_2397 = math.exp %neg3A_2396 : vector<16xf32>
    %add3A_2398 = arith.constant 1.000000e+00 : f32
    %add3A_2399 = vector.broadcast %add3A_2398 : f32 to vector<16xf32>
    %add3A_2400 = arith.addf %add3A_2399, %exp3A_2397 : vector<16xf32>
    %div3A_2401 = arith.constant 1.000000e+00 : f32
    %div3A_2402 = vector.broadcast %div3A_2401 : f32 to vector<16xf32>
    %div3A_2403 = arith.divf %div3A_2402, %add3A_2400 : vector<16xf32>
    %sub3A_2404 = arith.constant 5.000000e-01 : f32
    %sub3A_2405 = vector.broadcast %sub3A_2404 : f32 to vector<16xf32>
    %sub3A_2406 = arith.subf %div3A_2403, %sub3A_2405 : vector<16xf32>
    %mul3A_2407 = arith.constant 8.000000e+00 : f32
    %mul3A_2408 = vector.broadcast %mul3A_2407 : f32 to vector<16xf32>
    %mul3A_2409 = arith.mulf %mul3A_2408, %sub3A_2406 : vector<16xf32>
    %get3A_2410 = arith.constant 448 : index
    %get3A_2411 = tpu.vector_load %arg13[%get3A_2410] {strides = array<i32>} : memref<512xf32, #tpu.memory_space<vmem>>, vector<16xf32>,
    %get3A_2412 = vector.shape_cast %get3A_2411 : vector<16xf32> to vector<16xf32>
    %neg3A_2413 = arith.constant 0.000000e+00 : f32
    %neg3A_2414 = vector.broadcast %neg3A_2413 : f32 to vector<16xf32>
    %neg3A_2415 = arith.subf %neg3A_2414, %get3A_2412 : vector<16xf32>
    %exp3A_2416 = math.exp %neg3A_2415 : vector<16xf32>
    %add3A_2417 = arith.constant 1.000000e+00 : f32
    %add3A_2418 = vector.broadcast %add3A_2417 : f32 to vector<16xf32>
    %add3A_2419 = arith.addf %add3A_2418, %exp3A_2416 : vector<16xf32>
    %div3A_2420 = arith.constant 1.000000e+00 : f32
    %div3A_2421 = vector.broadcast %div3A_2420 : f32 to vector<16xf32>
    %div3A_2422 = arith.divf %div3A_2421, %add3A_2419 : vector<16xf32>
    %sub3A_2423 = arith.constant 5.000000e-01 : f32
    %sub3A_2424 = vector.broadcast %sub3A_2423 : f32 to vector<16xf32>
    %sub3A_2425 = arith.subf %div3A_2422, %sub3A_2424 : vector<16xf32>
    %mul3A_2426 = arith.constant 8.000000e+00 : f32
    %mul3A_2427 = vector.broadcast %mul3A_2426 : f32 to vector<16xf32>
    %mul3A_2428 = arith.mulf %mul3A_2427, %sub3A_2425 : vector<16xf32>
    %get3A_2429 = arith.constant 448 : index
    %get3A_2430 = tpu.vector_load %arg12[%get3A_2429] {strides = array<i32>} : memref<512xf32, #tpu.memory_space<vmem>>, vector<16xf32>,
    %get3A_2431 = vector.shape_cast %get3A_2430 : vector<16xf32> to vector<16xf32>
    %neg3A_2432 = arith.constant 0.000000e+00 : f32
    %neg3A_2433 = vector.broadcast %neg3A_2432 : f32 to vector<16xf32>
    %neg3A_2434 = arith.subf %neg3A_2433, %get3A_2431 : vector<16xf32>
    %exp3A_2435 = math.exp %neg3A_2434 : vector<16xf32>
    %add3A_2436 = arith.constant 1.000000e+00 : f32
    %add3A_2437 = vector.broadcast %add3A_2436 : f32 to vector<16xf32>
    %add3A_2438 = arith.addf %add3A_2437, %exp3A_2435 : vector<16xf32>
    %div3A_2439 = arith.constant 1.000000e+00 : f32
    %div3A_2440 = vector.broadcast %div3A_2439 : f32 to vector<16xf32>
    %div3A_2441 = arith.divf %div3A_2440, %add3A_2438 : vector<16xf32>
    %mul3A_2442 = arith.constant 3.000000e+00 : f32
    %mul3A_2443 = vector.broadcast %mul3A_2442 : f32 to vector<16xf32>
    %mul3A_2444 = arith.mulf %mul3A_2443, %div3A_2441 : vector<16xf32>
    %get3A_2445 = arith.constant 448 : index
    %get3A_2446 = tpu.vector_load %arg14[%get3A_2445] {strides = array<i32>} : memref<512xf32, #tpu.memory_space<vmem>>, vector<16xf32>,
    %get3A_2447 = vector.shape_cast %get3A_2446 : vector<16xf32> to vector<16xf32>
    %neg3A_2448 = arith.constant 0.000000e+00 : f32
    %neg3A_2449 = vector.broadcast %neg3A_2448 : f32 to vector<16xf32>
    %neg3A_2450 = arith.subf %neg3A_2449, %get3A_2447 : vector<16xf32>
    %exp3A_2451 = math.exp %neg3A_2450 : vector<16xf32>
    %add3A_2452 = arith.constant 1.000000e+00 : f32
    %add3A_2453 = vector.broadcast %add3A_2452 : f32 to vector<16xf32>
    %add3A_2454 = arith.addf %add3A_2453, %exp3A_2451 : vector<16xf32>
    %div3A_2455 = arith.constant 1.000000e+00 : f32
    %div3A_2456 = vector.broadcast %div3A_2455 : f32 to vector<16xf32>
    %div3A_2457 = arith.divf %div3A_2456, %add3A_2454 : vector<16xf32>
    %sub3A_2458 = arith.constant 1.000000e+00 : f32
    %sub3A_2459 = vector.broadcast %sub3A_2458 : f32 to vector<16xf32>
    %sub3A_2460 = arith.subf %sub3A_2459, %div3A_2457 : vector<16xf32>
    %mul3A_2461 = arith.constant -1.702000e+00 : f32
    %mul3A_2462 = vector.broadcast %mul3A_2461 : f32 to vector<16xf32>
    %mul3A_2463 = arith.mulf %mul3A_2462, %mul3A_2444 : vector<16xf32>
    %sub3A_2464 = arith.subf %mul3A_2409, %mul3A_2428 : vector<16xf32>
    %mul3A_2465 = arith.mulf %mul3A_2463, %sub3A_2464 : vector<16xf32>
    %exp3A_2466 = math.exp %mul3A_2465 : vector<16xf32>
    %add3A_2467 = arith.constant 1.000000e+00 : f32
    %add3A_2468 = vector.broadcast %add3A_2467 : f32 to vector<16xf32>
    %add3A_2469 = arith.addf %add3A_2468, %exp3A_2466 : vector<16xf32>
    %div3A_2470 = arith.divf %sub3A_2460, %add3A_2469 : vector<16xf32>
    %add3A_2471 = arith.addf %div3A_2457, %div3A_2470 : vector<16xf32>
    %swap3A_2472 = arith.constant 448 : index
    %swap3A_2473 = tpu.vector_load %arg15[%swap3A_2472] {strides = array<i32>} : memref<512xf32, #tpu.memory_space<vmem>>, vector<16xf32>,
    %swap3A_2474 = vector.shape_cast %swap3A_2473 : vector<16xf32> to vector<16xf32>
    %swap3A_2475 = vector.shape_cast %add3A_2471 : vector<16xf32> to vector<16xf32>
    tpu.vector_store %arg15[%swap3A_2472], %swap3A_2475 {strides = array<i32>} : memref<512xf32, #tpu.memory_space<vmem>>, vector<16xf32>,
    %get3A_2476 = arith.constant 464 : index
    %get3A_2477 = tpu.vector_load %arg11[%get3A_2476] {strides = array<i32>} : memref<512xf32, #tpu.memory_space<vmem>>, vector<16xf32>,
    %get3A_2478 = vector.shape_cast %get3A_2477 : vector<16xf32> to vector<16xf32>
    %neg3A_2479 = arith.constant 0.000000e+00 : f32
    %neg3A_2480 = vector.broadcast %neg3A_2479 : f32 to vector<16xf32>
    %neg3A_2481 = arith.subf %neg3A_2480, %get3A_2478 : vector<16xf32>
    %exp3A_2482 = math.exp %neg3A_2481 : vector<16xf32>
    %add3A_2483 = arith.constant 1.000000e+00 : f32
    %add3A_2484 = vector.broadcast %add3A_2483 : f32 to vector<16xf32>
    %add3A_2485 = arith.addf %add3A_2484, %exp3A_2482 : vector<16xf32>
    %div3A_2486 = arith.constant 1.000000e+00 : f32
    %div3A_2487 = vector.broadcast %div3A_2486 : f32 to vector<16xf32>
    %div3A_2488 = arith.divf %div3A_2487, %add3A_2485 : vector<16xf32>
    %sub3A_2489 = arith.constant 5.000000e-01 : f32
    %sub3A_2490 = vector.broadcast %sub3A_2489 : f32 to vector<16xf32>
    %sub3A_2491 = arith.subf %div3A_2488, %sub3A_2490 : vector<16xf32>
    %mul3A_2492 = arith.constant 8.000000e+00 : f32
    %mul3A_2493 = vector.broadcast %mul3A_2492 : f32 to vector<16xf32>
    %mul3A_2494 = arith.mulf %mul3A_2493, %sub3A_2491 : vector<16xf32>
    %get3A_2495 = arith.constant 464 : index
    %get3A_2496 = tpu.vector_load %arg13[%get3A_2495] {strides = array<i32>} : memref<512xf32, #tpu.memory_space<vmem>>, vector<16xf32>,
    %get3A_2497 = vector.shape_cast %get3A_2496 : vector<16xf32> to vector<16xf32>
    %neg3A_2498 = arith.constant 0.000000e+00 : f32
    %neg3A_2499 = vector.broadcast %neg3A_2498 : f32 to vector<16xf32>
    %neg3A_2500 = arith.subf %neg3A_2499, %get3A_2497 : vector<16xf32>
    %exp3A_2501 = math.exp %neg3A_2500 : vector<16xf32>
    %add3A_2502 = arith.constant 1.000000e+00 : f32
    %add3A_2503 = vector.broadcast %add3A_2502 : f32 to vector<16xf32>
    %add3A_2504 = arith.addf %add3A_2503, %exp3A_2501 : vector<16xf32>
    %div3A_2505 = arith.constant 1.000000e+00 : f32
    %div3A_2506 = vector.broadcast %div3A_2505 : f32 to vector<16xf32>
    %div3A_2507 = arith.divf %div3A_2506, %add3A_2504 : vector<16xf32>
    %sub3A_2508 = arith.constant 5.000000e-01 : f32
    %sub3A_2509 = vector.broadcast %sub3A_2508 : f32 to vector<16xf32>
    %sub3A_2510 = arith.subf %div3A_2507, %sub3A_2509 : vector<16xf32>
    %mul3A_2511 = arith.constant 8.000000e+00 : f32
    %mul3A_2512 = vector.broadcast %mul3A_2511 : f32 to vector<16xf32>
    %mul3A_2513 = arith.mulf %mul3A_2512, %sub3A_2510 : vector<16xf32>
    %get3A_2514 = arith.constant 464 : index
    %get3A_2515 = tpu.vector_load %arg12[%get3A_2514] {strides = array<i32>} : memref<512xf32, #tpu.memory_space<vmem>>, vector<16xf32>,
    %get3A_2516 = vector.shape_cast %get3A_2515 : vector<16xf32> to vector<16xf32>
    %neg3A_2517 = arith.constant 0.000000e+00 : f32
    %neg3A_2518 = vector.broadcast %neg3A_2517 : f32 to vector<16xf32>
    %neg3A_2519 = arith.subf %neg3A_2518, %get3A_2516 : vector<16xf32>
    %exp3A_2520 = math.exp %neg3A_2519 : vector<16xf32>
    %add3A_2521 = arith.constant 1.000000e+00 : f32
    %add3A_2522 = vector.broadcast %add3A_2521 : f32 to vector<16xf32>
    %add3A_2523 = arith.addf %add3A_2522, %exp3A_2520 : vector<16xf32>
    %div3A_2524 = arith.constant 1.000000e+00 : f32
    %div3A_2525 = vector.broadcast %div3A_2524 : f32 to vector<16xf32>
    %div3A_2526 = arith.divf %div3A_2525, %add3A_2523 : vector<16xf32>
    %mul3A_2527 = arith.constant 3.000000e+00 : f32
    %mul3A_2528 = vector.broadcast %mul3A_2527 : f32 to vector<16xf32>
    %mul3A_2529 = arith.mulf %mul3A_2528, %div3A_2526 : vector<16xf32>
    %get3A_2530 = arith.constant 464 : index
    %get3A_2531 = tpu.vector_load %arg14[%get3A_2530] {strides = array<i32>} : memref<512xf32, #tpu.memory_space<vmem>>, vector<16xf32>,
    %get3A_2532 = vector.shape_cast %get3A_2531 : vector<16xf32> to vector<16xf32>
    %neg3A_2533 = arith.constant 0.000000e+00 : f32
    %neg3A_2534 = vector.broadcast %neg3A_2533 : f32 to vector<16xf32>
    %neg3A_2535 = arith.subf %neg3A_2534, %get3A_2532 : vector<16xf32>
    %exp3A_2536 = math.exp %neg3A_2535 : vector<16xf32>
    %add3A_2537 = arith.constant 1.000000e+00 : f32
    %add3A_2538 = vector.broadcast %add3A_2537 : f32 to vector<16xf32>
    %add3A_2539 = arith.addf %add3A_2538, %exp3A_2536 : vector<16xf32>
    %div3A_2540 = arith.constant 1.000000e+00 : f32
    %div3A_2541 = vector.broadcast %div3A_2540 : f32 to vector<16xf32>
    %div3A_2542 = arith.divf %div3A_2541, %add3A_2539 : vector<16xf32>
    %sub3A_2543 = arith.constant 1.000000e+00 : f32
    %sub3A_2544 = vector.broadcast %sub3A_2543 : f32 to vector<16xf32>
    %sub3A_2545 = arith.subf %sub3A_2544, %div3A_2542 : vector<16xf32>
    %mul3A_2546 = arith.constant -1.702000e+00 : f32
    %mul3A_2547 = vector.broadcast %mul3A_2546 : f32 to vector<16xf32>
    %mul3A_2548 = arith.mulf %mul3A_2547, %mul3A_2529 : vector<16xf32>
    %sub3A_2549 = arith.subf %mul3A_2494, %mul3A_2513 : vector<16xf32>
    %mul3A_2550 = arith.mulf %mul3A_2548, %sub3A_2549 : vector<16xf32>
    %exp3A_2551 = math.exp %mul3A_2550 : vector<16xf32>
    %add3A_2552 = arith.constant 1.000000e+00 : f32
    %add3A_2553 = vector.broadcast %add3A_2552 : f32 to vector<16xf32>
    %add3A_2554 = arith.addf %add3A_2553, %exp3A_2551 : vector<16xf32>
    %div3A_2555 = arith.divf %sub3A_2545, %add3A_2554 : vector<16xf32>
    %add3A_2556 = arith.addf %div3A_2542, %div3A_2555 : vector<16xf32>
    %swap3A_2557 = arith.constant 464 : index
    %swap3A_2558 = tpu.vector_load %arg15[%swap3A_2557] {strides = array<i32>} : memref<512xf32, #tpu.memory_space<vmem>>, vector<16xf32>,
    %swap3A_2559 = vector.shape_cast %swap3A_2558 : vector<16xf32> to vector<16xf32>
    %swap3A_2560 = vector.shape_cast %add3A_2556 : vector<16xf32> to vector<16xf32>
    tpu.vector_store %arg15[%swap3A_2557], %swap3A_2560 {strides = array<i32>} : memref<512xf32, #tpu.memory_space<vmem>>, vector<16xf32>,
    %get3A_2561 = arith.constant 480 : index
    %get3A_2562 = tpu.vector_load %arg11[%get3A_2561] {strides = array<i32>} : memref<512xf32, #tpu.memory_space<vmem>>, vector<16xf32>,
    %get3A_2563 = vector.shape_cast %get3A_2562 : vector<16xf32> to vector<16xf32>
    %neg3A_2564 = arith.constant 0.000000e+00 : f32
    %neg3A_2565 = vector.broadcast %neg3A_2564 : f32 to vector<16xf32>
    %neg3A_2566 = arith.subf %neg3A_2565, %get3A_2563 : vector<16xf32>
    %exp3A_2567 = math.exp %neg3A_2566 : vector<16xf32>
    %add3A_2568 = arith.constant 1.000000e+00 : f32
    %add3A_2569 = vector.broadcast %add3A_2568 : f32 to vector<16xf32>
    %add3A_2570 = arith.addf %add3A_2569, %exp3A_2567 : vector<16xf32>
    %div3A_2571 = arith.constant 1.000000e+00 : f32
    %div3A_2572 = vector.broadcast %div3A_2571 : f32 to vector<16xf32>
    %div3A_2573 = arith.divf %div3A_2572, %add3A_2570 : vector<16xf32>
    %sub3A_2574 = arith.constant 5.000000e-01 : f32
    %sub3A_2575 = vector.broadcast %sub3A_2574 : f32 to vector<16xf32>
    %sub3A_2576 = arith.subf %div3A_2573, %sub3A_2575 : vector<16xf32>
    %mul3A_2577 = arith.constant 8.000000e+00 : f32
    %mul3A_2578 = vector.broadcast %mul3A_2577 : f32 to vector<16xf32>
    %mul3A_2579 = arith.mulf %mul3A_2578, %sub3A_2576 : vector<16xf32>
    %get3A_2580 = arith.constant 480 : index
    %get3A_2581 = tpu.vector_load %arg13[%get3A_2580] {strides = array<i32>} : memref<512xf32, #tpu.memory_space<vmem>>, vector<16xf32>,
    %get3A_2582 = vector.shape_cast %get3A_2581 : vector<16xf32> to vector<16xf32>
    %neg3A_2583 = arith.constant 0.000000e+00 : f32
    %neg3A_2584 = vector.broadcast %neg3A_2583 : f32 to vector<16xf32>
    %neg3A_2585 = arith.subf %neg3A_2584, %get3A_2582 : vector<16xf32>
    %exp3A_2586 = math.exp %neg3A_2585 : vector<16xf32>
    %add3A_2587 = arith.constant 1.000000e+00 : f32
    %add3A_2588 = vector.broadcast %add3A_2587 : f32 to vector<16xf32>
    %add3A_2589 = arith.addf %add3A_2588, %exp3A_2586 : vector<16xf32>
    %div3A_2590 = arith.constant 1.000000e+00 : f32
    %div3A_2591 = vector.broadcast %div3A_2590 : f32 to vector<16xf32>
    %div3A_2592 = arith.divf %div3A_2591, %add3A_2589 : vector<16xf32>
    %sub3A_2593 = arith.constant 5.000000e-01 : f32
    %sub3A_2594 = vector.broadcast %sub3A_2593 : f32 to vector<16xf32>
    %sub3A_2595 = arith.subf %div3A_2592, %sub3A_2594 : vector<16xf32>
    %mul3A_2596 = arith.constant 8.000000e+00 : f32
    %mul3A_2597 = vector.broadcast %mul3A_2596 : f32 to vector<16xf32>
    %mul3A_2598 = arith.mulf %mul3A_2597, %sub3A_2595 : vector<16xf32>
    %get3A_2599 = arith.constant 480 : index
    %get3A_2600 = tpu.vector_load %arg12[%get3A_2599] {strides = array<i32>} : memref<512xf32, #tpu.memory_space<vmem>>, vector<16xf32>,
    %get3A_2601 = vector.shape_cast %get3A_2600 : vector<16xf32> to vector<16xf32>
    %neg3A_2602 = arith.constant 0.000000e+00 : f32
    %neg3A_2603 = vector.broadcast %neg3A_2602 : f32 to vector<16xf32>
    %neg3A_2604 = arith.subf %neg3A_2603, %get3A_2601 : vector<16xf32>
    %exp3A_2605 = math.exp %neg3A_2604 : vector<16xf32>
    %add3A_2606 = arith.constant 1.000000e+00 : f32
    %add3A_2607 = vector.broadcast %add3A_2606 : f32 to vector<16xf32>
    %add3A_2608 = arith.addf %add3A_2607, %exp3A_2605 : vector<16xf32>
    %div3A_2609 = arith.constant 1.000000e+00 : f32
    %div3A_2610 = vector.broadcast %div3A_2609 : f32 to vector<16xf32>
    %div3A_2611 = arith.divf %div3A_2610, %add3A_2608 : vector<16xf32>
    %mul3A_2612 = arith.constant 3.000000e+00 : f32
    %mul3A_2613 = vector.broadcast %mul3A_2612 : f32 to vector<16xf32>
    %mul3A_2614 = arith.mulf %mul3A_2613, %div3A_2611 : vector<16xf32>
    %get3A_2615 = arith.constant 480 : index
    %get3A_2616 = tpu.vector_load %arg14[%get3A_2615] {strides = array<i32>} : memref<512xf32, #tpu.memory_space<vmem>>, vector<16xf32>,
    %get3A_2617 = vector.shape_cast %get3A_2616 : vector<16xf32> to vector<16xf32>
    %neg3A_2618 = arith.constant 0.000000e+00 : f32
    %neg3A_2619 = vector.broadcast %neg3A_2618 : f32 to vector<16xf32>
    %neg3A_2620 = arith.subf %neg3A_2619, %get3A_2617 : vector<16xf32>
    %exp3A_2621 = math.exp %neg3A_2620 : vector<16xf32>
    %add3A_2622 = arith.constant 1.000000e+00 : f32
    %add3A_2623 = vector.broadcast %add3A_2622 : f32 to vector<16xf32>
    %add3A_2624 = arith.addf %add3A_2623, %exp3A_2621 : vector<16xf32>
    %div3A_2625 = arith.constant 1.000000e+00 : f32
    %div3A_2626 = vector.broadcast %div3A_2625 : f32 to vector<16xf32>
    %div3A_2627 = arith.divf %div3A_2626, %add3A_2624 : vector<16xf32>
    %sub3A_2628 = arith.constant 1.000000e+00 : f32
    %sub3A_2629 = vector.broadcast %sub3A_2628 : f32 to vector<16xf32>
    %sub3A_2630 = arith.subf %sub3A_2629, %div3A_2627 : vector<16xf32>
    %mul3A_2631 = arith.constant -1.702000e+00 : f32
    %mul3A_2632 = vector.broadcast %mul3A_2631 : f32 to vector<16xf32>
    %mul3A_2633 = arith.mulf %mul3A_2632, %mul3A_2614 : vector<16xf32>
    %sub3A_2634 = arith.subf %mul3A_2579, %mul3A_2598 : vector<16xf32>
    %mul3A_2635 = arith.mulf %mul3A_2633, %sub3A_2634 : vector<16xf32>
    %exp3A_2636 = math.exp %mul3A_2635 : vector<16xf32>
    %add3A_2637 = arith.constant 1.000000e+00 : f32
    %add3A_2638 = vector.broadcast %add3A_2637 : f32 to vector<16xf32>
    %add3A_2639 = arith.addf %add3A_2638, %exp3A_2636 : vector<16xf32>
    %div3A_2640 = arith.divf %sub3A_2630, %add3A_2639 : vector<16xf32>
    %add3A_2641 = arith.addf %div3A_2627, %div3A_2640 : vector<16xf32>
    %swap3A_2642 = arith.constant 480 : index
    %swap3A_2643 = tpu.vector_load %arg15[%swap3A_2642] {strides = array<i32>} : memref<512xf32, #tpu.memory_space<vmem>>, vector<16xf32>,
    %swap3A_2644 = vector.shape_cast %swap3A_2643 : vector<16xf32> to vector<16xf32>
    %swap3A_2645 = vector.shape_cast %add3A_2641 : vector<16xf32> to vector<16xf32>
    tpu.vector_store %arg15[%swap3A_2642], %swap3A_2645 {strides = array<i32>} : memref<512xf32, #tpu.memory_space<vmem>>, vector<16xf32>,
    %get3A_2646 = arith.constant 496 : index
    %get3A_2647 = tpu.vector_load %arg11[%get3A_2646] {strides = array<i32>} : memref<512xf32, #tpu.memory_space<vmem>>, vector<16xf32>,
    %get3A_2648 = vector.shape_cast %get3A_2647 : vector<16xf32> to vector<16xf32>
    %neg3A_2649 = arith.constant 0.000000e+00 : f32
    %neg3A_2650 = vector.broadcast %neg3A_2649 : f32 to vector<16xf32>
    %neg3A_2651 = arith.subf %neg3A_2650, %get3A_2648 : vector<16xf32>
    %exp3A_2652 = math.exp %neg3A_2651 : vector<16xf32>
    %add3A_2653 = arith.constant 1.000000e+00 : f32
    %add3A_2654 = vector.broadcast %add3A_2653 : f32 to vector<16xf32>
    %add3A_2655 = arith.addf %add3A_2654, %exp3A_2652 : vector<16xf32>
    %div3A_2656 = arith.constant 1.000000e+00 : f32
    %div3A_2657 = vector.broadcast %div3A_2656 : f32 to vector<16xf32>
    %div3A_2658 = arith.divf %div3A_2657, %add3A_2655 : vector<16xf32>
    %sub3A_2659 = arith.constant 5.000000e-01 : f32
    %sub3A_2660 = vector.broadcast %sub3A_2659 : f32 to vector<16xf32>
    %sub3A_2661 = arith.subf %div3A_2658, %sub3A_2660 : vector<16xf32>
    %mul3A_2662 = arith.constant 8.000000e+00 : f32
    %mul3A_2663 = vector.broadcast %mul3A_2662 : f32 to vector<16xf32>
    %mul3A_2664 = arith.mulf %mul3A_2663, %sub3A_2661 : vector<16xf32>
    %get3A_2665 = arith.constant 496 : index
    %get3A_2666 = tpu.vector_load %arg13[%get3A_2665] {strides = array<i32>} : memref<512xf32, #tpu.memory_space<vmem>>, vector<16xf32>,
    %get3A_2667 = vector.shape_cast %get3A_2666 : vector<16xf32> to vector<16xf32>
    %neg3A_2668 = arith.constant 0.000000e+00 : f32
    %neg3A_2669 = vector.broadcast %neg3A_2668 : f32 to vector<16xf32>
    %neg3A_2670 = arith.subf %neg3A_2669, %get3A_2667 : vector<16xf32>
    %exp3A_2671 = math.exp %neg3A_2670 : vector<16xf32>
    %add3A_2672 = arith.constant 1.000000e+00 : f32
    %add3A_2673 = vector.broadcast %add3A_2672 : f32 to vector<16xf32>
    %add3A_2674 = arith.addf %add3A_2673, %exp3A_2671 : vector<16xf32>
    %div3A_2675 = arith.constant 1.000000e+00 : f32
    %div3A_2676 = vector.broadcast %div3A_2675 : f32 to vector<16xf32>
    %div3A_2677 = arith.divf %div3A_2676, %add3A_2674 : vector<16xf32>
    %sub3A_2678 = arith.constant 5.000000e-01 : f32
    %sub3A_2679 = vector.broadcast %sub3A_2678 : f32 to vector<16xf32>
    %sub3A_2680 = arith.subf %div3A_2677, %sub3A_2679 : vector<16xf32>
    %mul3A_2681 = arith.constant 8.000000e+00 : f32
    %mul3A_2682 = vector.broadcast %mul3A_2681 : f32 to vector<16xf32>
    %mul3A_2683 = arith.mulf %mul3A_2682, %sub3A_2680 : vector<16xf32>
    %get3A_2684 = arith.constant 496 : index
    %get3A_2685 = tpu.vector_load %arg12[%get3A_2684] {strides = array<i32>} : memref<512xf32, #tpu.memory_space<vmem>>, vector<16xf32>,
    %get3A_2686 = vector.shape_cast %get3A_2685 : vector<16xf32> to vector<16xf32>
    %neg3A_2687 = arith.constant 0.000000e+00 : f32
    %neg3A_2688 = vector.broadcast %neg3A_2687 : f32 to vector<16xf32>
    %neg3A_2689 = arith.subf %neg3A_2688, %get3A_2686 : vector<16xf32>
    %exp3A_2690 = math.exp %neg3A_2689 : vector<16xf32>
    %add3A_2691 = arith.constant 1.000000e+00 : f32
    %add3A_2692 = vector.broadcast %add3A_2691 : f32 to vector<16xf32>
    %add3A_2693 = arith.addf %add3A_2692, %exp3A_2690 : vector<16xf32>
    %div3A_2694 = arith.constant 1.000000e+00 : f32
    %div3A_2695 = vector.broadcast %div3A_2694 : f32 to vector<16xf32>
    %div3A_2696 = arith.divf %div3A_2695, %add3A_2693 : vector<16xf32>
    %mul3A_2697 = arith.constant 3.000000e+00 : f32
    %mul3A_2698 = vector.broadcast %mul3A_2697 : f32 to vector<16xf32>
    %mul3A_2699 = arith.mulf %mul3A_2698, %div3A_2696 : vector<16xf32>
    %get3A_2700 = arith.constant 496 : index
    %get3A_2701 = tpu.vector_load %arg14[%get3A_2700] {strides = array<i32>} : memref<512xf32, #tpu.memory_space<vmem>>, vector<16xf32>,
    %get3A_2702 = vector.shape_cast %get3A_2701 : vector<16xf32> to vector<16xf32>
    %neg3A_2703 = arith.constant 0.000000e+00 : f32
    %neg3A_2704 = vector.broadcast %neg3A_2703 : f32 to vector<16xf32>
    %neg3A_2705 = arith.subf %neg3A_2704, %get3A_2702 : vector<16xf32>
    %exp3A_2706 = math.exp %neg3A_2705 : vector<16xf32>
    %add3A_2707 = arith.constant 1.000000e+00 : f32
    %add3A_2708 = vector.broadcast %add3A_2707 : f32 to vector<16xf32>
    %add3A_2709 = arith.addf %add3A_2708, %exp3A_2706 : vector<16xf32>
    %div3A_2710 = arith.constant 1.000000e+00 : f32
    %div3A_2711 = vector.broadcast %div3A_2710 : f32 to vector<16xf32>
    %div3A_2712 = arith.divf %div3A_2711, %add3A_2709 : vector<16xf32>
    %sub3A_2713 = arith.constant 1.000000e+00 : f32
    %sub3A_2714 = vector.broadcast %sub3A_2713 : f32 to vector<16xf32>
    %sub3A_2715 = arith.subf %sub3A_2714, %div3A_2712 : vector<16xf32>
    %mul3A_2716 = arith.constant -1.702000e+00 : f32
    %mul3A_2717 = vector.broadcast %mul3A_2716 : f32 to vector<16xf32>
    %mul3A_2718 = arith.mulf %mul3A_2717, %mul3A_2699 : vector<16xf32>
    %sub3A_2719 = arith.subf %mul3A_2664, %mul3A_2683 : vector<16xf32>
    %mul3A_2720 = arith.mulf %mul3A_2718, %sub3A_2719 : vector<16xf32>
    %exp3A_2721 = math.exp %mul3A_2720 : vector<16xf32>
    %add3A_2722 = arith.constant 1.000000e+00 : f32
    %add3A_2723 = vector.broadcast %add3A_2722 : f32 to vector<16xf32>
    %add3A_2724 = arith.addf %add3A_2723, %exp3A_2721 : vector<16xf32>
    %div3A_2725 = arith.divf %sub3A_2715, %add3A_2724 : vector<16xf32>
    %add3A_2726 = arith.addf %div3A_2712, %div3A_2725 : vector<16xf32>
    %swap3A_2727 = arith.constant 496 : index
    %swap3A_2728 = tpu.vector_load %arg15[%swap3A_2727] {strides = array<i32>} : memref<512xf32, #tpu.memory_space<vmem>>, vector<16xf32>,
    %swap3A_2729 = vector.shape_cast %swap3A_2728 : vector<16xf32> to vector<16xf32>
    %swap3A_2730 = vector.shape_cast %add3A_2726 : vector<16xf32> to vector<16xf32>
    tpu.vector_store %arg15[%swap3A_2727], %swap3A_2730 {strides = array<i32>} : memref<512xf32, #tpu.memory_space<vmem>>, vector<16xf32>,
    "tpu.region"() ({
      %run_scoped3A = tpu.sem_alloc : memref<!tpu.dma_semaphore, #tpu.memory_space<semaphore_mem>>
      %dma_start3A_2731 = tpu.memref_slice %arg8[%mul3A_2] : memref<16384xf32, #tpu.memory_space<hbm>> -> memref<512xf32, #tpu.memory_space<hbm>>
      %dma_start3A_2732 = tpu.memref_slice %arg8[%mul3A_2] : memref<16384xf32, #tpu.memory_space<hbm>> -> memref<512xf32, #tpu.memory_space<hbm>>
      tpu.enqueue_dma source(%arg15 : memref<512xf32, #tpu.memory_space<vmem>>) target(%dma_start3A_2732 : memref<512xf32, #tpu.memory_space<hbm>>) target_semaphore(%run_scoped3A : memref<!tpu.dma_semaphore, #tpu.memory_space<semaphore_mem>>)
      %dma_wait3A_2733 = tpu.memref_slice %arg8[%mul3A_2] : memref<16384xf32, #tpu.memory_space<hbm>> -> memref<512xf32, #tpu.memory_space<hbm>>
      %dma_wait3A_2734 = tpu.memref_slice %arg8[%mul3A_2] : memref<16384xf32, #tpu.memory_space<hbm>> -> memref<512xf32, #tpu.memory_space<hbm>>
      tpu.wait_dma2 semaphore(%run_scoped3A : memref<!tpu.dma_semaphore, #tpu.memory_space<semaphore_mem>>) src(%arg15 : memref<512xf32, #tpu.memory_space<vmem>>) dst(%dma_wait3A_2734 : memref<512xf32, #tpu.memory_space<hbm>>)
      tpu.yield
    }) : () -> ()
    return
  }
}

</mosaic_0001>

<sc_bundles>
// kernel: kernel.3.cloned.1.call-start
scs
__scs_entry_jumppad:
0x0: {  	(pc) =	sbr.rel $0x88, $3  }
0x1: {  	(tag) =	ssettag $0x0;
	lr =	simm.s32 $0x1  }
0x2: {  	[smem:$0x3F9B] =	sst lr;
	_ =	strace $0xD0000000  }
0x3: {  	_ = 	snop  }
0x4: {  	_ = 	snop  }
0x5: {  	_ = 	snop  }
0x6: {  	_ = 	snop  }
0x7: {  	_ = 	snop  }
__scs_overlays_trampoline_lowered:
0x8: {  	[smem:$0x3FAA] =	sst s0  }
0x9: {  	[smem:$0x3FAB] =	sst s1  }
0xa: {  	[smem:$0x3FAC] =	sst s2  }
0xb: {  	[smem:$0x3FAD] =	sst s3  }
0xc: {  	[smem:$0x3FAE] =	sst s4  }
0xd: {  	[smem:$0x3FAF] =	sst s5  }
0xe: {  	[smem:$0x3FB0] =	sst s6  }
0xf: {  	[smem:$0x3FB1] =	sst s7  }
0x10: {  	[smem:$0x3FB2] =	sst s8  }
0x11: {  	[smem:$0x3FB3] =	sst s9;
	s0 =	simm.s32 @!p0 $0x0  }
0x12: {  	s1 =	sld [smem:$0x3F99];
	s0 =	simm.s32 @p0 $0x1  }
0x13: {  	[smem:$0x3FB4] =	sst s0;
	s0 =	simm.s32 @!p1 $0x0  }
0x14: {  	s2 =	sld [smem:$0x3F98];
	s0 =	simm.s32 @p1 $0x1  }
0x15: {  	[smem:$0x3FB5] =	sst s0;
	s0 =	simm.s32 @!p2 $0x0  }
0x16: {  	s3 =	sld [smem:$0x3FDB];
	s0 =	simm.s32 @p2 $0x1  }
0x17: {  	s4 =	simm.s32 $0x1BF5;
	[smem:$0x3FB7] =	sst s0  }
0x18: {  	s0 =	sld [smem:$0x3F9A];
	_ =	swait.ge [sflag:s4], $0x0  }
0x19: {  	s7 =	sld [smem:$0x3F9B]  }
0x1a: {  	s8 =	sadd.s32 $0xFFFFE003, lr  }
0x1b: {  	s9 =	sadd.s32 $0xFFFFFEF7, lr;
	s5 =	simm.s32 $0xFFFFFFFF;
	p2 =	slt.u32 s8, $0xFFFFF086  }
0x1c: {  	p1 =	slt.u32 s9, $0xF7A;
	s5 =	simm.s32 @!p2 $0x0  }
0x1d: {  	s5 =	simm.s32 @p1 $0x1;
	p0 =	seq.s32 s7, s2  }
0x1e: {  	s7 =	smul.u32 @!p0 $0xF7A, s2;
	p2 =	seq.s32 @!p0 s5, $0x0  }
0x1f: {  	s9 =	smul.u32 $0xF7A, s1;
	s8 =	simm.s32 @!p0 $0x1BF5;
	p2 =	por !p2, p0  }
0x20: {  	[sflag:s8] =	ssyncset.s32 @!p0 $0xFFFFF086;
	s6 =	sadd.s32 @!p0 s3, s7;
	s7 =	simm.s32 @!p0 $0x108  }
0x21: {  	s3 =	sadd.s32 s3, s9;
	s6 =	sadd.s32 @!p0 $0x88, s6;
	s7 =	simm.s32 @p2 $0x1082  }
0x22: {  	[simem:s7], [sflag:s8] =	dma.local @!p0 [hbm:s6], $0xF7A  }
0x23: {  	s9 =	sor.u32 $0xD0000000, s2;
	s6 =	simm.s32 $0x108;
	_ =	swait.ge @!p0 [sflag:s8], $0x0  }
0x24: {  	s3 =	sadd.s32 $0x88, s3;
	s6 =	simm.s32 @!p1 $0x1082;
	[sflag:s4] =	ssyncset.s32 $0xFFFFF086  }
0x25: {  	[simem:s6], [sflag:s4] =	dma.local [hbm:s3], $0xF7A  }
0x26: {  	[smem:$0x3F9B] =	sst s1;
	(tag) =	ssettag s2;
	_ =	strace s9  }
0x27: {  	s1 =	sld [smem:$0x3FAB]  }
0x28: {  	s2 =	sld [smem:$0x3FAC]  }
0x29: {  	s4 =	sld [smem:$0x3FAE]  }
0x2a: {  	p0 =	seq.s32 s5, $0x0;
	s5 =	sld [smem:$0x3FAF]  }
0x2b: {  	s6 =	sld [smem:$0x3FB0]  }
0x2c: {  	s7 =	sld [smem:$0x3FB1]  }
0x2d: {  	s3 =	simm.s32 $0x108;
	s8 =	sld [smem:$0x3FB2]  }
0x2e: {  	s3 =	simm.s32 @!p0 $0x1082;
	s9 =	sld [smem:$0x3FB3]  }
0x2f: {  	lr =	sadd.s32 s0, s3;
	s0 =	sld [smem:$0x3FAA]  }
0x30: {  	s3 =	sld [smem:$0x3FAD]  }
0x31: {  	[smem:$0x3FB6] =	sst s10  }
0x32: {  	s10 =	sld [smem:$0x3FB4];
	_ =	sdelay $0x3  }
0x33: {  	p0 =	seq.s32 s10, $0x1;
	s10 =	sld [smem:$0x3FB6];
	_ =	sdelay $0x3  }
0x34: {  	[smem:$0x3FB6] =	sst s10  }
0x35: {  	s10 =	sld [smem:$0x3FB5];
	_ =	sdelay $0x3  }
0x36: {  	p1 =	seq.s32 s10, $0x1;
	s10 =	sld [smem:$0x3FB6];
	_ =	sdelay $0x3  }
0x37: {  	[smem:$0x3FB6] =	sst s10  }
0x38: {  	s10 =	sld [smem:$0x3FB7]  }
0x39: {  	_ = 	snop;
	(pc) =	sbr.ind lr, $3  }
0x3a: {  	_ = 	snop  }
0x3b: {  	_ = 	snop  }
0x3c: {  	p2 =	seq.s32 s10, $0x1;
	s10 =	sld [smem:$0x3FB6]  }
0x3d: {  	_ =	shalt  }
0x3e: {  	_ =	shalt  }
0x3f: {  	_ =	shalt  }
0x40: {  	_ =	shalt  }
0x41: {  	_ =	shalt  }
0x42: {  	_ =	shalt  }
0x43: {  	_ =	shalt  }
0x44: {  	_ =	shalt  }
0x45: {  	_ =	shalt  }
0x46: {  	_ =	shalt  }
0x47: {  	_ =	shalt  }
0x48: {  	_ =	shalt  }
0x49: {  	_ =	shalt  }
0x4a: {  	_ =	shalt  }
0x4b: {  	_ =	shalt  }
0x4c: {  	_ =	shalt  }
0x4d: {  	_ =	shalt  }
0x4e: {  	_ =	shalt  }
0x4f: {  	_ =	shalt  }
0x50: {  	_ =	shalt  }
0x51: {  	_ =	shalt  }
0x52: {  	_ =	shalt  }
0x53: {  	_ =	shalt  }
0x54: {  	_ =	shalt  }
0x55: {  	_ =	shalt  }
0x56: {  	_ =	shalt  }
0x57: {  	_ =	shalt  }
0x58: {  	_ =	shalt  }
0x59: {  	_ =	shalt  }
0x5a: {  	_ =	shalt  }
0x5b: {  	_ =	shalt  }
0x5c: {  	_ =	shalt  }
0x5d: {  	_ =	shalt  }
0x5e: {  	_ =	shalt  }
0x5f: {  	_ =	shalt  }
0x60: {  	_ =	shalt  }
0x61: {  	_ =	shalt  }
0x62: {  	_ =	shalt  }
0x63: {  	_ =	shalt  }
0x64: {  	_ =	shalt  }
0x65: {  	_ =	shalt  }
0x66: {  	_ =	shalt  }
0x67: {  	_ =	shalt  }
0x68: {  	_ =	shalt  }
0x69: {  	_ =	shalt  }
0x6a: {  	_ =	shalt  }
0x6b: {  	_ =	shalt  }
0x6c: {  	_ =	shalt  }
0x6d: {  	_ =	shalt  }
0x6e: {  	_ =	shalt  }
0x6f: {  	_ =	shalt  }
0x70: {  	_ =	shalt  }
0x71: {  	_ =	shalt  }
0x72: {  	_ =	shalt  }
0x73: {  	_ =	shalt  }
0x74: {  	_ =	shalt  }
0x75: {  	_ =	shalt  }
0x76: {  	_ =	shalt  }
0x77: {  	_ =	shalt  }
0x78: {  	_ =	shalt  }
0x79: {  	_ =	shalt  }
0x7a: {  	_ =	shalt  }
0x7b: {  	_ =	shalt  }
0x7c: {  	_ =	shalt  }
0x7d: {  	_ =	shalt  }
0x7e: {  	_ =	shalt  }
0x7f: {  	_ =	shalt  }
0x80: {  	_ =	shalt  }
0x81: {  	_ =	shalt  }
0x82: {  	_ =	shalt  }
0x83: {  	_ =	shalt  }
0x84: {  	_ =	shalt  }
0x85: {  	_ =	shalt  }
0x86: {  	_ =	shalt  }
0x87: {  	_ =	shalt  }
.Lfunc_end0:
.L_simem_size_0:
called_computation_lowered:
.L_overlay_start_0:
0x88: {  	s2 =	sld [smem:$0x3FD9]  }
0x89: {  	s3 =	sld [smem:$0x3FFE];
	_ =	sdelay $0x1  }
0x8a: {  	s1 =	srdreg.scid  }
0x8b: {  	s0 =	sand.u32 $0x1, s1  }
0x8c: {  	s17 =	sshll.u32 s0, $0xA;
	s2 =	sadd.s32 s3, s2  }
0x8d: {  	s2 =	sadd.s32 s2, s17  }
0x8e: {  	[smem:$0x3FC2] =	sst s2  }
0x8f: {  	_ = 	snop  }
0x90: {  	s2 =	sld [smem:$0x3FC9]  }
0x91: {  	s18 =	sld [smem:$0x3FC8]  }
0x92: {  	s4 =	sld [smem:$0x3FD0];
	(tm) =	ssettm $0x1  }
0x93: {  	s5 =	sld [smem:$0x3FFB];
	_ =	sdelay $0x3  }
0x94: {  	_ =	strace s5  }
0x95: {  	s5 =	sld [smem:$0x3FFC];
	_ =	sdelay $0x3  }
0x96: {  	_ =	strace s5  }
0x97: {  	s5 =	sld [smem:$0x3FFD];
	_ =	sdelay $0x3  }
0x98: {  	_ =	strace s5  }
0x99: {  	_ =	strace $0x8FFFFFFF  }
0x9a: {  	s19 =	sld [smem:$0x3FDB];
	_ =	sdelay $0x1  }
0x9b: {  	s6 =	simm.s32 $_scs_section_size  }
0x9c: {  	s7 =	simm.s32 $_size__tile_overlayer_lowered;
	s8 =	simm.s32 $_tile_overlayer_lowered  }
0x9d: {  	s22 =	simm.s32 $0x1BFF;
	s21 =	sshll.u32 s8, $0x1;
	s5 =	sadd.s32 s6, s19  }
0x9e: {  	s9 =	simm.s32 $0x0;
	s20 =	sshll.u32 s7, $0x1;
	s7 =	sadd.s32 s21, s5  }
0x9f: {  	[timem:s9], [sflag:s22] =	dma.local [hbm:s7], s20  }
0xa0: {  	_ =	swait.ge [sflag:s22], s20  }
0xa1: {  	s6 =	ssub.s32 $0x0, s20;
	[sflag:s22] =	ssyncset.done $0x0  }
0xa2: {  	[sflag:s22] =	ssyncadd.s32 s6;
	_ =	sdelay $0x1  }
0xa3: {  	s23 =	simm.s32 $0x1B8B  }
0xa4: {  	_ =	swait.ge [sflag:s23], $0x1  }
0xa5: {  	[sflag:s23] =	ssyncset.done $0x0  }
0xa6: {  	s25 =	simm.s32 $0x1B8E;
	s24 =	sld [smem:$0x3FFE];
	[sflag:s23] =	ssyncadd.s32 $0xFFFFFFFF  }
0xa7: {  	s26 =	simm.s32 $execute0_lowered;
	[smem:$0x3FD2] =	sst s25  }
0xa8: {  	s7 =	sshll.u32 s26, $0x1;
	_ =	strace $0x80000046;
	[dreg:$0x1] =	wrdreg $0xFFFFFFFF  }
0xa9: {  	s28 =	simm.s32 $_size_execute0_lowered;
	s5 =	sadd.s32 s5, s7;
	[dreg:$0x0] =	wrdreg $0x0  }
0xaa: {  	s7 =	sshll.u32 s28, $0x1;
	[dreg:$0x2] =	wrdreg s5  }
0xab: {  	[dreg:$0x3] =	wrdreg s7  }
0xac: {  	[dreg:$0x4] =	wrdreg $0xC0  }
0xad: {  	_ =	task [dreg:s9], $0x5FFFF  }
0xae: {  	[dreg:$0x1] =	wrdreg $0xFFFFFFFF  }
0xaf: {  	[dreg:$0x0] =	wrdreg $0x60  }
0xb0: {  	[dreg:$0x2] =	wrdreg s2  }
0xb1: {  	[dreg:$0x3] =	wrdreg s18  }
0xb2: {  	[dreg:$0x4] =	wrdreg s24  }
0xb3: {  	[dreg:$0x5] =	wrdreg s4  }
0xb4: {  	[dreg:$0x6] =	wrdreg $0x9  }
0xb5: {  	_ =	task.clear_ibuf [dreg:s9], $0x7FFFF;
	_ =	strace $0x90000046  }
0xb6: {  	s29 =	simm.s32 $0x9;
	_ =	strace $0x80000048  }
0xb7: {  	_ =	swait.ge [sflag:s29], $0x1  }
0xb8: {  	[sflag:s29] =	ssyncadd.s32 $0xFFFFFFFF  }
0xb9: {  	_ =	strace $0x90000048  }
0xba: {  	_ =	sfence  }
0xbb: {  	s30 =	sld [smem:$0x0];
	_ =	sdelay $0x2  }
0xbc: {  	s31 =	sshll.u32 s1, $0xD;
	s1 =	sshrl.u32 s1, $0x2  }
0xbd: {  	s3 =	sand.u32 $0x4000, s31;
	s1 =	sadd.s32 s1, s30  }
0xbe: {  	s0 =	sor.u32 s3, s0;
	s1 =	sshll.u32 s1, $0x11  }
0xbf: {  	s0 =	sor.u32 s1, s0  }
0xc0: {  	s0 =	sadd.s32 $0x8F2B, s0  }
0xc1: {  	[sflag:s0] =	ssyncadd.remote.s32 $0x1  }
0xc2: {  	_ =	sfence.sel $0xFFFF  }
0xc3: {  	[dreg:$0x0] =	wrdreg $0xFFFFFFFF;
	(pc) =	sbr.abs _section_cstart, $3  }
0xc4: {  	[dreg:$0x1] =	wrdreg $0xFFFFFFFF  }
0xc5: {  	_ =	task.clear_ibuf [dreg:s9], $0x2FFFF;
	_ =	strace $0x9FFFFFFF  }
0xc6: {  	(tm) =	ssettm $0x7FFFFFFF  }
0xc7: {  	_ =	shalt  }
tec
execute0_lowered:
.L_overlay_start_1:
0x0: {  	(tag) =	ssettag $0x1  }
0x1: {  	s7 =	rddreg [dreg:$0x0]  }
0x2: {  	s8 =	rddreg [dreg:$0x1]  }
0x3: {  	s1 =	rddreg [dreg:$0x2]  }
0x4: {  	s9 =	rddreg [dreg:$0x3]  }
0x5: {  	s0 =	rddreg [dreg:$0x4]  }
0x6: {  	s2 =	simm.s32 $0x0;
	s3 =	srdreg.scid;
	s14 =	simm.s32 $0x600  }
0x7: {  	s15 =	simm.s32 $0x800;
	s16 =	simm.s32 $0xA00;
	s17 =	simm.s32 $0x1  }
0x8: {  	s18 =	simm.s32 $0xC00;
	[smem:$0x7FF] =	sst s2;
	s4 =	sadd.s32 $0x9600, s1  }
0x9: {  	s6 =	sand.u32 $0x1, s3;
	s5 =	sadd.s32 $0x3200, s1;
	s3 =	stileid.u32  }
0xa: {  	_ =	strace $0x80000047;
	s10 =	ssub.s32 $0x2, s6;
	s12 =	sshll.u32 s3, $0x7  }
0xb: {  	s13 =	sshll.u32 s6, $0x6;
	s6 =	sadd.s32 $0x6400, s1;
	s11 =	sshrl.u32 s10, $0x1  }
0xc: {  	s31 =	sor.u32 s13, s12;
	s12 =	simm.s32 $0x200;
	s13 =	simm.s32 $0x400  }
0xd: {  	s10 =	ssub.s32 s10, s11;
	s7 =	sadd.s32 s7, s31;
	s8 =	sadd.s32 s8, s31  }
0xe: {  	s9 =	sadd.s32 s9, s31;
	s11 =	simm.s32 $0x2;
	s10 =	smax.u32 s10, $0x1  }
.LBB2_1:
0xf: {  	[tilespmem:s2], [sflag:$0x2] =	stream.linear.gather [hbm4b:s7+s2], $0x200, $0x38;
	[tilespmem:$0xE00] =	vst v63  }
0x10: {  	_ =	swait.ge [sflag:s11], $0x200  }
0x11: {  	[sflag:s11] =	ssyncset.done $0x0  }
0x12: {  	[sflag:s11] =	ssyncadd.s32 $0xFFFFFE00  }
0x13: {  	[tilespmem:s12], [sflag:$0x2] =	stream.linear.gather [hbm4b:s8+s2], $0x200, $0x38;
	[tilespmem:$0xE00] =	vst v63  }
0x14: {  	_ =	swait.ge [sflag:s11], $0x200  }
0x15: {  	[sflag:s11] =	ssyncset.done $0x0  }
0x16: {  	[sflag:s11] =	ssyncadd.s32 $0xFFFFFE00  }
0x17: {  	[tilespmem:s13], [sflag:$0x1] =	stream.indirect.gather [hbm4b:s4+s12], $0x1, s2, s12, $0xb8;
	[tilespmem:$0xE00] =	vst v63  }
0x18: {  	_ = 	snop  }
0x19: {  	[tilespmem:s14], [sflag:$0x1] =	stream.indirect.gather [hbm4b:s1+s12], $0x1, s12, s12, $0xb8;
	[tilespmem:$0xE00] =	vst v63  }
0x1a: {  	_ = 	snop  }
0x1b: {  	[tilespmem:s15], [sflag:$0x1] =	stream.indirect.gather [hbm4b:s5+s12], $0x1, s12, s12, $0xb8;
	[tilespmem:$0xE00] =	vst v63  }
0x1c: {  	_ = 	snop  }
0x1d: {  	[tilespmem:s16], [sflag:$0x1] =	stream.indirect.gather [hbm4b:s6+s12], $0x1, s12, s12, $0xb8;
	[tilespmem:$0xE00] =	vst v63  }
0x1e: {  	_ =	swait.ge [sflag:s17], $0x200  }
0x1f: {  	[sflag:s17] =	ssyncset.done $0x0  }
0x20: {  	[sflag:s17] =	ssyncadd.s32 $0xFFFFFE00  }
0x21: {  	_ =	swait.ge [sflag:s17], $0x200  }
0x22: {  	[sflag:s17] =	ssyncset.done $0x0  }
0x23: {  	[sflag:s17] =	ssyncadd.s32 $0xFFFFFE00  }
0x24: {  	_ =	swait.ge [sflag:s17], $0x200  }
0x25: {  	[sflag:s17] =	ssyncset.done $0x0  }
0x26: {  	[sflag:s17] =	ssyncadd.s32 $0xFFFFFE00  }
0x27: {  	_ =	swait.ge [sflag:s17], $0x200  }
0x28: {  	[sflag:s17] =	ssyncset.done $0x0  }
0x29: {  	[sflag:s17] =	ssyncadd.s32 $0xFFFFFE00  }
0x2a: {  	v0 =	vld [tilespmem:$0x400];
	_ =	sdelay $0x4  }
0x2b: {  	v0 =	vsub.f32 $0.0e+00, v0;
	_ =	sdelay $0x1  }
0x2c: {  	v0 =	vmul.f32 $1.442695020e+00, v0;
	_ =	sdelay $0x1  }
0x2d: {  	(erf) = vpow2.f32 v0;
	_ =	sdelay $0x3  }
0x2e: {  	v30 =	vld [tilespmem:$0x800];
	_ =	sdelay $0x4  }
0x2f: {  	v0 =	vsub.f32 $0.0e+00, v30;
	v1 =	vpop (erf)  }
0x30: {  	v1 =	vadd.f32 $1.000000000e+00, v1  }
0x31: {  	v0 =	vmul.f32 $1.442695020e+00, v0  }
0x32: {  	(erf) = vrcp.f32 v1  }
0x33: {  	(erf) = vpow2.f32 v0;
	_ =	sdelay $0x3  }
0x34: {  	v31 =	vld [tilespmem:$0x600];
	_ =	sdelay $0x3  }
0x35: {  	v1 =	vpop (erf)  }
0x36: {  	v0 =	vsub.f32 $0.0e+00, v31;
	v2 =	vpop (erf)  }
0x37: {  	v2 =	vadd.f32 $1.000000000e+00, v2  }
0x38: {  	v0 =	vmul.f32 $1.442695020e+00, v0  }
0x39: {  	(erf) = vrcp.f32 v2  }
0x3a: {  	(erf) = vpow2.f32 v0;
	_ =	sdelay $0x7  }
0x3b: {  	v33 =	vld [tilespmem:$0xA00];
	v32 =	vpop (erf)  }
0x3c: {  	v3 =	vpop (erf)  }
0x3d: {  	v3 =	vadd.f32 $1.000000000e+00, v3;
	_ =	sdelay $0x1  }
0x3e: {  	(erf) = vrcp.f32 v3  }
0x3f: {  	v2 =	vsub.f32 $0.0e+00, v33;
	_ =	sdelay $0x1  }
0x40: {  	v2 =	vmul.f32 $1.442695020e+00, v2;
	_ =	sdelay $0x1  }
0x41: {  	(erf) = vpow2.f32 v2;
	_ =	sdelay $0x1  }
0x42: {  	v1 =	vadd.f32 $-5.000000000e-01, v1  }
0x43: {  	v0 =	vadd.f32 $-5.000000000e-01, v32  }
0x44: {  	v1 =	vmul.f32 $8.000000000e+00, v1;
	v34 =	vpop (erf)  }
0x45: {  	v0 =	vmul.f32 $8.000000000e+00, v0;
	v2 =	vmul.f32 $3.000000000e+00, v34;
	_ =	sdelay $0x1  }
0x46: {  	v0 =	vsub.f32 v1, v0;
	v2 =	vmul.f32 $-1.702000020e+00, v2;
	_ =	sdelay $0x1  }
0x47: {  	v35 =	vpop (erf);
	v0 =	vmul.f32 v0, v2  }
0x48: {  	v1 =	vadd.f32 $1.000000000e+00, v35  }
0x49: {  	v0 =	vmul.f32 $1.442695020e+00, v0  }
0x4a: {  	(erf) = vrcp.f32 v1  }
0x4b: {  	(erf) = vpow2.f32 v0;
	_ =	sdelay $0x3  }
0x4c: {  	v36 =	vld [tilespmem:$0x410];
	_ =	sdelay $0x3  }
0x4d: {  	v0 =	vpop (erf)  }
0x4e: {  	v1 =	vsub.f32 $0.0e+00, v36;
	v37 =	vpop (erf)  }
0x4f: {  	v2 =	vadd.f32 $1.000000000e+00, v37  }
0x50: {  	v1 =	vmul.f32 $1.442695020e+00, v1  }
0x51: {  	(erf) = vrcp.f32 v2  }
0x52: {  	(erf) = vpow2.f32 v1;
	_ =	sdelay $0x3  }
0x53: {  	v38 =	vld [tilespmem:$0x810];
	_ =	sdelay $0x3  }
0x54: {  	v1 =	vpop (erf)  }
0x55: {  	v2 =	vsub.f32 $0.0e+00, v38;
	v39 =	vpop (erf)  }
0x56: {  	v3 =	vadd.f32 $1.000000000e+00, v39  }
0x57: {  	v2 =	vmul.f32 $1.442695020e+00, v2  }
0x58: {  	(erf) = vrcp.f32 v3  }
0x59: {  	(erf) = vpow2.f32 v2;
	_ =	sdelay $0x3  }
0x5a: {  	v40 =	vld [tilespmem:$0x610];
	_ =	sdelay $0x3  }
0x5b: {  	v3 =	vpop (erf)  }
0x5c: {  	v2 =	vsub.f32 $0.0e+00, v40;
	v4 =	vpop (erf)  }
0x5d: {  	v4 =	vadd.f32 $1.000000000e+00, v4  }
0x5e: {  	v2 =	vmul.f32 $1.442695020e+00, v2  }
0x5f: {  	(erf) = vrcp.f32 v4  }
0x60: {  	(erf) = vpow2.f32 v2;
	_ =	sdelay $0x7  }
0x61: {  	v42 =	vld [tilespmem:$0xA10];
	v41 =	vpop (erf)  }
0x62: {  	v5 =	vpop (erf)  }
0x63: {  	v5 =	vadd.f32 $1.000000000e+00, v5;
	_ =	sdelay $0x1  }
0x64: {  	(erf) = vrcp.f32 v5  }
0x65: {  	v4 =	vsub.f32 $0.0e+00, v42;
	_ =	sdelay $0x1  }
0x66: {  	v4 =	vmul.f32 $1.442695020e+00, v4;
	_ =	sdelay $0x1  }
0x67: {  	(erf) = vpow2.f32 v4;
	_ =	sdelay $0x1  }
0x68: {  	v3 =	vadd.f32 $-5.000000000e-01, v3  }
0x69: {  	v2 =	vadd.f32 $-5.000000000e-01, v41  }
0x6a: {  	v3 =	vmul.f32 $8.000000000e+00, v3;
	v43 =	vpop (erf)  }
0x6b: {  	v2 =	vmul.f32 $8.000000000e+00, v2;
	v4 =	vmul.f32 $3.000000000e+00, v43;
	_ =	sdelay $0x1  }
0x6c: {  	v2 =	vsub.f32 v3, v2;
	v4 =	vmul.f32 $-1.702000020e+00, v4;
	_ =	sdelay $0x1  }
0x6d: {  	v44 =	vpop (erf);
	v2 =	vmul.f32 v2, v4  }
0x6e: {  	v3 =	vadd.f32 $1.000000000e+00, v44  }
0x6f: {  	v2 =	vmul.f32 $1.442695020e+00, v2  }
0x70: {  	(erf) = vrcp.f32 v3  }
0x71: {  	(erf) = vpow2.f32 v2;
	_ =	sdelay $0x3  }
0x72: {  	v45 =	vld [tilespmem:$0x420];
	_ =	sdelay $0x3  }
0x73: {  	v2 =	vpop (erf)  }
0x74: {  	v3 =	vsub.f32 $0.0e+00, v45;
	v46 =	vpop (erf)  }
0x75: {  	v4 =	vadd.f32 $1.000000000e+00, v46  }
0x76: {  	v3 =	vmul.f32 $1.442695020e+00, v3  }
0x77: {  	(erf) = vrcp.f32 v4  }
0x78: {  	(erf) = vpow2.f32 v3;
	_ =	sdelay $0x3  }
0x79: {  	v47 =	vld [tilespmem:$0x820];
	_ =	sdelay $0x3  }
0x7a: {  	v3 =	vpop (erf)  }
0x7b: {  	v4 =	vsub.f32 $0.0e+00, v47;
	v48 =	vpop (erf)  }
0x7c: {  	v5 =	vadd.f32 $1.000000000e+00, v48  }
0x7d: {  	v4 =	vmul.f32 $1.442695020e+00, v4  }
0x7e: {  	(erf) = vrcp.f32 v5  }
0x7f: {  	(erf) = vpow2.f32 v4;
	_ =	sdelay $0x3  }
0x80: {  	v49 =	vld [tilespmem:$0x620];
	_ =	sdelay $0x3  }
0x81: {  	v5 =	vpop (erf)  }
0x82: {  	v4 =	vsub.f32 $0.0e+00, v49;
	v6 =	vpop (erf)  }
0x83: {  	v6 =	vadd.f32 $1.000000000e+00, v6  }
0x84: {  	v4 =	vmul.f32 $1.442695020e+00, v4  }
0x85: {  	(erf) = vrcp.f32 v6  }
0x86: {  	(erf) = vpow2.f32 v4;
	_ =	sdelay $0x7  }
0x87: {  	v51 =	vld [tilespmem:$0xA20];
	v50 =	vpop (erf)  }
0x88: {  	v7 =	vpop (erf)  }
0x89: {  	v7 =	vadd.f32 $1.000000000e+00, v7;
	_ =	sdelay $0x1  }
0x8a: {  	(erf) = vrcp.f32 v7  }
0x8b: {  	v6 =	vsub.f32 $0.0e+00, v51;
	_ =	sdelay $0x1  }
0x8c: {  	v6 =	vmul.f32 $1.442695020e+00, v6;
	_ =	sdelay $0x1  }
0x8d: {  	(erf) = vpow2.f32 v6;
	_ =	sdelay $0x1  }
0x8e: {  	v5 =	vadd.f32 $-5.000000000e-01, v5  }
0x8f: {  	v4 =	vadd.f32 $-5.000000000e-01, v50  }
0x90: {  	v5 =	vmul.f32 $8.000000000e+00, v5;
	v52 =	vpop (erf)  }
0x91: {  	v4 =	vmul.f32 $8.000000000e+00, v4;
	v6 =	vmul.f32 $3.000000000e+00, v52;
	_ =	sdelay $0x1  }
0x92: {  	v4 =	vsub.f32 v5, v4;
	v6 =	vmul.f32 $-1.702000020e+00, v6;
	_ =	sdelay $0x1  }
0x93: {  	v53 =	vpop (erf);
	v4 =	vmul.f32 v4, v6  }
0x94: {  	v5 =	vadd.f32 $1.000000000e+00, v53  }
0x95: {  	v4 =	vmul.f32 $1.442695020e+00, v4  }
0x96: {  	(erf) = vrcp.f32 v5  }
0x97: {  	(erf) = vpow2.f32 v4;
	_ =	sdelay $0x3  }
0x98: {  	v54 =	vld [tilespmem:$0x430];
	_ =	sdelay $0x3  }
0x99: {  	v4 =	vpop (erf)  }
0x9a: {  	v5 =	vsub.f32 $0.0e+00, v54;
	v55 =	vpop (erf)  }
0x9b: {  	v6 =	vadd.f32 $1.000000000e+00, v55  }
0x9c: {  	v5 =	vmul.f32 $1.442695020e+00, v5  }
0x9d: {  	(erf) = vrcp.f32 v6  }
0x9e: {  	(erf) = vpow2.f32 v5;
	_ =	sdelay $0x3  }
0x9f: {  	v56 =	vld [tilespmem:$0x830];
	_ =	sdelay $0x3  }
0xa0: {  	v5 =	vpop (erf)  }
0xa1: {  	v6 =	vsub.f32 $0.0e+00, v56;
	v57 =	vpop (erf)  }
0xa2: {  	v7 =	vadd.f32 $1.000000000e+00, v57  }
0xa3: {  	v6 =	vmul.f32 $1.442695020e+00, v6  }
0xa4: {  	(erf) = vrcp.f32 v7  }
0xa5: {  	(erf) = vpow2.f32 v6;
	_ =	sdelay $0x3  }
0xa6: {  	v58 =	vld [tilespmem:$0x630];
	_ =	sdelay $0x3  }
0xa7: {  	v7 =	vpop (erf)  }
0xa8: {  	v6 =	vsub.f32 $0.0e+00, v58;
	v8 =	vpop (erf)  }
0xa9: {  	v8 =	vadd.f32 $1.000000000e+00, v8  }
0xaa: {  	v6 =	vmul.f32 $1.442695020e+00, v6  }
0xab: {  	(erf) = vrcp.f32 v8  }
0xac: {  	(erf) = vpow2.f32 v6;
	_ =	sdelay $0x7  }
0xad: {  	v60 =	vld [tilespmem:$0xA30];
	v59 =	vpop (erf)  }
0xae: {  	v9 =	vpop (erf)  }
0xaf: {  	v9 =	vadd.f32 $1.000000000e+00, v9;
	_ =	sdelay $0x1  }
0xb0: {  	(erf) = vrcp.f32 v9  }
0xb1: {  	v8 =	vsub.f32 $0.0e+00, v60;
	_ =	sdelay $0x1  }
0xb2: {  	v8 =	vmul.f32 $1.442695020e+00, v8;
	_ =	sdelay $0x1  }
0xb3: {  	(erf) = vpow2.f32 v8;
	_ =	sdelay $0x1  }
0xb4: {  	v7 =	vadd.f32 $-5.000000000e-01, v7  }
0xb5: {  	v6 =	vadd.f32 $-5.000000000e-01, v59  }
0xb6: {  	v7 =	vmul.f32 $8.000000000e+00, v7;
	v61 =	vpop (erf)  }
0xb7: {  	v6 =	vmul.f32 $8.000000000e+00, v6;
	v8 =	vmul.f32 $3.000000000e+00, v61;
	_ =	sdelay $0x1  }
0xb8: {  	v6 =	vsub.f32 v7, v6;
	v8 =	vmul.f32 $-1.702000020e+00, v8;
	_ =	sdelay $0x1  }
0xb9: {  	v62 =	vpop (erf);
	v6 =	vmul.f32 v6, v8  }
0xba: {  	v7 =	vadd.f32 $1.000000000e+00, v62  }
0xbb: {  	v6 =	vmul.f32 $1.442695020e+00, v6  }
0xbc: {  	(erf) = vrcp.f32 v7  }
0xbd: {  	(erf) = vpow2.f32 v6;
	_ =	sdelay $0x3  }
0xbe: {  	v63 =	vld [tilespmem:$0x440];
	_ =	sdelay $0x3  }
0xbf: {  	v6 =	vpop (erf)  }
0xc0: {  	v7 =	vsub.f32 $0.0e+00, v63;
	v12 =	vpop (erf)  }
0xc1: {  	v8 =	vadd.f32 $1.000000000e+00, v12  }
0xc2: {  	v7 =	vmul.f32 $1.442695020e+00, v7  }
0xc3: {  	(erf) = vrcp.f32 v8  }
0xc4: {  	(erf) = vpow2.f32 v7;
	_ =	sdelay $0x3  }
0xc5: {  	v13 =	vld [tilespmem:$0x840];
	_ =	sdelay $0x3  }
0xc6: {  	v7 =	vpop (erf)  }
0xc7: {  	v8 =	vsub.f32 $0.0e+00, v13;
	v14 =	vpop (erf)  }
0xc8: {  	v9 =	vadd.f32 $1.000000000e+00, v14  }
0xc9: {  	v8 =	vmul.f32 $1.442695020e+00, v8  }
0xca: {  	(erf) = vrcp.f32 v9  }
0xcb: {  	(erf) = vpow2.f32 v8;
	_ =	sdelay $0x3  }
0xcc: {  	v15 =	vld [tilespmem:$0x640];
	_ =	sdelay $0x3  }
0xcd: {  	v9 =	vpop (erf)  }
0xce: {  	v8 =	vsub.f32 $0.0e+00, v15;
	v10 =	vpop (erf)  }
0xcf: {  	v10 =	vadd.f32 $1.000000000e+00, v10  }
0xd0: {  	v8 =	vmul.f32 $1.442695020e+00, v8  }
0xd1: {  	(erf) = vrcp.f32 v10  }
0xd2: {  	(erf) = vpow2.f32 v8;
	_ =	sdelay $0x7  }
0xd3: {  	v17 =	vld [tilespmem:$0xA40];
	v16 =	vpop (erf)  }
0xd4: {  	v11 =	vpop (erf)  }
0xd5: {  	v11 =	vadd.f32 $1.000000000e+00, v11;
	_ =	sdelay $0x1  }
0xd6: {  	(erf) = vrcp.f32 v11  }
0xd7: {  	v10 =	vsub.f32 $0.0e+00, v17;
	_ =	sdelay $0x1  }
0xd8: {  	v10 =	vmul.f32 $1.442695020e+00, v10;
	_ =	sdelay $0x1  }
0xd9: {  	(erf) = vpow2.f32 v10;
	_ =	sdelay $0x1  }
0xda: {  	v9 =	vadd.f32 $-5.000000000e-01, v9  }
0xdb: {  	v8 =	vadd.f32 $-5.000000000e-01, v16  }
0xdc: {  	v9 =	vmul.f32 $8.000000000e+00, v9;
	v18 =	vpop (erf)  }
0xdd: {  	v8 =	vmul.f32 $8.000000000e+00, v8;
	v10 =	vmul.f32 $3.000000000e+00, v18;
	_ =	sdelay $0x1  }
0xde: {  	v8 =	vsub.f32 v9, v8;
	v10 =	vmul.f32 $-1.702000020e+00, v10;
	_ =	sdelay $0x1  }
0xdf: {  	v19 =	vpop (erf);
	v8 =	vmul.f32 v8, v10  }
0xe0: {  	v9 =	vadd.f32 $1.000000000e+00, v19  }
0xe1: {  	v8 =	vmul.f32 $1.442695020e+00, v8  }
0xe2: {  	(erf) = vrcp.f32 v9  }
0xe3: {  	(erf) = vpow2.f32 v8;
	_ =	sdelay $0x3  }
0xe4: {  	v20 =	vld [tilespmem:$0x450];
	_ =	sdelay $0x3  }
0xe5: {  	v8 =	vpop (erf)  }
0xe6: {  	v9 =	vsub.f32 $0.0e+00, v20;
	v21 =	vpop (erf)  }
0xe7: {  	v10 =	vadd.f32 $1.000000000e+00, v21  }
0xe8: {  	v9 =	vmul.f32 $1.442695020e+00, v9  }
0xe9: {  	(erf) = vrcp.f32 v10  }
0xea: {  	(erf) = vpow2.f32 v9;
	_ =	sdelay $0x3  }
0xeb: {  	v22 =	vld [tilespmem:$0x850];
	_ =	sdelay $0x3  }
0xec: {  	v9 =	vpop (erf)  }
0xed: {  	v10 =	vsub.f32 $0.0e+00, v22;
	v23 =	vpop (erf)  }
0xee: {  	v11 =	vadd.f32 $1.000000000e+00, v23  }
0xef: {  	v10 =	vmul.f32 $1.442695020e+00, v10  }
0xf0: {  	(erf) = vrcp.f32 v11  }
0xf1: {  	(erf) = vpow2.f32 v10;
	_ =	sdelay $0x3  }
0xf2: {  	v24 =	vld [tilespmem:$0x650];
	_ =	sdelay $0x3  }
0xf3: {  	v11 =	vpop (erf)  }
0xf4: {  	v10 =	vsub.f32 $0.0e+00, v24;
	v12 =	vpop (erf)  }
0xf5: {  	v12 =	vadd.f32 $1.000000000e+00, v12  }
0xf6: {  	v10 =	vmul.f32 $1.442695020e+00, v10  }
0xf7: {  	(erf) = vrcp.f32 v12  }
0xf8: {  	(erf) = vpow2.f32 v10;
	_ =	sdelay $0x7  }
0xf9: {  	v26 =	vld [tilespmem:$0xA50];
	v25 =	vpop (erf)  }
0xfa: {  	v13 =	vpop (erf)  }
0xfb: {  	v13 =	vadd.f32 $1.000000000e+00, v13;
	_ =	sdelay $0x1  }
0xfc: {  	(erf) = vrcp.f32 v13  }
0xfd: {  	v12 =	vsub.f32 $0.0e+00, v26;
	_ =	sdelay $0x1  }
0xfe: {  	v12 =	vmul.f32 $1.442695020e+00, v12;
	_ =	sdelay $0x1  }
0xff: {  	(erf) = vpow2.f32 v12;
	_ =	sdelay $0x1  }
0x100: {  	v11 =	vadd.f32 $-5.000000000e-01, v11  }
0x101: {  	v10 =	vadd.f32 $-5.000000000e-01, v25  }
0x102: {  	v11 =	vmul.f32 $8.000000000e+00, v11;
	v27 =	vpop (erf)  }
0x103: {  	v10 =	vmul.f32 $8.000000000e+00, v10;
	v12 =	vmul.f32 $3.000000000e+00, v27;
	_ =	sdelay $0x1  }
0x104: {  	v10 =	vsub.f32 v11, v10;
	v12 =	vmul.f32 $-1.702000020e+00, v12;
	_ =	sdelay $0x1  }
0x105: {  	v28 =	vpop (erf);
	v10 =	vmul.f32 v10, v12  }
0x106: {  	v11 =	vadd.f32 $1.000000000e+00, v28  }
0x107: {  	v10 =	vmul.f32 $1.442695020e+00, v10  }
0x108: {  	(erf) = vrcp.f32 v11  }
0x109: {  	(erf) = vpow2.f32 v10;
	_ =	sdelay $0x3  }
0x10a: {  	v29 =	vld [tilespmem:$0x460];
	_ =	sdelay $0x3  }
0x10b: {  	v10 =	vpop (erf)  }
0x10c: {  	v11 =	vsub.f32 $0.0e+00, v29;
	v30 =	vpop (erf)  }
0x10d: {  	v12 =	vadd.f32 $1.000000000e+00, v30  }
0x10e: {  	v11 =	vmul.f32 $1.442695020e+00, v11  }
0x10f: {  	(erf) = vrcp.f32 v12  }
0x110: {  	(erf) = vpow2.f32 v11;
	_ =	sdelay $0x3  }
0x111: {  	v31 =	vld [tilespmem:$0x860];
	_ =	sdelay $0x3  }
0x112: {  	v11 =	vpop (erf)  }
0x113: {  	v12 =	vsub.f32 $0.0e+00, v31;
	v32 =	vpop (erf)  }
0x114: {  	v13 =	vadd.f32 $1.000000000e+00, v32  }
0x115: {  	v12 =	vmul.f32 $1.442695020e+00, v12  }
0x116: {  	(erf) = vrcp.f32 v13  }
0x117: {  	(erf) = vpow2.f32 v12;
	_ =	sdelay $0x3  }
0x118: {  	v33 =	vld [tilespmem:$0x660];
	_ =	sdelay $0x3  }
0x119: {  	v13 =	vpop (erf)  }
0x11a: {  	v12 =	vsub.f32 $0.0e+00, v33;
	v14 =	vpop (erf)  }
0x11b: {  	v14 =	vadd.f32 $1.000000000e+00, v14  }
0x11c: {  	v12 =	vmul.f32 $1.442695020e+00, v12  }
0x11d: {  	(erf) = vrcp.f32 v14  }
0x11e: {  	(erf) = vpow2.f32 v12;
	_ =	sdelay $0x7  }
0x11f: {  	v35 =	vld [tilespmem:$0xA60];
	v34 =	vpop (erf)  }
0x120: {  	v15 =	vpop (erf)  }
0x121: {  	v15 =	vadd.f32 $1.000000000e+00, v15;
	_ =	sdelay $0x1  }
0x122: {  	(erf) = vrcp.f32 v15  }
0x123: {  	v14 =	vsub.f32 $0.0e+00, v35;
	_ =	sdelay $0x1  }
0x124: {  	v14 =	vmul.f32 $1.442695020e+00, v14;
	_ =	sdelay $0x1  }
0x125: {  	(erf) = vpow2.f32 v14;
	_ =	sdelay $0x1  }
0x126: {  	v13 =	vadd.f32 $-5.000000000e-01, v13  }
0x127: {  	v12 =	vadd.f32 $-5.000000000e-01, v34  }
0x128: {  	v13 =	vmul.f32 $8.000000000e+00, v13;
	v36 =	vpop (erf)  }
0x129: {  	v12 =	vmul.f32 $8.000000000e+00, v12;
	v14 =	vmul.f32 $3.000000000e+00, v36;
	_ =	sdelay $0x1  }
0x12a: {  	v12 =	vsub.f32 v13, v12;
	v14 =	vmul.f32 $-1.702000020e+00, v14;
	_ =	sdelay $0x1  }
0x12b: {  	v37 =	vpop (erf);
	v12 =	vmul.f32 v12, v14  }
0x12c: {  	v13 =	vadd.f32 $1.000000000e+00, v37  }
0x12d: {  	v12 =	vmul.f32 $1.442695020e+00, v12  }
0x12e: {  	(erf) = vrcp.f32 v13  }
0x12f: {  	(erf) = vpow2.f32 v12;
	_ =	sdelay $0x3  }
0x130: {  	v38 =	vld [tilespmem:$0x470];
	_ =	sdelay $0x3  }
0x131: {  	v12 =	vpop (erf)  }
0x132: {  	v13 =	vsub.f32 $0.0e+00, v38;
	v39 =	vpop (erf)  }
0x133: {  	v14 =	vadd.f32 $1.000000000e+00, v39  }
0x134: {  	v13 =	vmul.f32 $1.442695020e+00, v13  }
0x135: {  	(erf) = vrcp.f32 v14  }
0x136: {  	(erf) = vpow2.f32 v13;
	_ =	sdelay $0x3  }
0x137: {  	v40 =	vld [tilespmem:$0x870];
	_ =	sdelay $0x3  }
0x138: {  	v13 =	vpop (erf)  }
0x139: {  	v14 =	vsub.f32 $0.0e+00, v40;
	v41 =	vpop (erf)  }
0x13a: {  	v15 =	vadd.f32 $1.000000000e+00, v41  }
0x13b: {  	v14 =	vmul.f32 $1.442695020e+00, v14  }
0x13c: {  	(erf) = vrcp.f32 v15  }
0x13d: {  	(erf) = vpow2.f32 v14;
	_ =	sdelay $0x3  }
0x13e: {  	v42 =	vld [tilespmem:$0x670];
	_ =	sdelay $0x3  }
0x13f: {  	v15 =	vpop (erf)  }
0x140: {  	v14 =	vsub.f32 $0.0e+00, v42;
	v16 =	vpop (erf)  }
0x141: {  	v16 =	vadd.f32 $1.000000000e+00, v16  }
0x142: {  	v14 =	vmul.f32 $1.442695020e+00, v14  }
0x143: {  	(erf) = vrcp.f32 v16  }
0x144: {  	(erf) = vpow2.f32 v14;
	_ =	sdelay $0x7  }
0x145: {  	v44 =	vld [tilespmem:$0xA70];
	v43 =	vpop (erf)  }
0x146: {  	v17 =	vpop (erf)  }
0x147: {  	v17 =	vadd.f32 $1.000000000e+00, v17;
	_ =	sdelay $0x1  }
0x148: {  	(erf) = vrcp.f32 v17  }
0x149: {  	v16 =	vsub.f32 $0.0e+00, v44;
	_ =	sdelay $0x1  }
0x14a: {  	v16 =	vmul.f32 $1.442695020e+00, v16;
	_ =	sdelay $0x1  }
0x14b: {  	(erf) = vpow2.f32 v16;
	_ =	sdelay $0x1  }
0x14c: {  	v15 =	vadd.f32 $-5.000000000e-01, v15  }
0x14d: {  	v14 =	vadd.f32 $-5.000000000e-01, v43  }
0x14e: {  	v15 =	vmul.f32 $8.000000000e+00, v15;
	v45 =	vpop (erf)  }
0x14f: {  	v14 =	vmul.f32 $8.000000000e+00, v14;
	v16 =	vmul.f32 $3.000000000e+00, v45;
	_ =	sdelay $0x1  }
0x150: {  	v14 =	vsub.f32 v15, v14;
	v16 =	vmul.f32 $-1.702000020e+00, v16;
	_ =	sdelay $0x1  }
0x151: {  	v46 =	vpop (erf);
	v14 =	vmul.f32 v14, v16  }
0x152: {  	v15 =	vadd.f32 $1.000000000e+00, v46  }
0x153: {  	v14 =	vmul.f32 $1.442695020e+00, v14  }
0x154: {  	(erf) = vrcp.f32 v15  }
0x155: {  	(erf) = vpow2.f32 v14;
	_ =	sdelay $0x3  }
0x156: {  	v47 =	vld [tilespmem:$0x480];
	_ =	sdelay $0x3  }
0x157: {  	v14 =	vpop (erf)  }
0x158: {  	v15 =	vsub.f32 $0.0e+00, v47;
	v48 =	vpop (erf)  }
0x159: {  	v16 =	vadd.f32 $1.000000000e+00, v48  }
0x15a: {  	v15 =	vmul.f32 $1.442695020e+00, v15  }
0x15b: {  	(erf) = vrcp.f32 v16  }
0x15c: {  	(erf) = vpow2.f32 v15;
	_ =	sdelay $0x3  }
0x15d: {  	v49 =	vld [tilespmem:$0x880];
	_ =	sdelay $0x3  }
0x15e: {  	v15 =	vpop (erf)  }
0x15f: {  	v16 =	vsub.f32 $0.0e+00, v49;
	v50 =	vpop (erf)  }
0x160: {  	v17 =	vadd.f32 $1.000000000e+00, v50  }
0x161: {  	v16 =	vmul.f32 $1.442695020e+00, v16  }
0x162: {  	(erf) = vrcp.f32 v17  }
0x163: {  	(erf) = vpow2.f32 v16;
	_ =	sdelay $0x3  }
0x164: {  	v51 =	vld [tilespmem:$0x680];
	_ =	sdelay $0x3  }
0x165: {  	v17 =	vpop (erf)  }
0x166: {  	v16 =	vsub.f32 $0.0e+00, v51;
	v18 =	vpop (erf)  }
0x167: {  	v18 =	vadd.f32 $1.000000000e+00, v18  }
0x168: {  	v16 =	vmul.f32 $1.442695020e+00, v16  }
0x169: {  	(erf) = vrcp.f32 v18  }
0x16a: {  	(erf) = vpow2.f32 v16;
	_ =	sdelay $0x7  }
0x16b: {  	v53 =	vld [tilespmem:$0xA80];
	v52 =	vpop (erf)  }
0x16c: {  	v19 =	vpop (erf)  }
0x16d: {  	v19 =	vadd.f32 $1.000000000e+00, v19;
	_ =	sdelay $0x1  }
0x16e: {  	(erf) = vrcp.f32 v19  }
0x16f: {  	v18 =	vsub.f32 $0.0e+00, v53;
	_ =	sdelay $0x1  }
0x170: {  	v18 =	vmul.f32 $1.442695020e+00, v18;
	_ =	sdelay $0x1  }
0x171: {  	(erf) = vpow2.f32 v18;
	_ =	sdelay $0x1  }
0x172: {  	v17 =	vadd.f32 $-5.000000000e-01, v17  }
0x173: {  	v16 =	vadd.f32 $-5.000000000e-01, v52  }
0x174: {  	v17 =	vmul.f32 $8.000000000e+00, v17;
	v54 =	vpop (erf)  }
0x175: {  	v16 =	vmul.f32 $8.000000000e+00, v16;
	v18 =	vmul.f32 $3.000000000e+00, v54;
	_ =	sdelay $0x1  }
0x176: {  	v16 =	vsub.f32 v17, v16;
	v18 =	vmul.f32 $-1.702000020e+00, v18;
	_ =	sdelay $0x1  }
0x177: {  	v55 =	vpop (erf);
	v16 =	vmul.f32 v16, v18  }
0x178: {  	v17 =	vadd.f32 $1.000000000e+00, v55  }
0x179: {  	v16 =	vmul.f32 $1.442695020e+00, v16  }
0x17a: {  	(erf) = vrcp.f32 v17  }
0x17b: {  	(erf) = vpow2.f32 v16;
	_ =	sdelay $0x3  }
0x17c: {  	v56 =	vld [tilespmem:$0x490];
	_ =	sdelay $0x3  }
0x17d: {  	v16 =	vpop (erf)  }
0x17e: {  	v17 =	vsub.f32 $0.0e+00, v56;
	v57 =	vpop (erf)  }
0x17f: {  	v18 =	vadd.f32 $1.000000000e+00, v57  }
0x180: {  	v17 =	vmul.f32 $1.442695020e+00, v17  }
0x181: {  	(erf) = vrcp.f32 v18  }
0x182: {  	(erf) = vpow2.f32 v17;
	_ =	sdelay $0x3  }
0x183: {  	v58 =	vld [tilespmem:$0x890];
	_ =	sdelay $0x3  }
0x184: {  	v17 =	vpop (erf)  }
0x185: {  	v18 =	vsub.f32 $0.0e+00, v58;
	v59 =	vpop (erf)  }
0x186: {  	v19 =	vadd.f32 $1.000000000e+00, v59  }
0x187: {  	v18 =	vmul.f32 $1.442695020e+00, v18  }
0x188: {  	(erf) = vrcp.f32 v19  }
0x189: {  	(erf) = vpow2.f32 v18;
	_ =	sdelay $0x3  }
0x18a: {  	v60 =	vld [tilespmem:$0x690];
	_ =	sdelay $0x3  }
0x18b: {  	v19 =	vpop (erf)  }
0x18c: {  	v18 =	vsub.f32 $0.0e+00, v60;
	v20 =	vpop (erf)  }
0x18d: {  	v20 =	vadd.f32 $1.000000000e+00, v20  }
0x18e: {  	v18 =	vmul.f32 $1.442695020e+00, v18  }
0x18f: {  	(erf) = vrcp.f32 v20  }
0x190: {  	(erf) = vpow2.f32 v18;
	_ =	sdelay $0x7  }
0x191: {  	v62 =	vld [tilespmem:$0xA90];
	v61 =	vpop (erf)  }
0x192: {  	v21 =	vpop (erf)  }
0x193: {  	v21 =	vadd.f32 $1.000000000e+00, v21;
	_ =	sdelay $0x1  }
0x194: {  	(erf) = vrcp.f32 v21  }
0x195: {  	v20 =	vsub.f32 $0.0e+00, v62;
	_ =	sdelay $0x1  }
0x196: {  	v20 =	vmul.f32 $1.442695020e+00, v20;
	_ =	sdelay $0x1  }
0x197: {  	(erf) = vpow2.f32 v20;
	_ =	sdelay $0x1  }
0x198: {  	v19 =	vadd.f32 $-5.000000000e-01, v19  }
0x199: {  	v18 =	vadd.f32 $-5.000000000e-01, v61  }
0x19a: {  	v19 =	vmul.f32 $8.000000000e+00, v19;
	v63 =	vpop (erf)  }
0x19b: {  	v18 =	vmul.f32 $8.000000000e+00, v18;
	v20 =	vmul.f32 $3.000000000e+00, v63;
	_ =	sdelay $0x1  }
0x19c: {  	v18 =	vsub.f32 v19, v18;
	v20 =	vmul.f32 $-1.702000020e+00, v20;
	_ =	sdelay $0x1  }
0x19d: {  	v24 =	vpop (erf);
	v18 =	vmul.f32 v18, v20  }
0x19e: {  	v19 =	vadd.f32 $1.000000000e+00, v24  }
0x19f: {  	v18 =	vmul.f32 $1.442695020e+00, v18  }
0x1a0: {  	(erf) = vrcp.f32 v19  }
0x1a1: {  	(erf) = vpow2.f32 v18;
	_ =	sdelay $0x3  }
0x1a2: {  	v25 =	vld [tilespmem:$0x4A0];
	_ =	sdelay $0x3  }
0x1a3: {  	v18 =	vpop (erf)  }
0x1a4: {  	v19 =	vsub.f32 $0.0e+00, v25;
	v26 =	vpop (erf)  }
0x1a5: {  	v20 =	vadd.f32 $1.000000000e+00, v26  }
0x1a6: {  	v19 =	vmul.f32 $1.442695020e+00, v19  }
0x1a7: {  	(erf) = vrcp.f32 v20  }
0x1a8: {  	(erf) = vpow2.f32 v19;
	_ =	sdelay $0x3  }
0x1a9: {  	v27 =	vld [tilespmem:$0x8A0];
	_ =	sdelay $0x3  }
0x1aa: {  	v20 =	vpop (erf)  }
0x1ab: {  	v19 =	vsub.f32 $0.0e+00, v27;
	v28 =	vpop (erf)  }
0x1ac: {  	v21 =	vadd.f32 $1.000000000e+00, v28  }
0x1ad: {  	v19 =	vmul.f32 $1.442695020e+00, v19  }
0x1ae: {  	(erf) = vrcp.f32 v21  }
0x1af: {  	(erf) = vpow2.f32 v19;
	_ =	sdelay $0x3  }
0x1b0: {  	v29 =	vld [tilespmem:$0x6A0];
	_ =	sdelay $0x3  }
0x1b1: {  	v21 =	vpop (erf)  }
0x1b2: {  	v19 =	vsub.f32 $0.0e+00, v29;
	v22 =	vpop (erf)  }
0x1b3: {  	v22 =	vadd.f32 $1.000000000e+00, v22  }
0x1b4: {  	v19 =	vmul.f32 $1.442695020e+00, v19  }
0x1b5: {  	(erf) = vrcp.f32 v22  }
0x1b6: {  	(erf) = vpow2.f32 v19;
	_ =	sdelay $0x7  }
0x1b7: {  	v31 =	vld [tilespmem:$0xAA0];
	v30 =	vpop (erf)  }
0x1b8: {  	v23 =	vpop (erf)  }
0x1b9: {  	v23 =	vadd.f32 $1.000000000e+00, v23;
	_ =	sdelay $0x1  }
0x1ba: {  	(erf) = vrcp.f32 v23  }
0x1bb: {  	v22 =	vsub.f32 $0.0e+00, v31;
	_ =	sdelay $0x1  }
0x1bc: {  	v22 =	vmul.f32 $1.442695020e+00, v22;
	_ =	sdelay $0x1  }
0x1bd: {  	(erf) = vpow2.f32 v22;
	_ =	sdelay $0x1  }
0x1be: {  	v21 =	vadd.f32 $-5.000000000e-01, v21  }
0x1bf: {  	v19 =	vadd.f32 $-5.000000000e-01, v30  }
0x1c0: {  	v21 =	vmul.f32 $8.000000000e+00, v21;
	v32 =	vpop (erf)  }
0x1c1: {  	v19 =	vmul.f32 $8.000000000e+00, v19;
	v22 =	vmul.f32 $3.000000000e+00, v32;
	_ =	sdelay $0x1  }
0x1c2: {  	v19 =	vsub.f32 v21, v19;
	v22 =	vmul.f32 $-1.702000020e+00, v22;
	_ =	sdelay $0x1  }
0x1c3: {  	v33 =	vpop (erf);
	v19 =	vmul.f32 v19, v22  }
0x1c4: {  	v21 =	vadd.f32 $1.000000000e+00, v33  }
0x1c5: {  	v19 =	vmul.f32 $1.442695020e+00, v19  }
0x1c6: {  	(erf) = vrcp.f32 v21  }
0x1c7: {  	(erf) = vpow2.f32 v19;
	_ =	sdelay $0x3  }
0x1c8: {  	v34 =	vld [tilespmem:$0x4B0];
	_ =	sdelay $0x3  }
0x1c9: {  	v21 =	vpop (erf)  }
0x1ca: {  	v19 =	vsub.f32 $0.0e+00, v34;
	v35 =	vpop (erf)  }
0x1cb: {  	v22 =	vadd.f32 $1.000000000e+00, v35  }
0x1cc: {  	v19 =	vmul.f32 $1.442695020e+00, v19  }
0x1cd: {  	(erf) = vrcp.f32 v22  }
0x1ce: {  	(erf) = vpow2.f32 v19;
	_ =	sdelay $0x3  }
0x1cf: {  	v36 =	vld [tilespmem:$0x8B0];
	_ =	sdelay $0x3  }
0x1d0: {  	v22 =	vpop (erf)  }
0x1d1: {  	v19 =	vsub.f32 $0.0e+00, v36;
	v37 =	vpop (erf)  }
0x1d2: {  	v23 =	vadd.f32 $1.000000000e+00, v37  }
0x1d3: {  	v19 =	vmul.f32 $1.442695020e+00, v19  }
0x1d4: {  	(erf) = vrcp.f32 v23  }
0x1d5: {  	(erf) = vpow2.f32 v19;
	_ =	sdelay $0x3  }
0x1d6: {  	v38 =	vld [tilespmem:$0x6B0];
	_ =	sdelay $0x3  }
0x1d7: {  	v23 =	vpop (erf)  }
0x1d8: {  	v19 =	vsub.f32 $0.0e+00, v38;
	v24 =	vpop (erf)  }
0x1d9: {  	v24 =	vadd.f32 $1.000000000e+00, v24  }
0x1da: {  	v19 =	vmul.f32 $1.442695020e+00, v19  }
0x1db: {  	(erf) = vrcp.f32 v24  }
0x1dc: {  	(erf) = vpow2.f32 v19;
	_ =	sdelay $0x7  }
0x1dd: {  	v40 =	vld [tilespmem:$0xAB0];
	v39 =	vpop (erf)  }
0x1de: {  	v25 =	vpop (erf)  }
0x1df: {  	v25 =	vadd.f32 $1.000000000e+00, v25;
	_ =	sdelay $0x1  }
0x1e0: {  	(erf) = vrcp.f32 v25  }
0x1e1: {  	v24 =	vsub.f32 $0.0e+00, v40;
	_ =	sdelay $0x1  }
0x1e2: {  	v24 =	vmul.f32 $1.442695020e+00, v24;
	_ =	sdelay $0x1  }
0x1e3: {  	(erf) = vpow2.f32 v24;
	_ =	sdelay $0x1  }
0x1e4: {  	v23 =	vadd.f32 $-5.000000000e-01, v23  }
0x1e5: {  	v19 =	vadd.f32 $-5.000000000e-01, v39  }
0x1e6: {  	v23 =	vmul.f32 $8.000000000e+00, v23;
	v41 =	vpop (erf)  }
0x1e7: {  	v19 =	vmul.f32 $8.000000000e+00, v19;
	v24 =	vmul.f32 $3.000000000e+00, v41;
	_ =	sdelay $0x1  }
0x1e8: {  	v19 =	vsub.f32 v23, v19;
	v24 =	vmul.f32 $-1.702000020e+00, v24;
	_ =	sdelay $0x1  }
0x1e9: {  	v42 =	vpop (erf);
	v19 =	vmul.f32 v19, v24  }
0x1ea: {  	v23 =	vadd.f32 $1.000000000e+00, v42  }
0x1eb: {  	v19 =	vmul.f32 $1.442695020e+00, v19  }
0x1ec: {  	(erf) = vrcp.f32 v23  }
0x1ed: {  	(erf) = vpow2.f32 v19;
	_ =	sdelay $0x5  }
0x1ee: {  	v43 =	vld [tilespmem:$0x4C0]  }
0x1ef: {  	v44 =	vsub.f32 $1.000000000e+00, v0  }
0x1f0: {  	v45 =	vpop (erf)  }
0x1f1: {  	v1 =	vmul.f32 v1, v44;
	v46 =	vsub.f32 $1.000000000e+00, v2;
	v47 =	vpop (erf)  }
0x1f2: {  	v51 =	vsub.f32 $1.000000000e+00, v8;
	v25 =	vadd.f32 $1.000000000e+00, v47  }
0x1f3: {  	v0 =	vadd.f32 v1, v0;
	v48 =	vmul.f32 v3, v46;
	v49 =	vsub.f32 $0.0e+00, v43  }
0x1f4: {  	v50 =	vsub.f32 $1.000000000e+00, v6;
	v54 =	vmul.f32 v9, v51;
	(erf) = vrcp.f32 v25  }
0x1f5: {  	v1 =	vadd.f32 v48, v2;
	v3 =	vmul.f32 $1.442695020e+00, v49;
	v53 =	vsub.f32 $1.000000000e+00, v10  }
0x1f6: {  	[tilespmem:$0xC00] =	vst v0;
	v52 =	vmul.f32 v7, v50;
	v0 =	vadd.f32 v54, v8;
	v59 =	vsub.f32 $1.000000000e+00, v16  }
0x1f7: {  	v57 =	vmul.f32 v11, v53;
	v58 =	vsub.f32 $1.000000000e+00, v14;
	(erf) = vpow2.f32 v3  }
0x1f8: {  	[tilespmem:$0xC10] =	vst v1;
	v55 =	vsub.f32 $1.000000000e+00, v12;
	v56 =	vadd.f32 v52, v6;
	v8 =	vmul.f32 v17, v59  }
0x1f9: {  	[tilespmem:$0xC40] =	vst v0;
	v60 =	vadd.f32 v57, v10;
	v61 =	vmul.f32 v15, v58;
	v26 =	vsub.f32 $1.000000000e+00, v4  }
0x1fa: {  	v2 =	vmul.f32 v13, v55;
	[tilespmem:$0xC30] =	vst v56;
	v13 =	vadd.f32 v8, v16;
	v62 =	vsub.f32 $1.000000000e+00, v18  }
0x1fb: {  	[tilespmem:$0xC50] =	vst v60;
	v10 =	vadd.f32 v61, v14;
	v5 =	vmul.f32 v5, v26;
	v9 =	vsub.f32 $1.000000000e+00, v21  }
0x1fc: {  	[tilespmem:$0xC80] =	vst v13;
	v63 =	vadd.f32 v2, v12;
	v11 =	vmul.f32 v20, v62;
	v12 =	vsub.f32 $1.000000000e+00, v45  }
0x1fd: {  	[tilespmem:$0xC70] =	vst v10;
	v4 =	vadd.f32 v5, v4;
	v14 =	vmul.f32 v22, v9;
	v15 =	vpop (erf)  }
0x1fe: {  	[tilespmem:$0xC60] =	vst v63;
	v16 =	vadd.f32 v11, v18;
	v17 =	vmul.f32 v15, v12  }
0x1ff: {  	[tilespmem:$0xC20] =	vst v4;
	v18 =	vadd.f32 v14, v21  }
0x200: {  	[tilespmem:$0xC90] =	vst v16;
	v20 =	vpop (erf);
	v19 =	vadd.f32 v17, v45  }
0x201: {  	[tilespmem:$0xCA0] =	vst v18;
	v21 =	vadd.f32 $1.000000000e+00, v20  }
0x202: {  	[tilespmem:$0xCB0] =	vst v19  }
0x203: {  	(erf) = vrcp.f32 v21  }
0x204: {  	v0 =	vld [tilespmem:$0x8C0];
	_ =	sdelay $0x4  }
0x205: {  	v0 =	vsub.f32 $0.0e+00, v0;
	_ =	sdelay $0x1  }
0x206: {  	v0 =	vmul.f32 $1.442695020e+00, v0;
	_ =	sdelay $0x1  }
0x207: {  	(erf) = vpow2.f32 v0;
	_ =	sdelay $0x3  }
0x208: {  	v22 =	vld [tilespmem:$0x6C0];
	_ =	sdelay $0x3  }
0x209: {  	v23 =	vpop (erf)  }
0x20a: {  	v0 =	vsub.f32 $0.0e+00, v22;
	v24 =	vpop (erf)  }
0x20b: {  	v2 =	vadd.f32 $1.000000000e+00, v24  }
0x20c: {  	v0 =	vmul.f32 $1.442695020e+00, v0  }
0x20d: {  	(erf) = vrcp.f32 v2  }
0x20e: {  	(erf) = vpow2.f32 v0;
	_ =	sdelay $0x7  }
0x20f: {  	v26 =	vld [tilespmem:$0xAC0];
	v25 =	vpop (erf)  }
0x210: {  	v27 =	vpop (erf)  }
0x211: {  	v3 =	vadd.f32 $1.000000000e+00, v27;
	_ =	sdelay $0x1  }
0x212: {  	(erf) = vrcp.f32 v3  }
0x213: {  	v2 =	vsub.f32 $0.0e+00, v26;
	_ =	sdelay $0x1  }
0x214: {  	v2 =	vmul.f32 $1.442695020e+00, v2;
	_ =	sdelay $0x1  }
0x215: {  	(erf) = vpow2.f32 v2;
	_ =	sdelay $0x1  }
0x216: {  	v1 =	vadd.f32 $-5.000000000e-01, v23  }
0x217: {  	v0 =	vadd.f32 $-5.000000000e-01, v25  }
0x218: {  	v1 =	vmul.f32 $8.000000000e+00, v1;
	v28 =	vpop (erf)  }
0x219: {  	v0 =	vmul.f32 $8.000000000e+00, v0;
	v2 =	vmul.f32 $3.000000000e+00, v28;
	_ =	sdelay $0x1  }
0x21a: {  	v0 =	vsub.f32 v1, v0;
	v2 =	vmul.f32 $-1.702000020e+00, v2;
	_ =	sdelay $0x1  }
0x21b: {  	v29 =	vpop (erf);
	v0 =	vmul.f32 v0, v2  }
0x21c: {  	v1 =	vadd.f32 $1.000000000e+00, v29  }
0x21d: {  	v0 =	vmul.f32 $1.442695020e+00, v0  }
0x21e: {  	(erf) = vrcp.f32 v1  }
0x21f: {  	(erf) = vpow2.f32 v0;
	_ =	sdelay $0x3  }
0x220: {  	v30 =	vld [tilespmem:$0x4D0];
	_ =	sdelay $0x3  }
0x221: {  	v0 =	vpop (erf)  }
0x222: {  	v1 =	vsub.f32 $0.0e+00, v30;
	v31 =	vpop (erf)  }
0x223: {  	v2 =	vadd.f32 $1.000000000e+00, v31  }
0x224: {  	v1 =	vmul.f32 $1.442695020e+00, v1  }
0x225: {  	(erf) = vrcp.f32 v2  }
0x226: {  	(erf) = vpow2.f32 v1;
	_ =	sdelay $0x3  }
0x227: {  	v32 =	vld [tilespmem:$0x8D0];
	_ =	sdelay $0x3  }
0x228: {  	v1 =	vpop (erf)  }
0x229: {  	v2 =	vsub.f32 $0.0e+00, v32;
	v33 =	vpop (erf)  }
0x22a: {  	v3 =	vadd.f32 $1.000000000e+00, v33  }
0x22b: {  	v2 =	vmul.f32 $1.442695020e+00, v2  }
0x22c: {  	(erf) = vrcp.f32 v3  }
0x22d: {  	(erf) = vpow2.f32 v2;
	_ =	sdelay $0x3  }
0x22e: {  	v34 =	vld [tilespmem:$0x6D0];
	_ =	sdelay $0x3  }
0x22f: {  	v3 =	vpop (erf)  }
0x230: {  	v2 =	vsub.f32 $0.0e+00, v34;
	v35 =	vpop (erf)  }
0x231: {  	v4 =	vadd.f32 $1.000000000e+00, v35  }
0x232: {  	v2 =	vmul.f32 $1.442695020e+00, v2  }
0x233: {  	(erf) = vrcp.f32 v4  }
0x234: {  	(erf) = vpow2.f32 v2;
	_ =	sdelay $0x7  }
0x235: {  	v37 =	vld [tilespmem:$0xAD0];
	v36 =	vpop (erf)  }
0x236: {  	v38 =	vpop (erf)  }
0x237: {  	v5 =	vadd.f32 $1.000000000e+00, v38;
	_ =	sdelay $0x1  }
0x238: {  	(erf) = vrcp.f32 v5  }
0x239: {  	v4 =	vsub.f32 $0.0e+00, v37;
	_ =	sdelay $0x1  }
0x23a: {  	v4 =	vmul.f32 $1.442695020e+00, v4;
	_ =	sdelay $0x1  }
0x23b: {  	(erf) = vpow2.f32 v4;
	_ =	sdelay $0x1  }
0x23c: {  	v3 =	vadd.f32 $-5.000000000e-01, v3  }
0x23d: {  	v2 =	vadd.f32 $-5.000000000e-01, v36  }
0x23e: {  	v3 =	vmul.f32 $8.000000000e+00, v3;
	v39 =	vpop (erf)  }
0x23f: {  	v2 =	vmul.f32 $8.000000000e+00, v2;
	v4 =	vmul.f32 $3.000000000e+00, v39;
	_ =	sdelay $0x1  }
0x240: {  	v2 =	vsub.f32 v3, v2;
	v4 =	vmul.f32 $-1.702000020e+00, v4;
	_ =	sdelay $0x1  }
0x241: {  	v40 =	vpop (erf);
	v2 =	vmul.f32 v2, v4  }
0x242: {  	v3 =	vadd.f32 $1.000000000e+00, v40  }
0x243: {  	v2 =	vmul.f32 $1.442695020e+00, v2  }
0x244: {  	(erf) = vrcp.f32 v3  }
0x245: {  	(erf) = vpow2.f32 v2;
	_ =	sdelay $0x3  }
0x246: {  	v41 =	vld [tilespmem:$0x4E0];
	_ =	sdelay $0x3  }
0x247: {  	v2 =	vpop (erf)  }
0x248: {  	v3 =	vsub.f32 $0.0e+00, v41;
	v42 =	vpop (erf)  }
0x249: {  	v4 =	vadd.f32 $1.000000000e+00, v42  }
0x24a: {  	v3 =	vmul.f32 $1.442695020e+00, v3  }
0x24b: {  	(erf) = vrcp.f32 v4  }
0x24c: {  	(erf) = vpow2.f32 v3;
	_ =	sdelay $0x3  }
0x24d: {  	v43 =	vld [tilespmem:$0x8E0];
	_ =	sdelay $0x3  }
0x24e: {  	v3 =	vpop (erf)  }
0x24f: {  	v4 =	vsub.f32 $0.0e+00, v43;
	v44 =	vpop (erf)  }
0x250: {  	v5 =	vadd.f32 $1.000000000e+00, v44  }
0x251: {  	v4 =	vmul.f32 $1.442695020e+00, v4  }
0x252: {  	(erf) = vrcp.f32 v5  }
0x253: {  	(erf) = vpow2.f32 v4;
	_ =	sdelay $0x3  }
0x254: {  	v45 =	vld [tilespmem:$0x6E0];
	_ =	sdelay $0x3  }
0x255: {  	v5 =	vpop (erf)  }
0x256: {  	v4 =	vsub.f32 $0.0e+00, v45;
	v46 =	vpop (erf)  }
0x257: {  	v6 =	vadd.f32 $1.000000000e+00, v46  }
0x258: {  	v4 =	vmul.f32 $1.442695020e+00, v4  }
0x259: {  	(erf) = vrcp.f32 v6  }
0x25a: {  	(erf) = vpow2.f32 v4;
	_ =	sdelay $0x7  }
0x25b: {  	v48 =	vld [tilespmem:$0xAE0];
	v47 =	vpop (erf)  }
0x25c: {  	v49 =	vpop (erf)  }
0x25d: {  	v7 =	vadd.f32 $1.000000000e+00, v49;
	_ =	sdelay $0x1  }
0x25e: {  	(erf) = vrcp.f32 v7  }
0x25f: {  	v6 =	vsub.f32 $0.0e+00, v48;
	_ =	sdelay $0x1  }
0x260: {  	v6 =	vmul.f32 $1.442695020e+00, v6;
	_ =	sdelay $0x1  }
0x261: {  	(erf) = vpow2.f32 v6;
	_ =	sdelay $0x1  }
0x262: {  	v5 =	vadd.f32 $-5.000000000e-01, v5  }
0x263: {  	v4 =	vadd.f32 $-5.000000000e-01, v47  }
0x264: {  	v5 =	vmul.f32 $8.000000000e+00, v5;
	v50 =	vpop (erf)  }
0x265: {  	v4 =	vmul.f32 $8.000000000e+00, v4;
	v6 =	vmul.f32 $3.000000000e+00, v50;
	_ =	sdelay $0x1  }
0x266: {  	v4 =	vsub.f32 v5, v4;
	v6 =	vmul.f32 $-1.702000020e+00, v6;
	_ =	sdelay $0x1  }
0x267: {  	v51 =	vpop (erf);
	v4 =	vmul.f32 v4, v6  }
0x268: {  	v5 =	vadd.f32 $1.000000000e+00, v51  }
0x269: {  	v4 =	vmul.f32 $1.442695020e+00, v4  }
0x26a: {  	(erf) = vrcp.f32 v5  }
0x26b: {  	(erf) = vpow2.f32 v4;
	_ =	sdelay $0x3  }
0x26c: {  	v52 =	vld [tilespmem:$0x4F0];
	_ =	sdelay $0x3  }
0x26d: {  	v4 =	vpop (erf)  }
0x26e: {  	v5 =	vsub.f32 $0.0e+00, v52;
	v53 =	vpop (erf)  }
0x26f: {  	v6 =	vadd.f32 $1.000000000e+00, v53  }
0x270: {  	v5 =	vmul.f32 $1.442695020e+00, v5  }
0x271: {  	(erf) = vrcp.f32 v6  }
0x272: {  	(erf) = vpow2.f32 v5;
	_ =	sdelay $0x3  }
0x273: {  	v54 =	vld [tilespmem:$0x8F0];
	_ =	sdelay $0x3  }
0x274: {  	v5 =	vpop (erf)  }
0x275: {  	v6 =	vsub.f32 $0.0e+00, v54;
	v55 =	vpop (erf)  }
0x276: {  	v7 =	vadd.f32 $1.000000000e+00, v55  }
0x277: {  	v6 =	vmul.f32 $1.442695020e+00, v6  }
0x278: {  	(erf) = vrcp.f32 v7  }
0x279: {  	(erf) = vpow2.f32 v6;
	_ =	sdelay $0x3  }
0x27a: {  	v56 =	vld [tilespmem:$0x6F0];
	_ =	sdelay $0x3  }
0x27b: {  	v7 =	vpop (erf)  }
0x27c: {  	v6 =	vsub.f32 $0.0e+00, v56;
	v57 =	vpop (erf)  }
0x27d: {  	v8 =	vadd.f32 $1.000000000e+00, v57  }
0x27e: {  	v6 =	vmul.f32 $1.442695020e+00, v6  }
0x27f: {  	(erf) = vrcp.f32 v8  }
0x280: {  	(erf) = vpow2.f32 v6;
	_ =	sdelay $0x7  }
0x281: {  	v59 =	vld [tilespmem:$0xAF0];
	v58 =	vpop (erf)  }
0x282: {  	v60 =	vpop (erf)  }
0x283: {  	v9 =	vadd.f32 $1.000000000e+00, v60;
	_ =	sdelay $0x1  }
0x284: {  	(erf) = vrcp.f32 v9  }
0x285: {  	v8 =	vsub.f32 $0.0e+00, v59;
	_ =	sdelay $0x1  }
0x286: {  	v8 =	vmul.f32 $1.442695020e+00, v8;
	_ =	sdelay $0x1  }
0x287: {  	(erf) = vpow2.f32 v8;
	_ =	sdelay $0x1  }
0x288: {  	v7 =	vadd.f32 $-5.000000000e-01, v7  }
0x289: {  	v6 =	vadd.f32 $-5.000000000e-01, v58  }
0x28a: {  	v7 =	vmul.f32 $8.000000000e+00, v7;
	v61 =	vpop (erf)  }
0x28b: {  	v6 =	vmul.f32 $8.000000000e+00, v6;
	v8 =	vmul.f32 $3.000000000e+00, v61;
	_ =	sdelay $0x1  }
0x28c: {  	v6 =	vsub.f32 v7, v6;
	v8 =	vmul.f32 $-1.702000020e+00, v8;
	_ =	sdelay $0x1  }
0x28d: {  	v62 =	vpop (erf);
	v6 =	vmul.f32 v6, v8  }
0x28e: {  	v7 =	vadd.f32 $1.000000000e+00, v62  }
0x28f: {  	v6 =	vmul.f32 $1.442695020e+00, v6  }
0x290: {  	(erf) = vrcp.f32 v7  }
0x291: {  	(erf) = vpow2.f32 v6;
	_ =	sdelay $0x3  }
0x292: {  	v63 =	vld [tilespmem:$0x500];
	_ =	sdelay $0x3  }
0x293: {  	v6 =	vpop (erf)  }
0x294: {  	v7 =	vsub.f32 $0.0e+00, v63;
	v12 =	vpop (erf)  }
0x295: {  	v8 =	vadd.f32 $1.000000000e+00, v12  }
0x296: {  	v7 =	vmul.f32 $1.442695020e+00, v7  }
0x297: {  	(erf) = vrcp.f32 v8  }
0x298: {  	(erf) = vpow2.f32 v7;
	_ =	sdelay $0x3  }
0x299: {  	v13 =	vld [tilespmem:$0x900];
	_ =	sdelay $0x3  }
0x29a: {  	v7 =	vpop (erf)  }
0x29b: {  	v8 =	vsub.f32 $0.0e+00, v13;
	v14 =	vpop (erf)  }
0x29c: {  	v9 =	vadd.f32 $1.000000000e+00, v14  }
0x29d: {  	v8 =	vmul.f32 $1.442695020e+00, v8  }
0x29e: {  	(erf) = vrcp.f32 v9  }
0x29f: {  	(erf) = vpow2.f32 v8;
	_ =	sdelay $0x3  }
0x2a0: {  	v15 =	vld [tilespmem:$0x700];
	_ =	sdelay $0x3  }
0x2a1: {  	v9 =	vpop (erf)  }
0x2a2: {  	v8 =	vsub.f32 $0.0e+00, v15;
	v16 =	vpop (erf)  }
0x2a3: {  	v10 =	vadd.f32 $1.000000000e+00, v16  }
0x2a4: {  	v8 =	vmul.f32 $1.442695020e+00, v8  }
0x2a5: {  	(erf) = vrcp.f32 v10  }
0x2a6: {  	(erf) = vpow2.f32 v8;
	_ =	sdelay $0x7  }
0x2a7: {  	v18 =	vld [tilespmem:$0xB00];
	v17 =	vpop (erf)  }
0x2a8: {  	v19 =	vpop (erf)  }
0x2a9: {  	v11 =	vadd.f32 $1.000000000e+00, v19;
	_ =	sdelay $0x1  }
0x2aa: {  	(erf) = vrcp.f32 v11  }
0x2ab: {  	v10 =	vsub.f32 $0.0e+00, v18;
	_ =	sdelay $0x1  }
0x2ac: {  	v10 =	vmul.f32 $1.442695020e+00, v10;
	_ =	sdelay $0x1  }
0x2ad: {  	(erf) = vpow2.f32 v10;
	_ =	sdelay $0x1  }
0x2ae: {  	v9 =	vadd.f32 $-5.000000000e-01, v9  }
0x2af: {  	v8 =	vadd.f32 $-5.000000000e-01, v17  }
0x2b0: {  	v9 =	vmul.f32 $8.000000000e+00, v9;
	v20 =	vpop (erf)  }
0x2b1: {  	v8 =	vmul.f32 $8.000000000e+00, v8;
	v10 =	vmul.f32 $3.000000000e+00, v20;
	_ =	sdelay $0x1  }
0x2b2: {  	v8 =	vsub.f32 v9, v8;
	v10 =	vmul.f32 $-1.702000020e+00, v10;
	_ =	sdelay $0x1  }
0x2b3: {  	v21 =	vpop (erf);
	v8 =	vmul.f32 v8, v10  }
0x2b4: {  	v9 =	vadd.f32 $1.000000000e+00, v21  }
0x2b5: {  	v8 =	vmul.f32 $1.442695020e+00, v8  }
0x2b6: {  	(erf) = vrcp.f32 v9  }
0x2b7: {  	(erf) = vpow2.f32 v8;
	_ =	sdelay $0x3  }
0x2b8: {  	v22 =	vld [tilespmem:$0x510];
	_ =	sdelay $0x3  }
0x2b9: {  	v8 =	vpop (erf)  }
0x2ba: {  	v9 =	vsub.f32 $0.0e+00, v22;
	v23 =	vpop (erf)  }
0x2bb: {  	v10 =	vadd.f32 $1.000000000e+00, v23  }
0x2bc: {  	v9 =	vmul.f32 $1.442695020e+00, v9  }
0x2bd: {  	(erf) = vrcp.f32 v10  }
0x2be: {  	(erf) = vpow2.f32 v9;
	_ =	sdelay $0x3  }
0x2bf: {  	v24 =	vld [tilespmem:$0x910];
	_ =	sdelay $0x3  }
0x2c0: {  	v9 =	vpop (erf)  }
0x2c1: {  	v10 =	vsub.f32 $0.0e+00, v24;
	v25 =	vpop (erf)  }
0x2c2: {  	v11 =	vadd.f32 $1.000000000e+00, v25  }
0x2c3: {  	v10 =	vmul.f32 $1.442695020e+00, v10  }
0x2c4: {  	(erf) = vrcp.f32 v11  }
0x2c5: {  	(erf) = vpow2.f32 v10;
	_ =	sdelay $0x3  }
0x2c6: {  	v26 =	vld [tilespmem:$0x710];
	_ =	sdelay $0x3  }
0x2c7: {  	v11 =	vpop (erf)  }
0x2c8: {  	v10 =	vsub.f32 $0.0e+00, v26;
	v27 =	vpop (erf)  }
0x2c9: {  	v12 =	vadd.f32 $1.000000000e+00, v27  }
0x2ca: {  	v10 =	vmul.f32 $1.442695020e+00, v10  }
0x2cb: {  	(erf) = vrcp.f32 v12  }
0x2cc: {  	(erf) = vpow2.f32 v10;
	_ =	sdelay $0x7  }
0x2cd: {  	v29 =	vld [tilespmem:$0xB10];
	v28 =	vpop (erf)  }
0x2ce: {  	v30 =	vpop (erf)  }
0x2cf: {  	v13 =	vadd.f32 $1.000000000e+00, v30;
	_ =	sdelay $0x1  }
0x2d0: {  	(erf) = vrcp.f32 v13  }
0x2d1: {  	v12 =	vsub.f32 $0.0e+00, v29;
	_ =	sdelay $0x1  }
0x2d2: {  	v12 =	vmul.f32 $1.442695020e+00, v12;
	_ =	sdelay $0x1  }
0x2d3: {  	(erf) = vpow2.f32 v12;
	_ =	sdelay $0x1  }
0x2d4: {  	v11 =	vadd.f32 $-5.000000000e-01, v11  }
0x2d5: {  	v10 =	vadd.f32 $-5.000000000e-01, v28  }
0x2d6: {  	v11 =	vmul.f32 $8.000000000e+00, v11;
	v31 =	vpop (erf)  }
0x2d7: {  	v10 =	vmul.f32 $8.000000000e+00, v10;
	v12 =	vmul.f32 $3.000000000e+00, v31;
	_ =	sdelay $0x1  }
0x2d8: {  	v10 =	vsub.f32 v11, v10;
	v12 =	vmul.f32 $-1.702000020e+00, v12;
	_ =	sdelay $0x1  }
0x2d9: {  	v32 =	vpop (erf);
	v10 =	vmul.f32 v10, v12  }
0x2da: {  	v11 =	vadd.f32 $1.000000000e+00, v32  }
0x2db: {  	v10 =	vmul.f32 $1.442695020e+00, v10  }
0x2dc: {  	(erf) = vrcp.f32 v11  }
0x2dd: {  	(erf) = vpow2.f32 v10;
	_ =	sdelay $0x3  }
0x2de: {  	v33 =	vld [tilespmem:$0x520];
	_ =	sdelay $0x3  }
0x2df: {  	v10 =	vpop (erf)  }
0x2e0: {  	v11 =	vsub.f32 $0.0e+00, v33;
	v34 =	vpop (erf)  }
0x2e1: {  	v12 =	vadd.f32 $1.000000000e+00, v34  }
0x2e2: {  	v11 =	vmul.f32 $1.442695020e+00, v11  }
0x2e3: {  	(erf) = vrcp.f32 v12  }
0x2e4: {  	(erf) = vpow2.f32 v11;
	_ =	sdelay $0x3  }
0x2e5: {  	v35 =	vld [tilespmem:$0x920];
	_ =	sdelay $0x3  }
0x2e6: {  	v11 =	vpop (erf)  }
0x2e7: {  	v12 =	vsub.f32 $0.0e+00, v35;
	v36 =	vpop (erf)  }
0x2e8: {  	v13 =	vadd.f32 $1.000000000e+00, v36  }
0x2e9: {  	v12 =	vmul.f32 $1.442695020e+00, v12  }
0x2ea: {  	(erf) = vrcp.f32 v13  }
0x2eb: {  	(erf) = vpow2.f32 v12;
	_ =	sdelay $0x3  }
0x2ec: {  	v37 =	vld [tilespmem:$0x720];
	_ =	sdelay $0x3  }
0x2ed: {  	v13 =	vpop (erf)  }
0x2ee: {  	v12 =	vsub.f32 $0.0e+00, v37;
	v38 =	vpop (erf)  }
0x2ef: {  	v14 =	vadd.f32 $1.000000000e+00, v38  }
0x2f0: {  	v12 =	vmul.f32 $1.442695020e+00, v12  }
0x2f1: {  	(erf) = vrcp.f32 v14  }
0x2f2: {  	(erf) = vpow2.f32 v12;
	_ =	sdelay $0x7  }
0x2f3: {  	v40 =	vld [tilespmem:$0xB20];
	v39 =	vpop (erf)  }
0x2f4: {  	v41 =	vpop (erf)  }
0x2f5: {  	v15 =	vadd.f32 $1.000000000e+00, v41;
	_ =	sdelay $0x1  }
0x2f6: {  	(erf) = vrcp.f32 v15  }
0x2f7: {  	v14 =	vsub.f32 $0.0e+00, v40;
	_ =	sdelay $0x1  }
0x2f8: {  	v14 =	vmul.f32 $1.442695020e+00, v14;
	_ =	sdelay $0x1  }
0x2f9: {  	(erf) = vpow2.f32 v14;
	_ =	sdelay $0x1  }
0x2fa: {  	v13 =	vadd.f32 $-5.000000000e-01, v13  }
0x2fb: {  	v12 =	vadd.f32 $-5.000000000e-01, v39  }
0x2fc: {  	v13 =	vmul.f32 $8.000000000e+00, v13;
	v42 =	vpop (erf)  }
0x2fd: {  	v12 =	vmul.f32 $8.000000000e+00, v12;
	v14 =	vmul.f32 $3.000000000e+00, v42;
	_ =	sdelay $0x1  }
0x2fe: {  	v12 =	vsub.f32 v13, v12;
	v14 =	vmul.f32 $-1.702000020e+00, v14;
	_ =	sdelay $0x1  }
0x2ff: {  	v43 =	vpop (erf);
	v12 =	vmul.f32 v12, v14  }
0x300: {  	v13 =	vadd.f32 $1.000000000e+00, v43  }
0x301: {  	v12 =	vmul.f32 $1.442695020e+00, v12  }
0x302: {  	(erf) = vrcp.f32 v13  }
0x303: {  	(erf) = vpow2.f32 v12;
	_ =	sdelay $0x3  }
0x304: {  	v44 =	vld [tilespmem:$0x530];
	_ =	sdelay $0x3  }
0x305: {  	v12 =	vpop (erf)  }
0x306: {  	v13 =	vsub.f32 $0.0e+00, v44;
	v45 =	vpop (erf)  }
0x307: {  	v14 =	vadd.f32 $1.000000000e+00, v45  }
0x308: {  	v13 =	vmul.f32 $1.442695020e+00, v13  }
0x309: {  	(erf) = vrcp.f32 v14  }
0x30a: {  	(erf) = vpow2.f32 v13;
	_ =	sdelay $0x3  }
0x30b: {  	v46 =	vld [tilespmem:$0x930];
	_ =	sdelay $0x3  }
0x30c: {  	v13 =	vpop (erf)  }
0x30d: {  	v14 =	vsub.f32 $0.0e+00, v46;
	v47 =	vpop (erf)  }
0x30e: {  	v15 =	vadd.f32 $1.000000000e+00, v47  }
0x30f: {  	v14 =	vmul.f32 $1.442695020e+00, v14  }
0x310: {  	(erf) = vrcp.f32 v15  }
0x311: {  	(erf) = vpow2.f32 v14;
	_ =	sdelay $0x3  }
0x312: {  	v48 =	vld [tilespmem:$0x730];
	_ =	sdelay $0x3  }
0x313: {  	v15 =	vpop (erf)  }
0x314: {  	v14 =	vsub.f32 $0.0e+00, v48;
	v49 =	vpop (erf)  }
0x315: {  	v16 =	vadd.f32 $1.000000000e+00, v49  }
0x316: {  	v14 =	vmul.f32 $1.442695020e+00, v14  }
0x317: {  	(erf) = vrcp.f32 v16  }
0x318: {  	(erf) = vpow2.f32 v14;
	_ =	sdelay $0x7  }
0x319: {  	v51 =	vld [tilespmem:$0xB30];
	v50 =	vpop (erf)  }
0x31a: {  	v52 =	vpop (erf)  }
0x31b: {  	v17 =	vadd.f32 $1.000000000e+00, v52;
	_ =	sdelay $0x1  }
0x31c: {  	(erf) = vrcp.f32 v17  }
0x31d: {  	v16 =	vsub.f32 $0.0e+00, v51;
	_ =	sdelay $0x1  }
0x31e: {  	v16 =	vmul.f32 $1.442695020e+00, v16;
	_ =	sdelay $0x1  }
0x31f: {  	(erf) = vpow2.f32 v16;
	_ =	sdelay $0x1  }
0x320: {  	v15 =	vadd.f32 $-5.000000000e-01, v15  }
0x321: {  	v14 =	vadd.f32 $-5.000000000e-01, v50  }
0x322: {  	v15 =	vmul.f32 $8.000000000e+00, v15;
	v53 =	vpop (erf)  }
0x323: {  	v14 =	vmul.f32 $8.000000000e+00, v14;
	v16 =	vmul.f32 $3.000000000e+00, v53;
	_ =	sdelay $0x1  }
0x324: {  	v14 =	vsub.f32 v15, v14;
	v16 =	vmul.f32 $-1.702000020e+00, v16;
	_ =	sdelay $0x1  }
0x325: {  	v54 =	vpop (erf);
	v14 =	vmul.f32 v14, v16  }
0x326: {  	v15 =	vadd.f32 $1.000000000e+00, v54  }
0x327: {  	v14 =	vmul.f32 $1.442695020e+00, v14  }
0x328: {  	(erf) = vrcp.f32 v15  }
0x329: {  	(erf) = vpow2.f32 v14;
	_ =	sdelay $0x3  }
0x32a: {  	v55 =	vld [tilespmem:$0x540];
	_ =	sdelay $0x3  }
0x32b: {  	v14 =	vpop (erf)  }
0x32c: {  	v15 =	vsub.f32 $0.0e+00, v55;
	v56 =	vpop (erf)  }
0x32d: {  	v16 =	vadd.f32 $1.000000000e+00, v56  }
0x32e: {  	v15 =	vmul.f32 $1.442695020e+00, v15  }
0x32f: {  	(erf) = vrcp.f32 v16  }
0x330: {  	(erf) = vpow2.f32 v15;
	_ =	sdelay $0x3  }
0x331: {  	v57 =	vld [tilespmem:$0x940];
	_ =	sdelay $0x3  }
0x332: {  	v15 =	vpop (erf)  }
0x333: {  	v16 =	vsub.f32 $0.0e+00, v57;
	v58 =	vpop (erf)  }
0x334: {  	v17 =	vadd.f32 $1.000000000e+00, v58  }
0x335: {  	v16 =	vmul.f32 $1.442695020e+00, v16  }
0x336: {  	(erf) = vrcp.f32 v17  }
0x337: {  	(erf) = vpow2.f32 v16;
	_ =	sdelay $0x3  }
0x338: {  	v59 =	vld [tilespmem:$0x740];
	_ =	sdelay $0x3  }
0x339: {  	v17 =	vpop (erf)  }
0x33a: {  	v16 =	vsub.f32 $0.0e+00, v59;
	v60 =	vpop (erf)  }
0x33b: {  	v18 =	vadd.f32 $1.000000000e+00, v60  }
0x33c: {  	v16 =	vmul.f32 $1.442695020e+00, v16  }
0x33d: {  	(erf) = vrcp.f32 v18  }
0x33e: {  	(erf) = vpow2.f32 v16;
	_ =	sdelay $0x7  }
0x33f: {  	v62 =	vld [tilespmem:$0xB40];
	v61 =	vpop (erf)  }
0x340: {  	v63 =	vpop (erf)  }
0x341: {  	v19 =	vadd.f32 $1.000000000e+00, v63;
	_ =	sdelay $0x1  }
0x342: {  	(erf) = vrcp.f32 v19  }
0x343: {  	v18 =	vsub.f32 $0.0e+00, v62;
	_ =	sdelay $0x1  }
0x344: {  	v18 =	vmul.f32 $1.442695020e+00, v18;
	_ =	sdelay $0x1  }
0x345: {  	(erf) = vpow2.f32 v18;
	_ =	sdelay $0x1  }
0x346: {  	v17 =	vadd.f32 $-5.000000000e-01, v17  }
0x347: {  	v16 =	vadd.f32 $-5.000000000e-01, v61  }
0x348: {  	v17 =	vmul.f32 $8.000000000e+00, v17;
	v21 =	vpop (erf)  }
0x349: {  	v16 =	vmul.f32 $8.000000000e+00, v16;
	v18 =	vmul.f32 $3.000000000e+00, v21;
	_ =	sdelay $0x1  }
0x34a: {  	v16 =	vsub.f32 v17, v16;
	v18 =	vmul.f32 $-1.702000020e+00, v18;
	_ =	sdelay $0x1  }
0x34b: {  	v22 =	vpop (erf);
	v16 =	vmul.f32 v16, v18  }
0x34c: {  	v17 =	vadd.f32 $1.000000000e+00, v22  }
0x34d: {  	v16 =	vmul.f32 $1.442695020e+00, v16  }
0x34e: {  	(erf) = vrcp.f32 v17  }
0x34f: {  	(erf) = vpow2.f32 v16;
	_ =	sdelay $0x3  }
0x350: {  	v23 =	vld [tilespmem:$0x550];
	_ =	sdelay $0x3  }
0x351: {  	v16 =	vpop (erf)  }
0x352: {  	v17 =	vsub.f32 $0.0e+00, v23;
	v24 =	vpop (erf)  }
0x353: {  	v18 =	vadd.f32 $1.000000000e+00, v24  }
0x354: {  	v17 =	vmul.f32 $1.442695020e+00, v17  }
0x355: {  	(erf) = vrcp.f32 v18  }
0x356: {  	(erf) = vpow2.f32 v17;
	_ =	sdelay $0x3  }
0x357: {  	v25 =	vld [tilespmem:$0x950];
	_ =	sdelay $0x3  }
0x358: {  	v17 =	vpop (erf)  }
0x359: {  	v18 =	vsub.f32 $0.0e+00, v25;
	v26 =	vpop (erf)  }
0x35a: {  	v19 =	vadd.f32 $1.000000000e+00, v26  }
0x35b: {  	v18 =	vmul.f32 $1.442695020e+00, v18  }
0x35c: {  	(erf) = vrcp.f32 v19  }
0x35d: {  	(erf) = vpow2.f32 v18;
	_ =	sdelay $0x3  }
0x35e: {  	v27 =	vld [tilespmem:$0x750];
	_ =	sdelay $0x3  }
0x35f: {  	v19 =	vpop (erf)  }
0x360: {  	v18 =	vsub.f32 $0.0e+00, v27;
	v28 =	vpop (erf)  }
0x361: {  	v20 =	vadd.f32 $1.000000000e+00, v28  }
0x362: {  	v18 =	vmul.f32 $1.442695020e+00, v18  }
0x363: {  	(erf) = vrcp.f32 v20  }
0x364: {  	(erf) = vpow2.f32 v18;
	_ =	sdelay $0x7  }
0x365: {  	v30 =	vld [tilespmem:$0xB50];
	v29 =	vpop (erf)  }
0x366: {  	v31 =	vpop (erf)  }
0x367: {  	v21 =	vadd.f32 $1.000000000e+00, v31;
	_ =	sdelay $0x1  }
0x368: {  	(erf) = vrcp.f32 v21  }
0x369: {  	v20 =	vsub.f32 $0.0e+00, v30;
	_ =	sdelay $0x1  }
0x36a: {  	v20 =	vmul.f32 $1.442695020e+00, v20;
	_ =	sdelay $0x1  }
0x36b: {  	(erf) = vpow2.f32 v20;
	_ =	sdelay $0x1  }
0x36c: {  	v19 =	vadd.f32 $-5.000000000e-01, v19  }
0x36d: {  	v18 =	vadd.f32 $-5.000000000e-01, v29  }
0x36e: {  	v19 =	vmul.f32 $8.000000000e+00, v19;
	v32 =	vpop (erf)  }
0x36f: {  	v18 =	vmul.f32 $8.000000000e+00, v18;
	v20 =	vmul.f32 $3.000000000e+00, v32;
	_ =	sdelay $0x1  }
0x370: {  	v18 =	vsub.f32 v19, v18;
	v20 =	vmul.f32 $-1.702000020e+00, v20;
	_ =	sdelay $0x1  }
0x371: {  	v33 =	vpop (erf);
	v18 =	vmul.f32 v18, v20  }
0x372: {  	v19 =	vadd.f32 $1.000000000e+00, v33  }
0x373: {  	v18 =	vmul.f32 $1.442695020e+00, v18  }
0x374: {  	(erf) = vrcp.f32 v19  }
0x375: {  	(erf) = vpow2.f32 v18;
	_ =	sdelay $0x3  }
0x376: {  	v34 =	vld [tilespmem:$0x560];
	_ =	sdelay $0x3  }
0x377: {  	v18 =	vpop (erf)  }
0x378: {  	v19 =	vsub.f32 $0.0e+00, v34;
	v35 =	vpop (erf)  }
0x379: {  	v20 =	vadd.f32 $1.000000000e+00, v35  }
0x37a: {  	v19 =	vmul.f32 $1.442695020e+00, v19  }
0x37b: {  	(erf) = vrcp.f32 v20  }
0x37c: {  	(erf) = vpow2.f32 v19;
	_ =	sdelay $0x3  }
0x37d: {  	v36 =	vld [tilespmem:$0x960];
	_ =	sdelay $0x3  }
0x37e: {  	v19 =	vpop (erf)  }
0x37f: {  	v20 =	vsub.f32 $0.0e+00, v36;
	v37 =	vpop (erf)  }
0x380: {  	v21 =	vadd.f32 $1.000000000e+00, v37  }
0x381: {  	v20 =	vmul.f32 $1.442695020e+00, v20  }
0x382: {  	(erf) = vrcp.f32 v21  }
0x383: {  	(erf) = vpow2.f32 v20;
	_ =	sdelay $0x3  }
0x384: {  	v38 =	vld [tilespmem:$0x760];
	_ =	sdelay $0x3  }
0x385: {  	v21 =	vpop (erf)  }
0x386: {  	v20 =	vsub.f32 $0.0e+00, v38;
	v39 =	vpop (erf)  }
0x387: {  	v22 =	vadd.f32 $1.000000000e+00, v39  }
0x388: {  	v20 =	vmul.f32 $1.442695020e+00, v20  }
0x389: {  	(erf) = vrcp.f32 v22  }
0x38a: {  	(erf) = vpow2.f32 v20;
	_ =	sdelay $0x7  }
0x38b: {  	v41 =	vld [tilespmem:$0xB60];
	v40 =	vpop (erf)  }
0x38c: {  	v42 =	vpop (erf)  }
0x38d: {  	v23 =	vadd.f32 $1.000000000e+00, v42;
	_ =	sdelay $0x1  }
0x38e: {  	(erf) = vrcp.f32 v23  }
0x38f: {  	v22 =	vsub.f32 $0.0e+00, v41;
	_ =	sdelay $0x1  }
0x390: {  	v22 =	vmul.f32 $1.442695020e+00, v22;
	_ =	sdelay $0x1  }
0x391: {  	(erf) = vpow2.f32 v22;
	_ =	sdelay $0x1  }
0x392: {  	v21 =	vadd.f32 $-5.000000000e-01, v21  }
0x393: {  	v20 =	vadd.f32 $-5.000000000e-01, v40  }
0x394: {  	v21 =	vmul.f32 $8.000000000e+00, v21;
	v43 =	vpop (erf)  }
0x395: {  	v20 =	vmul.f32 $8.000000000e+00, v20;
	v22 =	vmul.f32 $3.000000000e+00, v43;
	_ =	sdelay $0x1  }
0x396: {  	v20 =	vsub.f32 v21, v20;
	v22 =	vmul.f32 $-1.702000020e+00, v22;
	_ =	sdelay $0x1  }
0x397: {  	v44 =	vpop (erf);
	v20 =	vmul.f32 v20, v22  }
0x398: {  	v21 =	vadd.f32 $1.000000000e+00, v44  }
0x399: {  	v20 =	vmul.f32 $1.442695020e+00, v20  }
0x39a: {  	(erf) = vrcp.f32 v21  }
0x39b: {  	(erf) = vpow2.f32 v20;
	_ =	sdelay $0x3  }
0x39c: {  	v45 =	vld [tilespmem:$0x570];
	_ =	sdelay $0x3  }
0x39d: {  	v20 =	vpop (erf)  }
0x39e: {  	v21 =	vsub.f32 $0.0e+00, v45;
	v46 =	vpop (erf)  }
0x39f: {  	v22 =	vadd.f32 $1.000000000e+00, v46  }
0x3a0: {  	v21 =	vmul.f32 $1.442695020e+00, v21  }
0x3a1: {  	(erf) = vrcp.f32 v22  }
0x3a2: {  	(erf) = vpow2.f32 v21;
	_ =	sdelay $0x3  }
0x3a3: {  	v47 =	vld [tilespmem:$0x970];
	_ =	sdelay $0x3  }
0x3a4: {  	v21 =	vpop (erf)  }
0x3a5: {  	v22 =	vsub.f32 $0.0e+00, v47;
	v48 =	vpop (erf)  }
0x3a6: {  	v23 =	vadd.f32 $1.000000000e+00, v48  }
0x3a7: {  	v22 =	vmul.f32 $1.442695020e+00, v22  }
0x3a8: {  	(erf) = vrcp.f32 v23  }
0x3a9: {  	(erf) = vpow2.f32 v22;
	_ =	sdelay $0x3  }
0x3aa: {  	v49 =	vld [tilespmem:$0x770];
	_ =	sdelay $0x3  }
0x3ab: {  	v23 =	vpop (erf)  }
0x3ac: {  	v22 =	vsub.f32 $0.0e+00, v49;
	v50 =	vpop (erf)  }
0x3ad: {  	v24 =	vadd.f32 $1.000000000e+00, v50  }
0x3ae: {  	v22 =	vmul.f32 $1.442695020e+00, v22  }
0x3af: {  	(erf) = vrcp.f32 v24  }
0x3b0: {  	(erf) = vpow2.f32 v22;
	_ =	sdelay $0x7  }
0x3b1: {  	v52 =	vld [tilespmem:$0xB70];
	v51 =	vpop (erf)  }
0x3b2: {  	v53 =	vpop (erf)  }
0x3b3: {  	v25 =	vadd.f32 $1.000000000e+00, v53;
	_ =	sdelay $0x1  }
0x3b4: {  	(erf) = vrcp.f32 v25  }
0x3b5: {  	v24 =	vsub.f32 $0.0e+00, v52;
	_ =	sdelay $0x1  }
0x3b6: {  	v24 =	vmul.f32 $1.442695020e+00, v24;
	_ =	sdelay $0x1  }
0x3b7: {  	(erf) = vpow2.f32 v24;
	_ =	sdelay $0x1  }
0x3b8: {  	v23 =	vadd.f32 $-5.000000000e-01, v23  }
0x3b9: {  	v22 =	vadd.f32 $-5.000000000e-01, v51  }
0x3ba: {  	v23 =	vmul.f32 $8.000000000e+00, v23;
	v54 =	vpop (erf)  }
0x3bb: {  	v22 =	vmul.f32 $8.000000000e+00, v22;
	v24 =	vmul.f32 $3.000000000e+00, v54;
	_ =	sdelay $0x1  }
0x3bc: {  	v22 =	vsub.f32 v23, v22;
	v24 =	vmul.f32 $-1.702000020e+00, v24;
	_ =	sdelay $0x1  }
0x3bd: {  	v55 =	vpop (erf);
	v22 =	vmul.f32 v22, v24  }
0x3be: {  	v23 =	vadd.f32 $1.000000000e+00, v55  }
0x3bf: {  	v22 =	vmul.f32 $1.442695020e+00, v22  }
0x3c0: {  	(erf) = vrcp.f32 v23  }
0x3c1: {  	(erf) = vpow2.f32 v22;
	_ =	sdelay $0x3  }
0x3c2: {  	v56 =	vld [tilespmem:$0x580];
	_ =	sdelay $0x3  }
0x3c3: {  	v22 =	vpop (erf)  }
0x3c4: {  	v23 =	vsub.f32 $0.0e+00, v56;
	v57 =	vpop (erf)  }
0x3c5: {  	v24 =	vadd.f32 $1.000000000e+00, v57  }
0x3c6: {  	v23 =	vmul.f32 $1.442695020e+00, v23  }
0x3c7: {  	(erf) = vrcp.f32 v24  }
0x3c8: {  	(erf) = vpow2.f32 v23;
	_ =	sdelay $0x3  }
0x3c9: {  	v58 =	vld [tilespmem:$0x980];
	_ =	sdelay $0x3  }
0x3ca: {  	v23 =	vpop (erf)  }
0x3cb: {  	v24 =	vsub.f32 $0.0e+00, v58;
	v59 =	vpop (erf)  }
0x3cc: {  	v25 =	vadd.f32 $1.000000000e+00, v59  }
0x3cd: {  	v24 =	vmul.f32 $1.442695020e+00, v24  }
0x3ce: {  	(erf) = vrcp.f32 v25  }
0x3cf: {  	(erf) = vpow2.f32 v24;
	_ =	sdelay $0x3  }
0x3d0: {  	v60 =	vld [tilespmem:$0x780];
	_ =	sdelay $0x3  }
0x3d1: {  	v25 =	vpop (erf)  }
0x3d2: {  	v24 =	vsub.f32 $0.0e+00, v60;
	v61 =	vpop (erf)  }
0x3d3: {  	v26 =	vadd.f32 $1.000000000e+00, v61  }
0x3d4: {  	v24 =	vmul.f32 $1.442695020e+00, v24  }
0x3d5: {  	(erf) = vrcp.f32 v26  }
0x3d6: {  	(erf) = vpow2.f32 v24;
	_ =	sdelay $0x7  }
0x3d7: {  	v63 =	vld [tilespmem:$0xB80];
	v62 =	vpop (erf)  }
0x3d8: {  	v27 =	vpop (erf)  }
0x3d9: {  	v27 =	vadd.f32 $1.000000000e+00, v27;
	_ =	sdelay $0x1  }
0x3da: {  	(erf) = vrcp.f32 v27  }
0x3db: {  	v26 =	vsub.f32 $0.0e+00, v63;
	_ =	sdelay $0x1  }
0x3dc: {  	v26 =	vmul.f32 $1.442695020e+00, v26;
	_ =	sdelay $0x1  }
0x3dd: {  	(erf) = vpow2.f32 v26;
	_ =	sdelay $0x1  }
0x3de: {  	v25 =	vadd.f32 $-5.000000000e-01, v25  }
0x3df: {  	v24 =	vadd.f32 $-5.000000000e-01, v62  }
0x3e0: {  	v25 =	vmul.f32 $8.000000000e+00, v25;
	v30 =	vpop (erf)  }
0x3e1: {  	v24 =	vmul.f32 $8.000000000e+00, v24;
	v26 =	vmul.f32 $3.000000000e+00, v30;
	_ =	sdelay $0x1  }
0x3e2: {  	v24 =	vsub.f32 v25, v24;
	v26 =	vmul.f32 $-1.702000020e+00, v26;
	_ =	sdelay $0x1  }
0x3e3: {  	v31 =	vpop (erf);
	v24 =	vmul.f32 v24, v26  }
0x3e4: {  	v25 =	vadd.f32 $1.000000000e+00, v31  }
0x3e5: {  	v24 =	vmul.f32 $1.442695020e+00, v24  }
0x3e6: {  	(erf) = vrcp.f32 v25  }
0x3e7: {  	(erf) = vpow2.f32 v24;
	_ =	sdelay $0x3  }
0x3e8: {  	v32 =	vld [tilespmem:$0x590];
	_ =	sdelay $0x3  }
0x3e9: {  	v24 =	vpop (erf)  }
0x3ea: {  	v25 =	vsub.f32 $0.0e+00, v32;
	v33 =	vpop (erf)  }
0x3eb: {  	v26 =	vadd.f32 $1.000000000e+00, v33  }
0x3ec: {  	v25 =	vmul.f32 $1.442695020e+00, v25  }
0x3ed: {  	(erf) = vrcp.f32 v26  }
0x3ee: {  	(erf) = vpow2.f32 v25;
	_ =	sdelay $0x3  }
0x3ef: {  	v34 =	vld [tilespmem:$0x990];
	_ =	sdelay $0x3  }
0x3f0: {  	v25 =	vpop (erf)  }
0x3f1: {  	v26 =	vsub.f32 $0.0e+00, v34;
	v35 =	vpop (erf)  }
0x3f2: {  	v27 =	vadd.f32 $1.000000000e+00, v35  }
0x3f3: {  	v26 =	vmul.f32 $1.442695020e+00, v26  }
0x3f4: {  	(erf) = vrcp.f32 v27  }
0x3f5: {  	(erf) = vpow2.f32 v26;
	_ =	sdelay $0x3  }
0x3f6: {  	v36 =	vld [tilespmem:$0x790];
	_ =	sdelay $0x3  }
0x3f7: {  	v27 =	vpop (erf)  }
0x3f8: {  	v26 =	vsub.f32 $0.0e+00, v36;
	v28 =	vpop (erf)  }
0x3f9: {  	v28 =	vadd.f32 $1.000000000e+00, v28  }
0x3fa: {  	v26 =	vmul.f32 $1.442695020e+00, v26  }
0x3fb: {  	(erf) = vrcp.f32 v28  }
0x3fc: {  	(erf) = vpow2.f32 v26;
	_ =	sdelay $0x7  }
0x3fd: {  	v38 =	vld [tilespmem:$0xB90];
	v37 =	vpop (erf)  }
0x3fe: {  	v29 =	vpop (erf)  }
0x3ff: {  	v29 =	vadd.f32 $1.000000000e+00, v29;
	_ =	sdelay $0x1  }
0x400: {  	(erf) = vrcp.f32 v29  }
0x401: {  	v28 =	vsub.f32 $0.0e+00, v38;
	_ =	sdelay $0x1  }
0x402: {  	v28 =	vmul.f32 $1.442695020e+00, v28;
	_ =	sdelay $0x1  }
0x403: {  	(erf) = vpow2.f32 v28;
	_ =	sdelay $0x1  }
0x404: {  	v27 =	vadd.f32 $-5.000000000e-01, v27  }
0x405: {  	v26 =	vadd.f32 $-5.000000000e-01, v37  }
0x406: {  	v27 =	vmul.f32 $8.000000000e+00, v27;
	v39 =	vpop (erf)  }
0x407: {  	v26 =	vmul.f32 $8.000000000e+00, v26;
	v28 =	vmul.f32 $3.000000000e+00, v39;
	_ =	sdelay $0x1  }
0x408: {  	v26 =	vsub.f32 v27, v26;
	v28 =	vmul.f32 $-1.702000020e+00, v28;
	_ =	sdelay $0x1  }
0x409: {  	v40 =	vpop (erf);
	v26 =	vmul.f32 v26, v28  }
0x40a: {  	v27 =	vadd.f32 $1.000000000e+00, v40  }
0x40b: {  	v26 =	vmul.f32 $1.442695020e+00, v26  }
0x40c: {  	(erf) = vrcp.f32 v27  }
0x40d: {  	(erf) = vpow2.f32 v26;
	_ =	sdelay $0x3  }
0x40e: {  	v41 =	vld [tilespmem:$0x5A0];
	_ =	sdelay $0x3  }
0x40f: {  	v26 =	vpop (erf)  }
0x410: {  	v27 =	vsub.f32 $0.0e+00, v41;
	v42 =	vpop (erf)  }
0x411: {  	v28 =	vadd.f32 $1.000000000e+00, v42  }
0x412: {  	v27 =	vmul.f32 $1.442695020e+00, v27  }
0x413: {  	(erf) = vrcp.f32 v28  }
0x414: {  	(erf) = vpow2.f32 v27;
	_ =	sdelay $0x3  }
0x415: {  	v43 =	vld [tilespmem:$0x9A0];
	_ =	sdelay $0x3  }
0x416: {  	v27 =	vpop (erf)  }
0x417: {  	v28 =	vsub.f32 $0.0e+00, v43;
	v44 =	vpop (erf)  }
0x418: {  	v29 =	vadd.f32 $1.000000000e+00, v44  }
0x419: {  	v28 =	vmul.f32 $1.442695020e+00, v28  }
0x41a: {  	(erf) = vrcp.f32 v29  }
0x41b: {  	(erf) = vpow2.f32 v28;
	_ =	sdelay $0x3  }
0x41c: {  	v45 =	vld [tilespmem:$0x7A0];
	_ =	sdelay $0x3  }
0x41d: {  	v29 =	vpop (erf)  }
0x41e: {  	v28 =	vsub.f32 $0.0e+00, v45;
	v30 =	vpop (erf)  }
0x41f: {  	v30 =	vadd.f32 $1.000000000e+00, v30  }
0x420: {  	v28 =	vmul.f32 $1.442695020e+00, v28  }
0x421: {  	(erf) = vrcp.f32 v30  }
0x422: {  	(erf) = vpow2.f32 v28;
	_ =	sdelay $0x7  }
0x423: {  	v47 =	vld [tilespmem:$0xBA0];
	v46 =	vpop (erf)  }
0x424: {  	v31 =	vpop (erf)  }
0x425: {  	v31 =	vadd.f32 $1.000000000e+00, v31;
	_ =	sdelay $0x1  }
0x426: {  	(erf) = vrcp.f32 v31  }
0x427: {  	v30 =	vsub.f32 $0.0e+00, v47;
	_ =	sdelay $0x1  }
0x428: {  	v30 =	vmul.f32 $1.442695020e+00, v30;
	_ =	sdelay $0x1  }
0x429: {  	(erf) = vpow2.f32 v30;
	_ =	sdelay $0x1  }
0x42a: {  	v29 =	vadd.f32 $-5.000000000e-01, v29  }
0x42b: {  	v28 =	vadd.f32 $-5.000000000e-01, v46  }
0x42c: {  	v29 =	vmul.f32 $8.000000000e+00, v29;
	v48 =	vpop (erf)  }
0x42d: {  	v28 =	vmul.f32 $8.000000000e+00, v28;
	v30 =	vmul.f32 $3.000000000e+00, v48;
	_ =	sdelay $0x1  }
0x42e: {  	v28 =	vsub.f32 v29, v28;
	v30 =	vmul.f32 $-1.702000020e+00, v30;
	_ =	sdelay $0x1  }
0x42f: {  	v49 =	vpop (erf);
	v28 =	vmul.f32 v28, v30  }
0x430: {  	v29 =	vadd.f32 $1.000000000e+00, v49  }
0x431: {  	v28 =	vmul.f32 $1.442695020e+00, v28  }
0x432: {  	(erf) = vrcp.f32 v29  }
0x433: {  	(erf) = vpow2.f32 v28;
	_ =	sdelay $0x3  }
0x434: {  	v50 =	vld [tilespmem:$0x5B0];
	_ =	sdelay $0x3  }
0x435: {  	v28 =	vpop (erf)  }
0x436: {  	v29 =	vsub.f32 $0.0e+00, v50;
	v51 =	vpop (erf)  }
0x437: {  	v30 =	vadd.f32 $1.000000000e+00, v51  }
0x438: {  	v29 =	vmul.f32 $1.442695020e+00, v29  }
0x439: {  	(erf) = vrcp.f32 v30  }
0x43a: {  	(erf) = vpow2.f32 v29;
	_ =	sdelay $0x3  }
0x43b: {  	v52 =	vld [tilespmem:$0x9B0];
	_ =	sdelay $0x3  }
0x43c: {  	v29 =	vpop (erf)  }
0x43d: {  	v30 =	vsub.f32 $0.0e+00, v52;
	v53 =	vpop (erf)  }
0x43e: {  	v31 =	vadd.f32 $1.000000000e+00, v53  }
0x43f: {  	v30 =	vmul.f32 $1.442695020e+00, v30  }
0x440: {  	(erf) = vrcp.f32 v31  }
0x441: {  	(erf) = vpow2.f32 v30;
	_ =	sdelay $0x3  }
0x442: {  	v54 =	vld [tilespmem:$0x7B0];
	_ =	sdelay $0x3  }
0x443: {  	v31 =	vpop (erf)  }
0x444: {  	v30 =	vsub.f32 $0.0e+00, v54;
	v32 =	vpop (erf)  }
0x445: {  	v32 =	vadd.f32 $1.000000000e+00, v32  }
0x446: {  	v30 =	vmul.f32 $1.442695020e+00, v30  }
0x447: {  	(erf) = vrcp.f32 v32  }
0x448: {  	(erf) = vpow2.f32 v30;
	_ =	sdelay $0x7  }
0x449: {  	v56 =	vld [tilespmem:$0xBB0];
	v55 =	vpop (erf)  }
0x44a: {  	v33 =	vpop (erf)  }
0x44b: {  	v33 =	vadd.f32 $1.000000000e+00, v33;
	_ =	sdelay $0x1  }
0x44c: {  	(erf) = vrcp.f32 v33  }
0x44d: {  	v32 =	vsub.f32 $0.0e+00, v56;
	_ =	sdelay $0x1  }
0x44e: {  	v32 =	vmul.f32 $1.442695020e+00, v32;
	_ =	sdelay $0x1  }
0x44f: {  	(erf) = vpow2.f32 v32;
	_ =	sdelay $0x1  }
0x450: {  	v31 =	vadd.f32 $-5.000000000e-01, v31  }
0x451: {  	v30 =	vadd.f32 $-5.000000000e-01, v55  }
0x452: {  	v31 =	vmul.f32 $8.000000000e+00, v31;
	v57 =	vpop (erf)  }
0x453: {  	v30 =	vmul.f32 $8.000000000e+00, v30;
	v32 =	vmul.f32 $3.000000000e+00, v57;
	_ =	sdelay $0x1  }
0x454: {  	v30 =	vsub.f32 v31, v30;
	v32 =	vmul.f32 $-1.702000020e+00, v32;
	_ =	sdelay $0x1  }
0x455: {  	v58 =	vpop (erf);
	v30 =	vmul.f32 v30, v32  }
0x456: {  	v31 =	vadd.f32 $1.000000000e+00, v58  }
0x457: {  	v30 =	vmul.f32 $1.442695020e+00, v30  }
0x458: {  	(erf) = vrcp.f32 v31  }
0x459: {  	(erf) = vpow2.f32 v30;
	_ =	sdelay $0x3  }
0x45a: {  	v59 =	vld [tilespmem:$0x5C0];
	_ =	sdelay $0x3  }
0x45b: {  	v30 =	vpop (erf)  }
0x45c: {  	v31 =	vsub.f32 $0.0e+00, v59;
	v60 =	vpop (erf)  }
0x45d: {  	v32 =	vadd.f32 $1.000000000e+00, v60  }
0x45e: {  	v31 =	vmul.f32 $1.442695020e+00, v31  }
0x45f: {  	(erf) = vrcp.f32 v32  }
0x460: {  	(erf) = vpow2.f32 v31;
	_ =	sdelay $0x3  }
0x461: {  	v61 =	vld [tilespmem:$0x9C0];
	_ =	sdelay $0x3  }
0x462: {  	v31 =	vpop (erf)  }
0x463: {  	v32 =	vsub.f32 $0.0e+00, v61;
	v62 =	vpop (erf)  }
0x464: {  	v33 =	vadd.f32 $1.000000000e+00, v62  }
0x465: {  	v32 =	vmul.f32 $1.442695020e+00, v32  }
0x466: {  	(erf) = vrcp.f32 v33  }
0x467: {  	(erf) = vpow2.f32 v32;
	_ =	sdelay $0x3  }
0x468: {  	v63 =	vld [tilespmem:$0x7C0];
	_ =	sdelay $0x3  }
0x469: {  	v33 =	vpop (erf)  }
0x46a: {  	v32 =	vsub.f32 $0.0e+00, v63;
	v34 =	vpop (erf)  }
0x46b: {  	v34 =	vadd.f32 $1.000000000e+00, v34  }
0x46c: {  	v32 =	vmul.f32 $1.442695020e+00, v32  }
0x46d: {  	(erf) = vrcp.f32 v34  }
0x46e: {  	(erf) = vpow2.f32 v32;
	_ =	sdelay $0x7  }
0x46f: {  	v37 =	vld [tilespmem:$0xBC0];
	v36 =	vpop (erf)  }
0x470: {  	v35 =	vpop (erf)  }
0x471: {  	v35 =	vadd.f32 $1.000000000e+00, v35;
	_ =	sdelay $0x1  }
0x472: {  	(erf) = vrcp.f32 v35  }
0x473: {  	v34 =	vsub.f32 $0.0e+00, v37;
	_ =	sdelay $0x1  }
0x474: {  	v34 =	vmul.f32 $1.442695020e+00, v34;
	_ =	sdelay $0x1  }
0x475: {  	(erf) = vpow2.f32 v34;
	_ =	sdelay $0x1  }
0x476: {  	v33 =	vadd.f32 $-5.000000000e-01, v33  }
0x477: {  	v32 =	vadd.f32 $-5.000000000e-01, v36  }
0x478: {  	v33 =	vmul.f32 $8.000000000e+00, v33;
	v38 =	vpop (erf)  }
0x479: {  	v32 =	vmul.f32 $8.000000000e+00, v32;
	v34 =	vmul.f32 $3.000000000e+00, v38;
	_ =	sdelay $0x1  }
0x47a: {  	v32 =	vsub.f32 v33, v32;
	v34 =	vmul.f32 $-1.702000020e+00, v34;
	_ =	sdelay $0x1  }
0x47b: {  	v39 =	vpop (erf);
	v32 =	vmul.f32 v32, v34  }
0x47c: {  	v33 =	vadd.f32 $1.000000000e+00, v39  }
0x47d: {  	v32 =	vmul.f32 $1.442695020e+00, v32  }
0x47e: {  	(erf) = vrcp.f32 v33  }
0x47f: {  	(erf) = vpow2.f32 v32;
	_ =	sdelay $0x3  }
0x480: {  	v40 =	vld [tilespmem:$0x5D0];
	_ =	sdelay $0x3  }
0x481: {  	v32 =	vpop (erf)  }
0x482: {  	v33 =	vsub.f32 $0.0e+00, v40;
	v41 =	vpop (erf)  }
0x483: {  	v34 =	vadd.f32 $1.000000000e+00, v41  }
0x484: {  	v33 =	vmul.f32 $1.442695020e+00, v33  }
0x485: {  	(erf) = vrcp.f32 v34  }
0x486: {  	(erf) = vpow2.f32 v33;
	_ =	sdelay $0x3  }
0x487: {  	v42 =	vld [tilespmem:$0x9D0];
	_ =	sdelay $0x3  }
0x488: {  	v33 =	vpop (erf)  }
0x489: {  	v34 =	vsub.f32 $0.0e+00, v42;
	v43 =	vpop (erf)  }
0x48a: {  	v35 =	vadd.f32 $1.000000000e+00, v43  }
0x48b: {  	v34 =	vmul.f32 $1.442695020e+00, v34  }
0x48c: {  	(erf) = vrcp.f32 v35  }
0x48d: {  	(erf) = vpow2.f32 v34;
	_ =	sdelay $0x3  }
0x48e: {  	v44 =	vld [tilespmem:$0x7D0];
	_ =	sdelay $0x3  }
0x48f: {  	v35 =	vpop (erf)  }
0x490: {  	v34 =	vsub.f32 $0.0e+00, v44;
	v36 =	vpop (erf)  }
0x491: {  	v36 =	vadd.f32 $1.000000000e+00, v36  }
0x492: {  	v34 =	vmul.f32 $1.442695020e+00, v34  }
0x493: {  	(erf) = vrcp.f32 v36  }
0x494: {  	(erf) = vpow2.f32 v34;
	_ =	sdelay $0x7  }
0x495: {  	v46 =	vld [tilespmem:$0xBD0];
	v45 =	vpop (erf)  }
0x496: {  	v37 =	vpop (erf)  }
0x497: {  	v37 =	vadd.f32 $1.000000000e+00, v37;
	_ =	sdelay $0x1  }
0x498: {  	(erf) = vrcp.f32 v37  }
0x499: {  	v36 =	vsub.f32 $0.0e+00, v46;
	_ =	sdelay $0x1  }
0x49a: {  	v36 =	vmul.f32 $1.442695020e+00, v36;
	_ =	sdelay $0x1  }
0x49b: {  	(erf) = vpow2.f32 v36;
	_ =	sdelay $0x1  }
0x49c: {  	v35 =	vadd.f32 $-5.000000000e-01, v35  }
0x49d: {  	v34 =	vadd.f32 $-5.000000000e-01, v45  }
0x49e: {  	v35 =	vmul.f32 $8.000000000e+00, v35;
	v47 =	vpop (erf)  }
0x49f: {  	v34 =	vmul.f32 $8.000000000e+00, v34;
	v36 =	vmul.f32 $3.000000000e+00, v47;
	_ =	sdelay $0x1  }
0x4a0: {  	v34 =	vsub.f32 v35, v34;
	v36 =	vmul.f32 $-1.702000020e+00, v36;
	_ =	sdelay $0x1  }
0x4a1: {  	v48 =	vpop (erf);
	v34 =	vmul.f32 v34, v36  }
0x4a2: {  	v35 =	vadd.f32 $1.000000000e+00, v48  }
0x4a3: {  	v34 =	vmul.f32 $1.442695020e+00, v34  }
0x4a4: {  	(erf) = vrcp.f32 v35  }
0x4a5: {  	(erf) = vpow2.f32 v34;
	_ =	sdelay $0x3  }
0x4a6: {  	v49 =	vld [tilespmem:$0x5E0];
	_ =	sdelay $0x3  }
0x4a7: {  	v34 =	vpop (erf)  }
0x4a8: {  	v35 =	vsub.f32 $0.0e+00, v49;
	v50 =	vpop (erf)  }
0x4a9: {  	v36 =	vadd.f32 $1.000000000e+00, v50  }
0x4aa: {  	v35 =	vmul.f32 $1.442695020e+00, v35  }
0x4ab: {  	(erf) = vrcp.f32 v36  }
0x4ac: {  	(erf) = vpow2.f32 v35;
	_ =	sdelay $0x3  }
0x4ad: {  	v51 =	vld [tilespmem:$0x9E0];
	_ =	sdelay $0x3  }
0x4ae: {  	v35 =	vpop (erf)  }
0x4af: {  	v36 =	vsub.f32 $0.0e+00, v51;
	v52 =	vpop (erf)  }
0x4b0: {  	v37 =	vadd.f32 $1.000000000e+00, v52  }
0x4b1: {  	v36 =	vmul.f32 $1.442695020e+00, v36  }
0x4b2: {  	(erf) = vrcp.f32 v37  }
0x4b3: {  	(erf) = vpow2.f32 v36;
	_ =	sdelay $0x3  }
0x4b4: {  	v53 =	vld [tilespmem:$0x7E0];
	_ =	sdelay $0x3  }
0x4b5: {  	v37 =	vpop (erf)  }
0x4b6: {  	v36 =	vsub.f32 $0.0e+00, v53;
	v38 =	vpop (erf)  }
0x4b7: {  	v38 =	vadd.f32 $1.000000000e+00, v38  }
0x4b8: {  	v36 =	vmul.f32 $1.442695020e+00, v36  }
0x4b9: {  	(erf) = vrcp.f32 v38  }
0x4ba: {  	(erf) = vpow2.f32 v36;
	_ =	sdelay $0x7  }
0x4bb: {  	v55 =	vld [tilespmem:$0xBE0];
	v54 =	vpop (erf)  }
0x4bc: {  	v39 =	vpop (erf)  }
0x4bd: {  	v39 =	vadd.f32 $1.000000000e+00, v39;
	_ =	sdelay $0x1  }
0x4be: {  	(erf) = vrcp.f32 v39  }
0x4bf: {  	v38 =	vsub.f32 $0.0e+00, v55;
	_ =	sdelay $0x1  }
0x4c0: {  	v38 =	vmul.f32 $1.442695020e+00, v38;
	_ =	sdelay $0x1  }
0x4c1: {  	(erf) = vpow2.f32 v38;
	_ =	sdelay $0x1  }
0x4c2: {  	v37 =	vadd.f32 $-5.000000000e-01, v37  }
0x4c3: {  	v36 =	vadd.f32 $-5.000000000e-01, v54  }
0x4c4: {  	v37 =	vmul.f32 $8.000000000e+00, v37;
	v56 =	vpop (erf)  }
0x4c5: {  	v36 =	vmul.f32 $8.000000000e+00, v36;
	v38 =	vmul.f32 $3.000000000e+00, v56;
	_ =	sdelay $0x1  }
0x4c6: {  	v36 =	vsub.f32 v37, v36;
	v38 =	vmul.f32 $-1.702000020e+00, v38;
	_ =	sdelay $0x1  }
0x4c7: {  	v57 =	vpop (erf);
	v36 =	vmul.f32 v36, v38  }
0x4c8: {  	v37 =	vadd.f32 $1.000000000e+00, v57  }
0x4c9: {  	v36 =	vmul.f32 $1.442695020e+00, v36  }
0x4ca: {  	(erf) = vrcp.f32 v37  }
0x4cb: {  	(erf) = vpow2.f32 v36;
	_ =	sdelay $0x3  }
0x4cc: {  	v58 =	vld [tilespmem:$0x5F0];
	_ =	sdelay $0x3  }
0x4cd: {  	v37 =	vpop (erf)  }
0x4ce: {  	v36 =	vsub.f32 $0.0e+00, v58;
	v59 =	vpop (erf)  }
0x4cf: {  	v38 =	vadd.f32 $1.000000000e+00, v59  }
0x4d0: {  	v36 =	vmul.f32 $1.442695020e+00, v36  }
0x4d1: {  	(erf) = vrcp.f32 v38  }
0x4d2: {  	(erf) = vpow2.f32 v36;
	_ =	sdelay $0x3  }
0x4d3: {  	v60 =	vld [tilespmem:$0x9F0];
	_ =	sdelay $0x3  }
0x4d4: {  	v38 =	vpop (erf)  }
0x4d5: {  	v36 =	vsub.f32 $0.0e+00, v60;
	v61 =	vpop (erf)  }
0x4d6: {  	v39 =	vadd.f32 $1.000000000e+00, v61  }
0x4d7: {  	v36 =	vmul.f32 $1.442695020e+00, v36  }
0x4d8: {  	(erf) = vrcp.f32 v39  }
0x4d9: {  	(erf) = vpow2.f32 v36;
	_ =	sdelay $0x3  }
0x4da: {  	v62 =	vld [tilespmem:$0x7F0];
	_ =	sdelay $0x3  }
0x4db: {  	v39 =	vpop (erf)  }
0x4dc: {  	v36 =	vsub.f32 $0.0e+00, v62;
	v40 =	vpop (erf)  }
0x4dd: {  	v40 =	vadd.f32 $1.000000000e+00, v40  }
0x4de: {  	v36 =	vmul.f32 $1.442695020e+00, v36  }
0x4df: {  	(erf) = vrcp.f32 v40  }
0x4e0: {  	(erf) = vpow2.f32 v36;
	_ =	sdelay $0x7  }
0x4e1: {  	v44 =	vld [tilespmem:$0xBF0];
	v63 =	vpop (erf)  }
0x4e2: {  	v41 =	vpop (erf)  }
0x4e3: {  	v41 =	vadd.f32 $1.000000000e+00, v41;
	_ =	sdelay $0x1  }
0x4e4: {  	(erf) = vrcp.f32 v41  }
0x4e5: {  	v40 =	vsub.f32 $0.0e+00, v44;
	_ =	sdelay $0x1  }
0x4e6: {  	v40 =	vmul.f32 $1.442695020e+00, v40;
	_ =	sdelay $0x1  }
0x4e7: {  	(erf) = vpow2.f32 v40;
	_ =	sdelay $0x1  }
0x4e8: {  	v39 =	vadd.f32 $-5.000000000e-01, v39  }
0x4e9: {  	v36 =	vadd.f32 $-5.000000000e-01, v63  }
0x4ea: {  	v39 =	vmul.f32 $8.000000000e+00, v39;
	v45 =	vpop (erf)  }
0x4eb: {  	v36 =	vmul.f32 $8.000000000e+00, v36;
	v40 =	vmul.f32 $3.000000000e+00, v45;
	_ =	sdelay $0x1  }
0x4ec: {  	v36 =	vsub.f32 v39, v36;
	v46 =	vmul.f32 $-1.702000020e+00, v40;
	_ =	sdelay $0x1  }
0x4ed: {  	v47 =	vpop (erf);
	v36 =	vmul.f32 v36, v46  }
0x4ee: {  	v48 =	vsub.f32 $1.000000000e+00, v0;
	v39 =	vadd.f32 $1.000000000e+00, v47  }
0x4ef: {  	v36 =	vmul.f32 $1.442695020e+00, v36  }
0x4f0: {  	v1 =	vmul.f32 v1, v48;
	(erf) = vrcp.f32 v39  }
0x4f1: {  	v49 =	vsub.f32 $1.000000000e+00, v2;
	v50 =	vsub.f32 $1.000000000e+00, v4;
	(erf) = vpow2.f32 v36  }
0x4f2: {  	v0 =	vadd.f32 v1, v0;
	v54 =	vsub.f32 $1.000000000e+00, v10  }
0x4f3: {  	v51 =	vmul.f32 v3, v49;
	v5 =	vmul.f32 v5, v50;
	v50 =	vsub.f32 $1.000000000e+00, v34  }
0x4f4: {  	v52 =	vsub.f32 $1.000000000e+00, v6;
	v58 =	vmul.f32 v11, v54;
	v11 =	vsub.f32 $1.000000000e+00, v18  }
0x4f5: {  	v53 =	vsub.f32 $1.000000000e+00, v8;
	v56 =	vsub.f32 $1.000000000e+00, v12  }
0x4f6: {  	[tilespmem:$0xCC0] =	vst v0;
	v1 =	vadd.f32 v51, v2;
	v55 =	vmul.f32 v7, v52;
	v0 =	vmul.f32 v19, v11  }
0x4f7: {  	v57 =	vmul.f32 v9, v53;
	v9 =	vsub.f32 $1.000000000e+00, v16;
	v60 =	vmul.f32 v13, v56  }
0x4f8: {  	v4 =	vadd.f32 v5, v4;
	v0 =	vadd.f32 v0, v18  }
0x4f9: {  	[tilespmem:$0xCD0] =	vst v1;
	v59 =	vadd.f32 v55, v6;
	v13 =	vmul.f32 v17, v9;
	v2 =	vadd.f32 v60, v12;
	v6 =	vpop (erf)  }
0x4fa: {  	[tilespmem:$0xCE0] =	vst v4;
	v55 =	vmul.f32 v35, v50;
	v61 =	vsub.f32 $1.000000000e+00, v14;
	v63 =	vadd.f32 v58, v10;
	v10 =	vpop (erf)  }
0x4fb: {  	[tilespmem:$0xD50] =	vst v0;
	v17 =	vadd.f32 v13, v16;
	v7 =	vadd.f32 $1.000000000e+00, v10  }
0x4fc: {  	[tilespmem:$0xCF0] =	vst v59;
	v60 =	vadd.f32 v55, v34;
	v3 =	vmul.f32 v15, v61;
	v15 =	vsub.f32 $1.000000000e+00, v22  }
0x4fd: {  	[tilespmem:$0xD20] =	vst v2;
	v62 =	vadd.f32 v57, v8;
	v44 =	vsub.f32 $1.000000000e+00, v30;
	(erf) = vrcp.f32 v7  }
0x4fe: {  	[tilespmem:$0xD40] =	vst v17;
	v12 =	vadd.f32 v3, v14;
	v14 =	vsub.f32 $1.000000000e+00, v20;
	v23 =	vmul.f32 v23, v15  }
0x4ff: {  	v53 =	vsub.f32 $1.000000000e+00, v37;
	[tilespmem:$0xDD0] =	vst v60;
	v49 =	vmul.f32 v31, v44  }
0x500: {  	[tilespmem:$0xD00] =	vst v62;
	v19 =	vmul.f32 v21, v14;
	v42 =	vadd.f32 v23, v22  }
0x501: {  	v21 =	vsub.f32 $1.000000000e+00, v24;
	[tilespmem:$0xD30] =	vst v12;
	v54 =	vadd.f32 v49, v30;
	v58 =	vmul.f32 v38, v53  }
0x502: {  	[tilespmem:$0xD70] =	vst v42;
	v47 =	vsub.f32 $1.000000000e+00, v32  }
0x503: {  	[tilespmem:$0xDB0] =	vst v54;
	v62 =	vadd.f32 v58, v37;
	v41 =	vsub.f32 $1.000000000e+00, v28;
	v40 =	vmul.f32 v25, v21  }
0x504: {  	[tilespmem:$0xD10] =	vst v63;
	v39 =	vadd.f32 v19, v20;
	v52 =	vmul.f32 v33, v47;
	v36 =	vsub.f32 $1.000000000e+00, v26  }
0x505: {  	[tilespmem:$0xDE0] =	vst v62;
	v45 =	vadd.f32 v40, v24;
	v46 =	vmul.f32 v29, v41;
	v56 =	vsub.f32 $1.000000000e+00, v6  }
0x506: {  	[tilespmem:$0xD60] =	vst v39;
	v57 =	vadd.f32 v52, v32;
	v43 =	vmul.f32 v27, v36;
	v59 =	vpop (erf)  }
0x507: {  	[tilespmem:$0xD80] =	vst v45;
	v51 =	vadd.f32 v46, v28;
	v61 =	vmul.f32 v59, v56  }
0x508: {  	[tilespmem:$0xDC0] =	vst v57;
	v48 =	vadd.f32 v43, v26  }
0x509: {  	[tilespmem:$0xDA0] =	vst v51;
	v63 =	vadd.f32 v61, v6  }
0x50a: {  	p0 =	sne.s32 s10, $0x1;
	[tilespmem:$0xD90] =	vst v48  }
.Ltmp0:
0x50b: {  	[tilespmem:$0xDF0] =	vst v63;
	(pc) =	sbr.rel @p0 .LBB2_1-.Ltmp0, $4  }
0x50c: {  	[hbm4b:s9+s2] =	stream.linear.scatter [tilespmem:s18], [sflag:$0x2], $0x200, $0x38;
	[tilespmem:$0xE00] =	vst v63  }
0x50d: {  	_ =	swait.ge [sflag:s11], $0x200  }
0x50e: {  	[sflag:s11] =	ssyncset.done $0x0  }
0x50f: {  	s10 =	sadd.s32 $0xFFFFFFFF, s10;
	[sflag:s11] =	ssyncadd.s32 $0xFFFFFE00  }
0x510: {  	_ =	sfence.sel $0x180000  }
0x511: {  	[bflag:$0x0] =	sbarrier.arrive $0xFFFF  }
0x512: {  	p0 =	sne.s32 s3, $0x0;
	_ =	strace $0x90000047  }
0x513: {  	s0 =	sadd.s32 @!p0 $0x100000, s0;
	[bflag:$0x2] =	sbarrier.arrive $0xFFFF  }
0x514: {  	[sflag:s0] =	ssyncadd.tile.s32 @!p0 $0x1;
	_ =	shalt  }
.Lfunc_end2:
_tile_overlayer_lowered:
.L_overlay_start_2:
0x515: {  	(tag) =	ssettag $0x2  }
0x516: {  	s0 =	rddreg [dreg:$0x0];
	s2 =	stileid.u32  }
0x517: {  	s1 =	rddreg [dreg:$0x1];
	p0 =	sne.s32 s2, $0x0  }
0x518: {  	s3 =	rddreg [dreg:$0x2];
	[bflag:$0x3] =	sbarrier.arrive $0xFFFF;
	s2 =	simm.s32 @!p0 $0x1C02  }
0x519: {  	[timem:s3], [sflag:s2] =	dma.local @!p0 [hbm:s0], s1  }
0x51a: {  	s0 =	simm.s32 @!p0 $0x2  }
0x51b: {  	_ =	swait.ge @!p0 [sflag:s0], s1  }
0x51c: {  	s1 =	ssub.s32 @!p0 $0x0, s1;
	[sflag:s0] =	ssyncset.done @!p0 $0x0  }
0x51d: {  	[sflag:s0] =	ssyncadd.s32 @!p0 s1  }
0x51e: {  	[bflag:$0x3] =	sbarrier.arrive $0xFFFF  }
0x51f: {  	_ =	shalt  }

</sc_bundles>
